<compile_context>
chip_gen: v7x
topology: tpu7x:2x2x1
jax: 0.10.2.dev20260603
libtpu: 0.0.44.dev20260713+nightly
codegen_flags: <defaults>
</compile_context>

<pallas_src>
import functools

import numpy as np
import jax
import jax.numpy as jnp
from jax import lax
from jax.experimental import pallas as pl
from jax.experimental.pallas import tpu as pltpu, tpu_sc as plsc

_NUM_SEGMENTS = 4096


@functools.lru_cache(maxsize=None)
def _segment_reps(n: int):
    if n <= _NUM_SEGMENTS:
        return np.linspace(0, n - 1, _NUM_SEGMENTS, dtype=int).astype(np.int32)
    idx = np.linspace(0, n - 1, n, dtype=int)
    chunks = np.array_split(idx, _NUM_SEGMENTS)
    rng = np.random.default_rng(0)
    return np.array([rng.choice(c, 1) for c in chunks]).squeeze().astype(np.int32)


@functools.lru_cache(maxsize=None)
def _make_sc_gather(D: int, V: int, n_blocks: int, W: int):
    info = plsc.get_sparse_core_info()
    nw = info.num_cores * info.num_subcores
    wpb = 2
    rpw = D // wpb
    jobs = n_blocks * wpb // nw
    B = n_blocks * 128
    lo_max = ((V + 127) & ~127) - W
    mesh = plsc.VectorSubcoreMesh(core_axis_name="c", subcore_axis_name="s")

    @functools.partial(
        pl.kernel,
        mesh=mesh,
        out_type=jax.ShapeDtypeStruct((D, B), jnp.float32),
        scratch_types=[
            pltpu.VMEM((128,), jnp.int32),
            pltpu.VMEM((rpw, W), jnp.float32),
            pltpu.VMEM((rpw, 128), jnp.float32),
            pltpu.SemaphoreType.DMA,
        ],
        compiler_params=pltpu.CompilerParams(needs_layout_passes=False),
    )
    def gather_kernel(xt_hbm, idx_hbm, out_hbm, idx_v, slab_v, out_v, sem):
        wid = lax.axis_index("s") * info.num_cores + lax.axis_index("c")
        q = wid % wpb
        bw = wid // wpb

        def job(k, carry):
            b = bw * jobs + k
            pltpu.sync_copy(idx_hbm.at[pl.ds(b * 128, 128)], idx_v)
            head = idx_v[pl.ds(0, 16)]
            lo = pl.multiple_of(lax.min(head[0] & ~127, lo_max), 128)
            pltpu.async_copy(
                xt_hbm.at[pl.ds(q * rpw, rpw), pl.ds(lo, W)], slab_v, sem
            ).wait()
            for blk in range(8):
                off = idx_v[pl.ds(blk * 16, 16)] - lo
                for j in range(rpw):
                    row = jnp.full((16,), j, jnp.int32)
                    val = plsc.load_gather(slab_v, [row, off])
                    out_v[j, pl.ds(blk * 16, 16)] = val
            pltpu.sync_copy(
                out_v, out_hbm.at[pl.ds(q * rpw, rpw), pl.ds(b * 128, 128)])
            return carry

        lax.fori_loop(0, jobs, job, 0)

    return gather_kernel


def kernel(x):
    n, d = x.shape
    ch = _segment_reps(n)
    span = int(np.max(ch[127:] - ch[: len(ch) - 127])) + 1
    w = (span + 127 + 127) & ~127
    out_t = _make_sc_gather(d, n, _NUM_SEGMENTS // 128, w)(x.T, jnp.asarray(ch))
    return out_t.T

# --- scband reference (transcript-rebuilt; emitter-appended) ---
"""Pipeline reference for scband-cpuselect-segments-1400159338865 (READ-ONLY COPY).

The authoritative reference and input builder live on the scoring server;
editing this copy changes nothing except your own understanding.
"""

import jax, jax.numpy as jnp
import numpy as np

NUM_SEGMENTS = 4096

def _choices(n):
    # Faithful translation of CPUSelectSegments index construction.
    if n <= NUM_SEGMENTS:
        return np.linspace(0, n - 1, NUM_SEGMENTS, dtype=int)
    idx = np.linspace(0, n - 1, n, dtype=int)
    chunks = np.array_split(idx, NUM_SEGMENTS)
    rng = np.random.default_rng(0)  # deterministic stand-in for np.random.choice
    return np.array([rng.choice(c, 1) for c in chunks]).squeeze()

def setup_inputs(seed: int = 0) -> dict:
    key = jax.random.key(seed)
    x = jax.random.normal(key, (100000, 64), dtype=jnp.float32)
    return {"x": x}

def reference(x):
    ch = jnp.asarray(_choices(x.shape[0]), dtype=jnp.int32)
    return jnp.take(x, ch, axis=0)

if __name__ == "__main__":
    import jax
    _d = setup_inputs()
    print(jax.jit(kernel)(*tuple(_d.values())))

</pallas_src>

<mosaic_0001>
#map = affine_map<(d0, d1) -> (0, 0)>
#map1 = affine_map<(d0, d1) -> (0)>
module attributes {stable_mosaic.version = 14 : i64} {
  func.func @gather_kernel(%arg0: i32, %arg1: i32, %arg2: memref<64x100000xf32, #tpu.memory_space<hbm>>, %arg3: memref<4096xi32, #tpu.memory_space<hbm>>, %arg4: memref<64x4096xf32, #tpu.memory_space<hbm>>, %arg5: memref<128xi32, #tpu.memory_space<vmem>>, %arg6: memref<32x3328xf32, #tpu.memory_space<vmem>>, %arg7: memref<32x128xf32, #tpu.memory_space<vmem>>, %arg8: memref<!tpu.dma_semaphore, #tpu.memory_space<semaphore_mem>>) attributes {dimension_semantics = [#tpu.dimension_semantics<core_parallel>, #tpu.dimension_semantics<subcore_parallel>], iteration_bounds = array<i64: 2, 16>, scalar_prefetch = 0 : i64, scratch_operands = 4 : i64, tpu.core_type = #tpu.core_type<sc_vector_subcore>, window_params = [{transform_indices = #map}, {transform_indices = #map1}, {transform_indices = #map}]} {
    %mul3A = arith.constant 2 : i32
    %mul3A_0 = arith.muli %arg1, %mul3A : i32
    %add3A = arith.addi %mul3A_0, %arg0 : i32
    %jit3A = arith.constant 2 : i32
    %eq3A = arith.constant 0 : i32
    %eq3A_1 = arith.cmpi eq, %jit3A, %eq3A : i32
    %jit3A_2 = arith.constant 1 : i32
    %select_n3A = arith.select %eq3A_1, %jit3A_2, %jit3A : i32
    %rem3A = arith.remsi %add3A, %select_n3A : i32
    %ne3A = arith.constant 0 : i32
    %ne3A_3 = arith.cmpi ne, %rem3A, %ne3A : i32
    %lt3A = arith.constant 0 : i32
    %lt3A_4 = arith.cmpi slt, %rem3A, %lt3A : i32
    %lt3A_5 = arith.constant 0 : i32
    %lt3A_6 = arith.cmpi slt, %select_n3A, %lt3A_5 : i32
    %ne3A_7 = arith.xori %lt3A_4, %lt3A_6 : i1
    %and3A = arith.andi %ne3A_7, %ne3A_3 : i1
    %add3A_8 = arith.addi %rem3A, %select_n3A : i32
    %select_n3A_9 = arith.select %and3A, %add3A_8, %rem3A : i32
    %jit3A_10 = arith.constant 2 : i32
    %div3A = arith.divsi %add3A, %jit3A_10 : i32
    %sign3A = arith.constant 0 : i32
    %sign3A_11 = arith.cmpi sgt, %add3A, %sign3A : i32
    %sign3A_12 = arith.extui %sign3A_11 : i1 to i32
    %sign3A_13 = arith.constant 0 : i32
    %sign3A_14 = arith.cmpi slt, %add3A, %sign3A_13 : i32
    %sign3A_15 = arith.extui %sign3A_14 : i1 to i32
    %sign3A_16 = arith.subi %sign3A_12, %sign3A_15 : i32
    %sign3A_17 = arith.constant 0 : i32
    %sign3A_18 = arith.cmpi sgt, %jit3A_10, %sign3A_17 : i32
    %sign3A_19 = arith.extui %sign3A_18 : i1 to i32
    %sign3A_20 = arith.constant 0 : i32
    %sign3A_21 = arith.cmpi slt, %jit3A_10, %sign3A_20 : i32
    %sign3A_22 = arith.extui %sign3A_21 : i1 to i32
    %sign3A_23 = arith.subi %sign3A_19, %sign3A_22 : i32
    %ne3A_24 = arith.cmpi ne, %sign3A_16, %sign3A_23 : i32
    %rem3A_25 = arith.remsi %add3A, %jit3A_10 : i32
    %ne3A_26 = arith.constant 0 : i32
    %ne3A_27 = arith.cmpi ne, %rem3A_25, %ne3A_26 : i32
    %and3A_28 = arith.andi %ne3A_24, %ne3A_27 : i1
    %sub3A = arith.constant 1 : i32
    %sub3A_29 = arith.subi %div3A, %sub3A : i32
    %select_n3A_30 = arith.select %and3A_28, %sub3A_29, %div3A : i32
    %scan3A = arith.constant 0 : i32
    %scan3A_31 = arith.constant 0 : i32
    %scan3A_32 = arith.constant 2 : i32
    %scan3A_33 = arith.addi %scan3A_31, %scan3A_32 : i32
    %scan3A_34 = arith.constant 1 : i32
    scf.for %scan3A_36 = %scan3A_31 to %scan3A_33 step %scan3A_34  : i32 {
      %mul3A_37 = arith.constant 2 : i32
      %mul3A_38 = arith.muli %select_n3A_30, %mul3A_37 : i32
      %add3A_39 = arith.addi %mul3A_38, %scan3A_36 : i32
      %mul3A_40 = arith.constant 128 : i32
      %mul3A_41 = arith.muli %add3A_39, %mul3A_40 : i32
      "tpu.region"() ({
        %run_scoped3A = tpu.sem_alloc : memref<!tpu.dma_semaphore, #tpu.memory_space<semaphore_mem>>
        %dma_start3A_1875 = tpu.memref_slice %arg3[%mul3A_41] : memref<4096xi32, #tpu.memory_space<hbm>> -> memref<128xi32, #tpu.memory_space<hbm>>
        %dma_start3A_1876 = tpu.memref_slice %arg3[%mul3A_41] : memref<4096xi32, #tpu.memory_space<hbm>> -> memref<128xi32, #tpu.memory_space<hbm>>
        tpu.enqueue_dma source(%dma_start3A_1876 : memref<128xi32, #tpu.memory_space<hbm>>) target(%arg5 : memref<128xi32, #tpu.memory_space<vmem>>) target_semaphore(%run_scoped3A : memref<!tpu.dma_semaphore, #tpu.memory_space<semaphore_mem>>)
        %dma_wait3A_1877 = tpu.memref_slice %arg3[%mul3A_41] : memref<4096xi32, #tpu.memory_space<hbm>> -> memref<128xi32, #tpu.memory_space<hbm>>
        %dma_wait3A_1878 = tpu.memref_slice %arg3[%mul3A_41] : memref<4096xi32, #tpu.memory_space<hbm>> -> memref<128xi32, #tpu.memory_space<hbm>>
        tpu.wait_dma2 semaphore(%run_scoped3A : memref<!tpu.dma_semaphore, #tpu.memory_space<semaphore_mem>>) src(%dma_wait3A_1878 : memref<128xi32, #tpu.memory_space<hbm>>) dst(%arg5 : memref<128xi32, #tpu.memory_space<vmem>>)
        tpu.yield
      }) : () -> ()
      %get3A = arith.constant 0 : index
      %get3A_42 = tpu.vector_load %arg5[%get3A] {strides = array<i32>} : memref<128xi32, #tpu.memory_space<vmem>>, vector<16xi32>,
      %slice3A = vector.extract_strided_slice %get3A_42 {offsets = [0], sizes = [1], strides = [1]} : vector<16xi32> to vector<1xi32>
      %squeeze3A = vector.extract %slice3A[0] : i32 from vector<1xi32>
      %and3A_43 = arith.constant -128 : i32
      %and3A_44 = arith.andi %squeeze3A, %and3A_43 : i32
      %min3A = arith.constant 96768 : i32
      %min3A_45 = arith.minsi %and3A_44, %min3A : i32
      %multiple_of3A = tpu.assume_multiple %min3A_45, 128 : i32
      %mul3A_46 = arith.constant 32 : i32
      %mul3A_47 = arith.muli %select_n3A_9, %mul3A_46 : i32
      %dma_start3A = tpu.memref_slice %arg2[%mul3A_47, %multiple_of3A] : memref<64x100000xf32, #tpu.memory_space<hbm>> -> memref<32x3328xf32, #tpu.memory_space<hbm>>
      %dma_start3A_48 = tpu.memref_slice %arg2[%mul3A_47, %multiple_of3A] : memref<64x100000xf32, #tpu.memory_space<hbm>> -> memref<32x3328xf32, #tpu.memory_space<hbm>>
      tpu.enqueue_dma source(%dma_start3A_48 : memref<32x3328xf32, #tpu.memory_space<hbm>>) target(%arg6 : memref<32x3328xf32, #tpu.memory_space<vmem>>) target_semaphore(%arg8 : memref<!tpu.dma_semaphore, #tpu.memory_space<semaphore_mem>>)
      %dma_wait3A = tpu.memref_slice %arg2[%mul3A_47, %multiple_of3A] : memref<64x100000xf32, #tpu.memory_space<hbm>> -> memref<32x3328xf32, #tpu.memory_space<hbm>>
      %dma_wait3A_49 = tpu.memref_slice %arg2[%mul3A_47, %multiple_of3A] : memref<64x100000xf32, #tpu.memory_space<hbm>> -> memref<32x3328xf32, #tpu.memory_space<hbm>>
      tpu.wait_dma2 semaphore(%arg8 : memref<!tpu.dma_semaphore, #tpu.memory_space<semaphore_mem>>) src(%dma_wait3A_49 : memref<32x3328xf32, #tpu.memory_space<hbm>>) dst(%arg6 : memref<32x3328xf32, #tpu.memory_space<vmem>>)
      %get3A_50 = arith.constant 0 : index
      %get3A_51 = tpu.vector_load %arg5[%get3A_50] {strides = array<i32>} : memref<128xi32, #tpu.memory_space<vmem>>, vector<16xi32>,
      %sub3A_52 = vector.broadcast %multiple_of3A : i32 to vector<16xi32>
      %sub3A_53 = arith.subi %get3A_51, %sub3A_52 : vector<16xi32>
      %broadcast_in_dim3A = arith.constant 0 : i32
      %broadcast_in_dim3A_54 = vector.broadcast %broadcast_in_dim3A : i32 to vector<16xi32>
      %gather3A = tpu.vector_load_idx %arg6[%broadcast_in_dim3A_54, %sub3A_53] : memref<32x3328xf32, #tpu.memory_space<vmem>>[vector<16xi32>, vector<16xi32>], vector<16xf32>,
      %swap3A = arith.constant 0 : i32
      %swap3A_55 = arith.index_cast %swap3A : i32 to index
      %swap3A_56 = arith.constant 0 : index
      %swap3A_57 = tpu.vector_load %arg7[%swap3A_55, %swap3A_56] {strides = array<i32>} : memref<32x128xf32, #tpu.memory_space<vmem>>, vector<16xf32>,
      tpu.vector_store %arg7[%swap3A_55, %swap3A_56], %gather3A {strides = array<i32>} : memref<32x128xf32, #tpu.memory_space<vmem>>, vector<16xf32>,
      %broadcast_in_dim3A_58 = arith.constant 1 : i32
      %broadcast_in_dim3A_59 = vector.broadcast %broadcast_in_dim3A_58 : i32 to vector<16xi32>
      %gather3A_60 = tpu.vector_load_idx %arg6[%broadcast_in_dim3A_59, %sub3A_53] : memref<32x3328xf32, #tpu.memory_space<vmem>>[vector<16xi32>, vector<16xi32>], vector<16xf32>,
      %swap3A_61 = arith.constant 1 : i32
      %swap3A_62 = arith.index_cast %swap3A_61 : i32 to index
      %swap3A_63 = arith.constant 0 : index
      %swap3A_64 = tpu.vector_load %arg7[%swap3A_62, %swap3A_63] {strides = array<i32>} : memref<32x128xf32, #tpu.memory_space<vmem>>, vector<16xf32>,
      tpu.vector_store %arg7[%swap3A_62, %swap3A_63], %gather3A_60 {strides = array<i32>} : memref<32x128xf32, #tpu.memory_space<vmem>>, vector<16xf32>,
      %broadcast_in_dim3A_65 = arith.constant 2 : i32
      %broadcast_in_dim3A_66 = vector.broadcast %broadcast_in_dim3A_65 : i32 to vector<16xi32>
      %gather3A_67 = tpu.vector_load_idx %arg6[%broadcast_in_dim3A_66, %sub3A_53] : memref<32x3328xf32, #tpu.memory_space<vmem>>[vector<16xi32>, vector<16xi32>], vector<16xf32>,
      %swap3A_68 = arith.constant 2 : i32
      %swap3A_69 = arith.index_cast %swap3A_68 : i32 to index
      %swap3A_70 = arith.constant 0 : index
      %swap3A_71 = tpu.vector_load %arg7[%swap3A_69, %swap3A_70] {strides = array<i32>} : memref<32x128xf32, #tpu.memory_space<vmem>>, vector<16xf32>,
      tpu.vector_store %arg7[%swap3A_69, %swap3A_70], %gather3A_67 {strides = array<i32>} : memref<32x128xf32, #tpu.memory_space<vmem>>, vector<16xf32>,
      %broadcast_in_dim3A_72 = arith.constant 3 : i32
      %broadcast_in_dim3A_73 = vector.broadcast %broadcast_in_dim3A_72 : i32 to vector<16xi32>
      %gather3A_74 = tpu.vector_load_idx %arg6[%broadcast_in_dim3A_73, %sub3A_53] : memref<32x3328xf32, #tpu.memory_space<vmem>>[vector<16xi32>, vector<16xi32>], vector<16xf32>,
      %swap3A_75 = arith.constant 3 : i32
      %swap3A_76 = arith.index_cast %swap3A_75 : i32 to index
      %swap3A_77 = arith.constant 0 : index
      %swap3A_78 = tpu.vector_load %arg7[%swap3A_76, %swap3A_77] {strides = array<i32>} : memref<32x128xf32, #tpu.memory_space<vmem>>, vector<16xf32>,
      tpu.vector_store %arg7[%swap3A_76, %swap3A_77], %gather3A_74 {strides = array<i32>} : memref<32x128xf32, #tpu.memory_space<vmem>>, vector<16xf32>,
      %broadcast_in_dim3A_79 = arith.constant 4 : i32
      %broadcast_in_dim3A_80 = vector.broadcast %broadcast_in_dim3A_79 : i32 to vector<16xi32>
      %gather3A_81 = tpu.vector_load_idx %arg6[%broadcast_in_dim3A_80, %sub3A_53] : memref<32x3328xf32, #tpu.memory_space<vmem>>[vector<16xi32>, vector<16xi32>], vector<16xf32>,
      %swap3A_82 = arith.constant 4 : i32
      %swap3A_83 = arith.index_cast %swap3A_82 : i32 to index
      %swap3A_84 = arith.constant 0 : index
      %swap3A_85 = tpu.vector_load %arg7[%swap3A_83, %swap3A_84] {strides = array<i32>} : memref<32x128xf32, #tpu.memory_space<vmem>>, vector<16xf32>,
      tpu.vector_store %arg7[%swap3A_83, %swap3A_84], %gather3A_81 {strides = array<i32>} : memref<32x128xf32, #tpu.memory_space<vmem>>, vector<16xf32>,
      %broadcast_in_dim3A_86 = arith.constant 5 : i32
      %broadcast_in_dim3A_87 = vector.broadcast %broadcast_in_dim3A_86 : i32 to vector<16xi32>
      %gather3A_88 = tpu.vector_load_idx %arg6[%broadcast_in_dim3A_87, %sub3A_53] : memref<32x3328xf32, #tpu.memory_space<vmem>>[vector<16xi32>, vector<16xi32>], vector<16xf32>,
      %swap3A_89 = arith.constant 5 : i32
      %swap3A_90 = arith.index_cast %swap3A_89 : i32 to index
      %swap3A_91 = arith.constant 0 : index
      %swap3A_92 = tpu.vector_load %arg7[%swap3A_90, %swap3A_91] {strides = array<i32>} : memref<32x128xf32, #tpu.memory_space<vmem>>, vector<16xf32>,
      tpu.vector_store %arg7[%swap3A_90, %swap3A_91], %gather3A_88 {strides = array<i32>} : memref<32x128xf32, #tpu.memory_space<vmem>>, vector<16xf32>,
      %broadcast_in_dim3A_93 = arith.constant 6 : i32
      %broadcast_in_dim3A_94 = vector.broadcast %broadcast_in_dim3A_93 : i32 to vector<16xi32>
      %gather3A_95 = tpu.vector_load_idx %arg6[%broadcast_in_dim3A_94, %sub3A_53] : memref<32x3328xf32, #tpu.memory_space<vmem>>[vector<16xi32>, vector<16xi32>], vector<16xf32>,
      %swap3A_96 = arith.constant 6 : i32
      %swap3A_97 = arith.index_cast %swap3A_96 : i32 to index
      %swap3A_98 = arith.constant 0 : index
      %swap3A_99 = tpu.vector_load %arg7[%swap3A_97, %swap3A_98] {strides = array<i32>} : memref<32x128xf32, #tpu.memory_space<vmem>>, vector<16xf32>,
      tpu.vector_store %arg7[%swap3A_97, %swap3A_98], %gather3A_95 {strides = array<i32>} : memref<32x128xf32, #tpu.memory_space<vmem>>, vector<16xf32>,
      %broadcast_in_dim3A_100 = arith.constant 7 : i32
      %broadcast_in_dim3A_101 = vector.broadcast %broadcast_in_dim3A_100 : i32 to vector<16xi32>
      %gather3A_102 = tpu.vector_load_idx %arg6[%broadcast_in_dim3A_101, %sub3A_53] : memref<32x3328xf32, #tpu.memory_space<vmem>>[vector<16xi32>, vector<16xi32>], vector<16xf32>,
      %swap3A_103 = arith.constant 7 : i32
      %swap3A_104 = arith.index_cast %swap3A_103 : i32 to index
      %swap3A_105 = arith.constant 0 : index
      %swap3A_106 = tpu.vector_load %arg7[%swap3A_104, %swap3A_105] {strides = array<i32>} : memref<32x128xf32, #tpu.memory_space<vmem>>, vector<16xf32>,
      tpu.vector_store %arg7[%swap3A_104, %swap3A_105], %gather3A_102 {strides = array<i32>} : memref<32x128xf32, #tpu.memory_space<vmem>>, vector<16xf32>,
      %broadcast_in_dim3A_107 = arith.constant 8 : i32
      %broadcast_in_dim3A_108 = vector.broadcast %broadcast_in_dim3A_107 : i32 to vector<16xi32>
      %gather3A_109 = tpu.vector_load_idx %arg6[%broadcast_in_dim3A_108, %sub3A_53] : memref<32x3328xf32, #tpu.memory_space<vmem>>[vector<16xi32>, vector<16xi32>], vector<16xf32>,
      %swap3A_110 = arith.constant 8 : i32
      %swap3A_111 = arith.index_cast %swap3A_110 : i32 to index
      %swap3A_112 = arith.constant 0 : index
      %swap3A_113 = tpu.vector_load %arg7[%swap3A_111, %swap3A_112] {strides = array<i32>} : memref<32x128xf32, #tpu.memory_space<vmem>>, vector<16xf32>,
      tpu.vector_store %arg7[%swap3A_111, %swap3A_112], %gather3A_109 {strides = array<i32>} : memref<32x128xf32, #tpu.memory_space<vmem>>, vector<16xf32>,
      %broadcast_in_dim3A_114 = arith.constant 9 : i32
      %broadcast_in_dim3A_115 = vector.broadcast %broadcast_in_dim3A_114 : i32 to vector<16xi32>
      %gather3A_116 = tpu.vector_load_idx %arg6[%broadcast_in_dim3A_115, %sub3A_53] : memref<32x3328xf32, #tpu.memory_space<vmem>>[vector<16xi32>, vector<16xi32>], vector<16xf32>,
      %swap3A_117 = arith.constant 9 : i32
      %swap3A_118 = arith.index_cast %swap3A_117 : i32 to index
      %swap3A_119 = arith.constant 0 : index
      %swap3A_120 = tpu.vector_load %arg7[%swap3A_118, %swap3A_119] {strides = array<i32>} : memref<32x128xf32, #tpu.memory_space<vmem>>, vector<16xf32>,
      tpu.vector_store %arg7[%swap3A_118, %swap3A_119], %gather3A_116 {strides = array<i32>} : memref<32x128xf32, #tpu.memory_space<vmem>>, vector<16xf32>,
      %broadcast_in_dim3A_121 = arith.constant 10 : i32
      %broadcast_in_dim3A_122 = vector.broadcast %broadcast_in_dim3A_121 : i32 to vector<16xi32>
      %gather3A_123 = tpu.vector_load_idx %arg6[%broadcast_in_dim3A_122, %sub3A_53] : memref<32x3328xf32, #tpu.memory_space<vmem>>[vector<16xi32>, vector<16xi32>], vector<16xf32>,
      %swap3A_124 = arith.constant 10 : i32
      %swap3A_125 = arith.index_cast %swap3A_124 : i32 to index
      %swap3A_126 = arith.constant 0 : index
      %swap3A_127 = tpu.vector_load %arg7[%swap3A_125, %swap3A_126] {strides = array<i32>} : memref<32x128xf32, #tpu.memory_space<vmem>>, vector<16xf32>,
      tpu.vector_store %arg7[%swap3A_125, %swap3A_126], %gather3A_123 {strides = array<i32>} : memref<32x128xf32, #tpu.memory_space<vmem>>, vector<16xf32>,
      %broadcast_in_dim3A_128 = arith.constant 11 : i32
      %broadcast_in_dim3A_129 = vector.broadcast %broadcast_in_dim3A_128 : i32 to vector<16xi32>
      %gather3A_130 = tpu.vector_load_idx %arg6[%broadcast_in_dim3A_129, %sub3A_53] : memref<32x3328xf32, #tpu.memory_space<vmem>>[vector<16xi32>, vector<16xi32>], vector<16xf32>,
      %swap3A_131 = arith.constant 11 : i32
      %swap3A_132 = arith.index_cast %swap3A_131 : i32 to index
      %swap3A_133 = arith.constant 0 : index
      %swap3A_134 = tpu.vector_load %arg7[%swap3A_132, %swap3A_133] {strides = array<i32>} : memref<32x128xf32, #tpu.memory_space<vmem>>, vector<16xf32>,
      tpu.vector_store %arg7[%swap3A_132, %swap3A_133], %gather3A_130 {strides = array<i32>} : memref<32x128xf32, #tpu.memory_space<vmem>>, vector<16xf32>,
      %broadcast_in_dim3A_135 = arith.constant 12 : i32
      %broadcast_in_dim3A_136 = vector.broadcast %broadcast_in_dim3A_135 : i32 to vector<16xi32>
      %gather3A_137 = tpu.vector_load_idx %arg6[%broadcast_in_dim3A_136, %sub3A_53] : memref<32x3328xf32, #tpu.memory_space<vmem>>[vector<16xi32>, vector<16xi32>], vector<16xf32>,
      %swap3A_138 = arith.constant 12 : i32
      %swap3A_139 = arith.index_cast %swap3A_138 : i32 to index
      %swap3A_140 = arith.constant 0 : index
      %swap3A_141 = tpu.vector_load %arg7[%swap3A_139, %swap3A_140] {strides = array<i32>} : memref<32x128xf32, #tpu.memory_space<vmem>>, vector<16xf32>,
      tpu.vector_store %arg7[%swap3A_139, %swap3A_140], %gather3A_137 {strides = array<i32>} : memref<32x128xf32, #tpu.memory_space<vmem>>, vector<16xf32>,
      %broadcast_in_dim3A_142 = arith.constant 13 : i32
      %broadcast_in_dim3A_143 = vector.broadcast %broadcast_in_dim3A_142 : i32 to vector<16xi32>
      %gather3A_144 = tpu.vector_load_idx %arg6[%broadcast_in_dim3A_143, %sub3A_53] : memref<32x3328xf32, #tpu.memory_space<vmem>>[vector<16xi32>, vector<16xi32>], vector<16xf32>,
      %swap3A_145 = arith.constant 13 : i32
      %swap3A_146 = arith.index_cast %swap3A_145 : i32 to index
      %swap3A_147 = arith.constant 0 : index
      %swap3A_148 = tpu.vector_load %arg7[%swap3A_146, %swap3A_147] {strides = array<i32>} : memref<32x128xf32, #tpu.memory_space<vmem>>, vector<16xf32>,
      tpu.vector_store %arg7[%swap3A_146, %swap3A_147], %gather3A_144 {strides = array<i32>} : memref<32x128xf32, #tpu.memory_space<vmem>>, vector<16xf32>,
      %broadcast_in_dim3A_149 = arith.constant 14 : i32
      %broadcast_in_dim3A_150 = vector.broadcast %broadcast_in_dim3A_149 : i32 to vector<16xi32>
      %gather3A_151 = tpu.vector_load_idx %arg6[%broadcast_in_dim3A_150, %sub3A_53] : memref<32x3328xf32, #tpu.memory_space<vmem>>[vector<16xi32>, vector<16xi32>], vector<16xf32>,
      %swap3A_152 = arith.constant 14 : i32
      %swap3A_153 = arith.index_cast %swap3A_152 : i32 to index
      %swap3A_154 = arith.constant 0 : index
      %swap3A_155 = tpu.vector_load %arg7[%swap3A_153, %swap3A_154] {strides = array<i32>} : memref<32x128xf32, #tpu.memory_space<vmem>>, vector<16xf32>,
      tpu.vector_store %arg7[%swap3A_153, %swap3A_154], %gather3A_151 {strides = array<i32>} : memref<32x128xf32, #tpu.memory_space<vmem>>, vector<16xf32>,
      %broadcast_in_dim3A_156 = arith.constant 15 : i32
      %broadcast_in_dim3A_157 = vector.broadcast %broadcast_in_dim3A_156 : i32 to vector<16xi32>
      %gather3A_158 = tpu.vector_load_idx %arg6[%broadcast_in_dim3A_157, %sub3A_53] : memref<32x3328xf32, #tpu.memory_space<vmem>>[vector<16xi32>, vector<16xi32>], vector<16xf32>,
      %swap3A_159 = arith.constant 15 : i32
      %swap3A_160 = arith.index_cast %swap3A_159 : i32 to index
      %swap3A_161 = arith.constant 0 : index
      %swap3A_162 = tpu.vector_load %arg7[%swap3A_160, %swap3A_161] {strides = array<i32>} : memref<32x128xf32, #tpu.memory_space<vmem>>, vector<16xf32>,
      tpu.vector_store %arg7[%swap3A_160, %swap3A_161], %gather3A_158 {strides = array<i32>} : memref<32x128xf32, #tpu.memory_space<vmem>>, vector<16xf32>,
      %broadcast_in_dim3A_163 = arith.constant 16 : i32
      %broadcast_in_dim3A_164 = vector.broadcast %broadcast_in_dim3A_163 : i32 to vector<16xi32>
      %gather3A_165 = tpu.vector_load_idx %arg6[%broadcast_in_dim3A_164, %sub3A_53] : memref<32x3328xf32, #tpu.memory_space<vmem>>[vector<16xi32>, vector<16xi32>], vector<16xf32>,
      %swap3A_166 = arith.constant 16 : i32
      %swap3A_167 = arith.index_cast %swap3A_166 : i32 to index
      %swap3A_168 = arith.constant 0 : index
      %swap3A_169 = tpu.vector_load %arg7[%swap3A_167, %swap3A_168] {strides = array<i32>} : memref<32x128xf32, #tpu.memory_space<vmem>>, vector<16xf32>,
      tpu.vector_store %arg7[%swap3A_167, %swap3A_168], %gather3A_165 {strides = array<i32>} : memref<32x128xf32, #tpu.memory_space<vmem>>, vector<16xf32>,
      %broadcast_in_dim3A_170 = arith.constant 17 : i32
      %broadcast_in_dim3A_171 = vector.broadcast %broadcast_in_dim3A_170 : i32 to vector<16xi32>
      %gather3A_172 = tpu.vector_load_idx %arg6[%broadcast_in_dim3A_171, %sub3A_53] : memref<32x3328xf32, #tpu.memory_space<vmem>>[vector<16xi32>, vector<16xi32>], vector<16xf32>,
      %swap3A_173 = arith.constant 17 : i32
      %swap3A_174 = arith.index_cast %swap3A_173 : i32 to index
      %swap3A_175 = arith.constant 0 : index
      %swap3A_176 = tpu.vector_load %arg7[%swap3A_174, %swap3A_175] {strides = array<i32>} : memref<32x128xf32, #tpu.memory_space<vmem>>, vector<16xf32>,
      tpu.vector_store %arg7[%swap3A_174, %swap3A_175], %gather3A_172 {strides = array<i32>} : memref<32x128xf32, #tpu.memory_space<vmem>>, vector<16xf32>,
      %broadcast_in_dim3A_177 = arith.constant 18 : i32
      %broadcast_in_dim3A_178 = vector.broadcast %broadcast_in_dim3A_177 : i32 to vector<16xi32>
      %gather3A_179 = tpu.vector_load_idx %arg6[%broadcast_in_dim3A_178, %sub3A_53] : memref<32x3328xf32, #tpu.memory_space<vmem>>[vector<16xi32>, vector<16xi32>], vector<16xf32>,
      %swap3A_180 = arith.constant 18 : i32
      %swap3A_181 = arith.index_cast %swap3A_180 : i32 to index
      %swap3A_182 = arith.constant 0 : index
      %swap3A_183 = tpu.vector_load %arg7[%swap3A_181, %swap3A_182] {strides = array<i32>} : memref<32x128xf32, #tpu.memory_space<vmem>>, vector<16xf32>,
      tpu.vector_store %arg7[%swap3A_181, %swap3A_182], %gather3A_179 {strides = array<i32>} : memref<32x128xf32, #tpu.memory_space<vmem>>, vector<16xf32>,
      %broadcast_in_dim3A_184 = arith.constant 19 : i32
      %broadcast_in_dim3A_185 = vector.broadcast %broadcast_in_dim3A_184 : i32 to vector<16xi32>
      %gather3A_186 = tpu.vector_load_idx %arg6[%broadcast_in_dim3A_185, %sub3A_53] : memref<32x3328xf32, #tpu.memory_space<vmem>>[vector<16xi32>, vector<16xi32>], vector<16xf32>,
      %swap3A_187 = arith.constant 19 : i32
      %swap3A_188 = arith.index_cast %swap3A_187 : i32 to index
      %swap3A_189 = arith.constant 0 : index
      %swap3A_190 = tpu.vector_load %arg7[%swap3A_188, %swap3A_189] {strides = array<i32>} : memref<32x128xf32, #tpu.memory_space<vmem>>, vector<16xf32>,
      tpu.vector_store %arg7[%swap3A_188, %swap3A_189], %gather3A_186 {strides = array<i32>} : memref<32x128xf32, #tpu.memory_space<vmem>>, vector<16xf32>,
      %broadcast_in_dim3A_191 = arith.constant 20 : i32
      %broadcast_in_dim3A_192 = vector.broadcast %broadcast_in_dim3A_191 : i32 to vector<16xi32>
      %gather3A_193 = tpu.vector_load_idx %arg6[%broadcast_in_dim3A_192, %sub3A_53] : memref<32x3328xf32, #tpu.memory_space<vmem>>[vector<16xi32>, vector<16xi32>], vector<16xf32>,
      %swap3A_194 = arith.constant 20 : i32
      %swap3A_195 = arith.index_cast %swap3A_194 : i32 to index
      %swap3A_196 = arith.constant 0 : index
      %swap3A_197 = tpu.vector_load %arg7[%swap3A_195, %swap3A_196] {strides = array<i32>} : memref<32x128xf32, #tpu.memory_space<vmem>>, vector<16xf32>,
      tpu.vector_store %arg7[%swap3A_195, %swap3A_196], %gather3A_193 {strides = array<i32>} : memref<32x128xf32, #tpu.memory_space<vmem>>, vector<16xf32>,
      %broadcast_in_dim3A_198 = arith.constant 21 : i32
      %broadcast_in_dim3A_199 = vector.broadcast %broadcast_in_dim3A_198 : i32 to vector<16xi32>
      %gather3A_200 = tpu.vector_load_idx %arg6[%broadcast_in_dim3A_199, %sub3A_53] : memref<32x3328xf32, #tpu.memory_space<vmem>>[vector<16xi32>, vector<16xi32>], vector<16xf32>,
      %swap3A_201 = arith.constant 21 : i32
      %swap3A_202 = arith.index_cast %swap3A_201 : i32 to index
      %swap3A_203 = arith.constant 0 : index
      %swap3A_204 = tpu.vector_load %arg7[%swap3A_202, %swap3A_203] {strides = array<i32>} : memref<32x128xf32, #tpu.memory_space<vmem>>, vector<16xf32>,
      tpu.vector_store %arg7[%swap3A_202, %swap3A_203], %gather3A_200 {strides = array<i32>} : memref<32x128xf32, #tpu.memory_space<vmem>>, vector<16xf32>,
      %broadcast_in_dim3A_205 = arith.constant 22 : i32
      %broadcast_in_dim3A_206 = vector.broadcast %broadcast_in_dim3A_205 : i32 to vector<16xi32>
      %gather3A_207 = tpu.vector_load_idx %arg6[%broadcast_in_dim3A_206, %sub3A_53] : memref<32x3328xf32, #tpu.memory_space<vmem>>[vector<16xi32>, vector<16xi32>], vector<16xf32>,
      %swap3A_208 = arith.constant 22 : i32
      %swap3A_209 = arith.index_cast %swap3A_208 : i32 to index
      %swap3A_210 = arith.constant 0 : index
      %swap3A_211 = tpu.vector_load %arg7[%swap3A_209, %swap3A_210] {strides = array<i32>} : memref<32x128xf32, #tpu.memory_space<vmem>>, vector<16xf32>,
      tpu.vector_store %arg7[%swap3A_209, %swap3A_210], %gather3A_207 {strides = array<i32>} : memref<32x128xf32, #tpu.memory_space<vmem>>, vector<16xf32>,
      %broadcast_in_dim3A_212 = arith.constant 23 : i32
      %broadcast_in_dim3A_213 = vector.broadcast %broadcast_in_dim3A_212 : i32 to vector<16xi32>
      %gather3A_214 = tpu.vector_load_idx %arg6[%broadcast_in_dim3A_213, %sub3A_53] : memref<32x3328xf32, #tpu.memory_space<vmem>>[vector<16xi32>, vector<16xi32>], vector<16xf32>,
      %swap3A_215 = arith.constant 23 : i32
      %swap3A_216 = arith.index_cast %swap3A_215 : i32 to index
      %swap3A_217 = arith.constant 0 : index
      %swap3A_218 = tpu.vector_load %arg7[%swap3A_216, %swap3A_217] {strides = array<i32>} : memref<32x128xf32, #tpu.memory_space<vmem>>, vector<16xf32>,
      tpu.vector_store %arg7[%swap3A_216, %swap3A_217], %gather3A_214 {strides = array<i32>} : memref<32x128xf32, #tpu.memory_space<vmem>>, vector<16xf32>,
      %broadcast_in_dim3A_219 = arith.constant 24 : i32
      %broadcast_in_dim3A_220 = vector.broadcast %broadcast_in_dim3A_219 : i32 to vector<16xi32>
      %gather3A_221 = tpu.vector_load_idx %arg6[%broadcast_in_dim3A_220, %sub3A_53] : memref<32x3328xf32, #tpu.memory_space<vmem>>[vector<16xi32>, vector<16xi32>], vector<16xf32>,
      %swap3A_222 = arith.constant 24 : i32
      %swap3A_223 = arith.index_cast %swap3A_222 : i32 to index
      %swap3A_224 = arith.constant 0 : index
      %swap3A_225 = tpu.vector_load %arg7[%swap3A_223, %swap3A_224] {strides = array<i32>} : memref<32x128xf32, #tpu.memory_space<vmem>>, vector<16xf32>,
      tpu.vector_store %arg7[%swap3A_223, %swap3A_224], %gather3A_221 {strides = array<i32>} : memref<32x128xf32, #tpu.memory_space<vmem>>, vector<16xf32>,
      %broadcast_in_dim3A_226 = arith.constant 25 : i32
      %broadcast_in_dim3A_227 = vector.broadcast %broadcast_in_dim3A_226 : i32 to vector<16xi32>
      %gather3A_228 = tpu.vector_load_idx %arg6[%broadcast_in_dim3A_227, %sub3A_53] : memref<32x3328xf32, #tpu.memory_space<vmem>>[vector<16xi32>, vector<16xi32>], vector<16xf32>,
      %swap3A_229 = arith.constant 25 : i32
      %swap3A_230 = arith.index_cast %swap3A_229 : i32 to index
      %swap3A_231 = arith.constant 0 : index
      %swap3A_232 = tpu.vector_load %arg7[%swap3A_230, %swap3A_231] {strides = array<i32>} : memref<32x128xf32, #tpu.memory_space<vmem>>, vector<16xf32>,
      tpu.vector_store %arg7[%swap3A_230, %swap3A_231], %gather3A_228 {strides = array<i32>} : memref<32x128xf32, #tpu.memory_space<vmem>>, vector<16xf32>,
      %broadcast_in_dim3A_233 = arith.constant 26 : i32
      %broadcast_in_dim3A_234 = vector.broadcast %broadcast_in_dim3A_233 : i32 to vector<16xi32>
      %gather3A_235 = tpu.vector_load_idx %arg6[%broadcast_in_dim3A_234, %sub3A_53] : memref<32x3328xf32, #tpu.memory_space<vmem>>[vector<16xi32>, vector<16xi32>], vector<16xf32>,
      %swap3A_236 = arith.constant 26 : i32
      %swap3A_237 = arith.index_cast %swap3A_236 : i32 to index
      %swap3A_238 = arith.constant 0 : index
      %swap3A_239 = tpu.vector_load %arg7[%swap3A_237, %swap3A_238] {strides = array<i32>} : memref<32x128xf32, #tpu.memory_space<vmem>>, vector<16xf32>,
      tpu.vector_store %arg7[%swap3A_237, %swap3A_238], %gather3A_235 {strides = array<i32>} : memref<32x128xf32, #tpu.memory_space<vmem>>, vector<16xf32>,
      %broadcast_in_dim3A_240 = arith.constant 27 : i32
      %broadcast_in_dim3A_241 = vector.broadcast %broadcast_in_dim3A_240 : i32 to vector<16xi32>
      %gather3A_242 = tpu.vector_load_idx %arg6[%broadcast_in_dim3A_241, %sub3A_53] : memref<32x3328xf32, #tpu.memory_space<vmem>>[vector<16xi32>, vector<16xi32>], vector<16xf32>,
      %swap3A_243 = arith.constant 27 : i32
      %swap3A_244 = arith.index_cast %swap3A_243 : i32 to index
      %swap3A_245 = arith.constant 0 : index
      %swap3A_246 = tpu.vector_load %arg7[%swap3A_244, %swap3A_245] {strides = array<i32>} : memref<32x128xf32, #tpu.memory_space<vmem>>, vector<16xf32>,
      tpu.vector_store %arg7[%swap3A_244, %swap3A_245], %gather3A_242 {strides = array<i32>} : memref<32x128xf32, #tpu.memory_space<vmem>>, vector<16xf32>,
      %broadcast_in_dim3A_247 = arith.constant 28 : i32
      %broadcast_in_dim3A_248 = vector.broadcast %broadcast_in_dim3A_247 : i32 to vector<16xi32>
      %gather3A_249 = tpu.vector_load_idx %arg6[%broadcast_in_dim3A_248, %sub3A_53] : memref<32x3328xf32, #tpu.memory_space<vmem>>[vector<16xi32>, vector<16xi32>], vector<16xf32>,
      %swap3A_250 = arith.constant 28 : i32
      %swap3A_251 = arith.index_cast %swap3A_250 : i32 to index
      %swap3A_252 = arith.constant 0 : index
      %swap3A_253 = tpu.vector_load %arg7[%swap3A_251, %swap3A_252] {strides = array<i32>} : memref<32x128xf32, #tpu.memory_space<vmem>>, vector<16xf32>,
      tpu.vector_store %arg7[%swap3A_251, %swap3A_252], %gather3A_249 {strides = array<i32>} : memref<32x128xf32, #tpu.memory_space<vmem>>, vector<16xf32>,
      %broadcast_in_dim3A_254 = arith.constant 29 : i32
      %broadcast_in_dim3A_255 = vector.broadcast %broadcast_in_dim3A_254 : i32 to vector<16xi32>
      %gather3A_256 = tpu.vector_load_idx %arg6[%broadcast_in_dim3A_255, %sub3A_53] : memref<32x3328xf32, #tpu.memory_space<vmem>>[vector<16xi32>, vector<16xi32>], vector<16xf32>,
      %swap3A_257 = arith.constant 29 : i32
      %swap3A_258 = arith.index_cast %swap3A_257 : i32 to index
      %swap3A_259 = arith.constant 0 : index
      %swap3A_260 = tpu.vector_load %arg7[%swap3A_258, %swap3A_259] {strides = array<i32>} : memref<32x128xf32, #tpu.memory_space<vmem>>, vector<16xf32>,
      tpu.vector_store %arg7[%swap3A_258, %swap3A_259], %gather3A_256 {strides = array<i32>} : memref<32x128xf32, #tpu.memory_space<vmem>>, vector<16xf32>,
      %broadcast_in_dim3A_261 = arith.constant 30 : i32
      %broadcast_in_dim3A_262 = vector.broadcast %broadcast_in_dim3A_261 : i32 to vector<16xi32>
      %gather3A_263 = tpu.vector_load_idx %arg6[%broadcast_in_dim3A_262, %sub3A_53] : memref<32x3328xf32, #tpu.memory_space<vmem>>[vector<16xi32>, vector<16xi32>], vector<16xf32>,
      %swap3A_264 = arith.constant 30 : i32
      %swap3A_265 = arith.index_cast %swap3A_264 : i32 to index
      %swap3A_266 = arith.constant 0 : index
      %swap3A_267 = tpu.vector_load %arg7[%swap3A_265, %swap3A_266] {strides = array<i32>} : memref<32x128xf32, #tpu.memory_space<vmem>>, vector<16xf32>,
      tpu.vector_store %arg7[%swap3A_265, %swap3A_266], %gather3A_263 {strides = array<i32>} : memref<32x128xf32, #tpu.memory_space<vmem>>, vector<16xf32>,
      %broadcast_in_dim3A_268 = arith.constant 31 : i32
      %broadcast_in_dim3A_269 = vector.broadcast %broadcast_in_dim3A_268 : i32 to vector<16xi32>
      %gather3A_270 = tpu.vector_load_idx %arg6[%broadcast_in_dim3A_269, %sub3A_53] : memref<32x3328xf32, #tpu.memory_space<vmem>>[vector<16xi32>, vector<16xi32>], vector<16xf32>,
      %swap3A_271 = arith.constant 31 : i32
      %swap3A_272 = arith.index_cast %swap3A_271 : i32 to index
      %swap3A_273 = arith.constant 0 : index
      %swap3A_274 = tpu.vector_load %arg7[%swap3A_272, %swap3A_273] {strides = array<i32>} : memref<32x128xf32, #tpu.memory_space<vmem>>, vector<16xf32>,
      tpu.vector_store %arg7[%swap3A_272, %swap3A_273], %gather3A_270 {strides = array<i32>} : memref<32x128xf32, #tpu.memory_space<vmem>>, vector<16xf32>,
      %get3A_275 = arith.constant 16 : index
      %get3A_276 = tpu.vector_load %arg5[%get3A_275] {strides = array<i32>} : memref<128xi32, #tpu.memory_space<vmem>>, vector<16xi32>,
      %sub3A_277 = vector.broadcast %multiple_of3A : i32 to vector<16xi32>
      %sub3A_278 = arith.subi %get3A_276, %sub3A_277 : vector<16xi32>
      %broadcast_in_dim3A_279 = arith.constant 0 : i32
      %broadcast_in_dim3A_280 = vector.broadcast %broadcast_in_dim3A_279 : i32 to vector<16xi32>
      %gather3A_281 = tpu.vector_load_idx %arg6[%broadcast_in_dim3A_280, %sub3A_278] : memref<32x3328xf32, #tpu.memory_space<vmem>>[vector<16xi32>, vector<16xi32>], vector<16xf32>,
      %swap3A_282 = arith.constant 0 : i32
      %swap3A_283 = arith.index_cast %swap3A_282 : i32 to index
      %swap3A_284 = arith.constant 16 : index
      %swap3A_285 = tpu.vector_load %arg7[%swap3A_283, %swap3A_284] {strides = array<i32>} : memref<32x128xf32, #tpu.memory_space<vmem>>, vector<16xf32>,
      tpu.vector_store %arg7[%swap3A_283, %swap3A_284], %gather3A_281 {strides = array<i32>} : memref<32x128xf32, #tpu.memory_space<vmem>>, vector<16xf32>,
      %broadcast_in_dim3A_286 = arith.constant 1 : i32
      %broadcast_in_dim3A_287 = vector.broadcast %broadcast_in_dim3A_286 : i32 to vector<16xi32>
      %gather3A_288 = tpu.vector_load_idx %arg6[%broadcast_in_dim3A_287, %sub3A_278] : memref<32x3328xf32, #tpu.memory_space<vmem>>[vector<16xi32>, vector<16xi32>], vector<16xf32>,
      %swap3A_289 = arith.constant 1 : i32
      %swap3A_290 = arith.index_cast %swap3A_289 : i32 to index
      %swap3A_291 = arith.constant 16 : index
      %swap3A_292 = tpu.vector_load %arg7[%swap3A_290, %swap3A_291] {strides = array<i32>} : memref<32x128xf32, #tpu.memory_space<vmem>>, vector<16xf32>,
      tpu.vector_store %arg7[%swap3A_290, %swap3A_291], %gather3A_288 {strides = array<i32>} : memref<32x128xf32, #tpu.memory_space<vmem>>, vector<16xf32>,
      %broadcast_in_dim3A_293 = arith.constant 2 : i32
      %broadcast_in_dim3A_294 = vector.broadcast %broadcast_in_dim3A_293 : i32 to vector<16xi32>
      %gather3A_295 = tpu.vector_load_idx %arg6[%broadcast_in_dim3A_294, %sub3A_278] : memref<32x3328xf32, #tpu.memory_space<vmem>>[vector<16xi32>, vector<16xi32>], vector<16xf32>,
      %swap3A_296 = arith.constant 2 : i32
      %swap3A_297 = arith.index_cast %swap3A_296 : i32 to index
      %swap3A_298 = arith.constant 16 : index
      %swap3A_299 = tpu.vector_load %arg7[%swap3A_297, %swap3A_298] {strides = array<i32>} : memref<32x128xf32, #tpu.memory_space<vmem>>, vector<16xf32>,
      tpu.vector_store %arg7[%swap3A_297, %swap3A_298], %gather3A_295 {strides = array<i32>} : memref<32x128xf32, #tpu.memory_space<vmem>>, vector<16xf32>,
      %broadcast_in_dim3A_300 = arith.constant 3 : i32
      %broadcast_in_dim3A_301 = vector.broadcast %broadcast_in_dim3A_300 : i32 to vector<16xi32>
      %gather3A_302 = tpu.vector_load_idx %arg6[%broadcast_in_dim3A_301, %sub3A_278] : memref<32x3328xf32, #tpu.memory_space<vmem>>[vector<16xi32>, vector<16xi32>], vector<16xf32>,
      %swap3A_303 = arith.constant 3 : i32
      %swap3A_304 = arith.index_cast %swap3A_303 : i32 to index
      %swap3A_305 = arith.constant 16 : index
      %swap3A_306 = tpu.vector_load %arg7[%swap3A_304, %swap3A_305] {strides = array<i32>} : memref<32x128xf32, #tpu.memory_space<vmem>>, vector<16xf32>,
      tpu.vector_store %arg7[%swap3A_304, %swap3A_305], %gather3A_302 {strides = array<i32>} : memref<32x128xf32, #tpu.memory_space<vmem>>, vector<16xf32>,
      %broadcast_in_dim3A_307 = arith.constant 4 : i32
      %broadcast_in_dim3A_308 = vector.broadcast %broadcast_in_dim3A_307 : i32 to vector<16xi32>
      %gather3A_309 = tpu.vector_load_idx %arg6[%broadcast_in_dim3A_308, %sub3A_278] : memref<32x3328xf32, #tpu.memory_space<vmem>>[vector<16xi32>, vector<16xi32>], vector<16xf32>,
      %swap3A_310 = arith.constant 4 : i32
      %swap3A_311 = arith.index_cast %swap3A_310 : i32 to index
      %swap3A_312 = arith.constant 16 : index
      %swap3A_313 = tpu.vector_load %arg7[%swap3A_311, %swap3A_312] {strides = array<i32>} : memref<32x128xf32, #tpu.memory_space<vmem>>, vector<16xf32>,
      tpu.vector_store %arg7[%swap3A_311, %swap3A_312], %gather3A_309 {strides = array<i32>} : memref<32x128xf32, #tpu.memory_space<vmem>>, vector<16xf32>,
      %broadcast_in_dim3A_314 = arith.constant 5 : i32
      %broadcast_in_dim3A_315 = vector.broadcast %broadcast_in_dim3A_314 : i32 to vector<16xi32>
      %gather3A_316 = tpu.vector_load_idx %arg6[%broadcast_in_dim3A_315, %sub3A_278] : memref<32x3328xf32, #tpu.memory_space<vmem>>[vector<16xi32>, vector<16xi32>], vector<16xf32>,
      %swap3A_317 = arith.constant 5 : i32
      %swap3A_318 = arith.index_cast %swap3A_317 : i32 to index
      %swap3A_319 = arith.constant 16 : index
      %swap3A_320 = tpu.vector_load %arg7[%swap3A_318, %swap3A_319] {strides = array<i32>} : memref<32x128xf32, #tpu.memory_space<vmem>>, vector<16xf32>,
      tpu.vector_store %arg7[%swap3A_318, %swap3A_319], %gather3A_316 {strides = array<i32>} : memref<32x128xf32, #tpu.memory_space<vmem>>, vector<16xf32>,
      %broadcast_in_dim3A_321 = arith.constant 6 : i32
      %broadcast_in_dim3A_322 = vector.broadcast %broadcast_in_dim3A_321 : i32 to vector<16xi32>
      %gather3A_323 = tpu.vector_load_idx %arg6[%broadcast_in_dim3A_322, %sub3A_278] : memref<32x3328xf32, #tpu.memory_space<vmem>>[vector<16xi32>, vector<16xi32>], vector<16xf32>,
      %swap3A_324 = arith.constant 6 : i32
      %swap3A_325 = arith.index_cast %swap3A_324 : i32 to index
      %swap3A_326 = arith.constant 16 : index
      %swap3A_327 = tpu.vector_load %arg7[%swap3A_325, %swap3A_326] {strides = array<i32>} : memref<32x128xf32, #tpu.memory_space<vmem>>, vector<16xf32>,
      tpu.vector_store %arg7[%swap3A_325, %swap3A_326], %gather3A_323 {strides = array<i32>} : memref<32x128xf32, #tpu.memory_space<vmem>>, vector<16xf32>,
      %broadcast_in_dim3A_328 = arith.constant 7 : i32
      %broadcast_in_dim3A_329 = vector.broadcast %broadcast_in_dim3A_328 : i32 to vector<16xi32>
      %gather3A_330 = tpu.vector_load_idx %arg6[%broadcast_in_dim3A_329, %sub3A_278] : memref<32x3328xf32, #tpu.memory_space<vmem>>[vector<16xi32>, vector<16xi32>], vector<16xf32>,
      %swap3A_331 = arith.constant 7 : i32
      %swap3A_332 = arith.index_cast %swap3A_331 : i32 to index
      %swap3A_333 = arith.constant 16 : index
      %swap3A_334 = tpu.vector_load %arg7[%swap3A_332, %swap3A_333] {strides = array<i32>} : memref<32x128xf32, #tpu.memory_space<vmem>>, vector<16xf32>,
      tpu.vector_store %arg7[%swap3A_332, %swap3A_333], %gather3A_330 {strides = array<i32>} : memref<32x128xf32, #tpu.memory_space<vmem>>, vector<16xf32>,
      %broadcast_in_dim3A_335 = arith.constant 8 : i32
      %broadcast_in_dim3A_336 = vector.broadcast %broadcast_in_dim3A_335 : i32 to vector<16xi32>
      %gather3A_337 = tpu.vector_load_idx %arg6[%broadcast_in_dim3A_336, %sub3A_278] : memref<32x3328xf32, #tpu.memory_space<vmem>>[vector<16xi32>, vector<16xi32>], vector<16xf32>,
      %swap3A_338 = arith.constant 8 : i32
      %swap3A_339 = arith.index_cast %swap3A_338 : i32 to index
      %swap3A_340 = arith.constant 16 : index
      %swap3A_341 = tpu.vector_load %arg7[%swap3A_339, %swap3A_340] {strides = array<i32>} : memref<32x128xf32, #tpu.memory_space<vmem>>, vector<16xf32>,
      tpu.vector_store %arg7[%swap3A_339, %swap3A_340], %gather3A_337 {strides = array<i32>} : memref<32x128xf32, #tpu.memory_space<vmem>>, vector<16xf32>,
      %broadcast_in_dim3A_342 = arith.constant 9 : i32
      %broadcast_in_dim3A_343 = vector.broadcast %broadcast_in_dim3A_342 : i32 to vector<16xi32>
      %gather3A_344 = tpu.vector_load_idx %arg6[%broadcast_in_dim3A_343, %sub3A_278] : memref<32x3328xf32, #tpu.memory_space<vmem>>[vector<16xi32>, vector<16xi32>], vector<16xf32>,
      %swap3A_345 = arith.constant 9 : i32
      %swap3A_346 = arith.index_cast %swap3A_345 : i32 to index
      %swap3A_347 = arith.constant 16 : index
      %swap3A_348 = tpu.vector_load %arg7[%swap3A_346, %swap3A_347] {strides = array<i32>} : memref<32x128xf32, #tpu.memory_space<vmem>>, vector<16xf32>,
      tpu.vector_store %arg7[%swap3A_346, %swap3A_347], %gather3A_344 {strides = array<i32>} : memref<32x128xf32, #tpu.memory_space<vmem>>, vector<16xf32>,
      %broadcast_in_dim3A_349 = arith.constant 10 : i32
      %broadcast_in_dim3A_350 = vector.broadcast %broadcast_in_dim3A_349 : i32 to vector<16xi32>
      %gather3A_351 = tpu.vector_load_idx %arg6[%broadcast_in_dim3A_350, %sub3A_278] : memref<32x3328xf32, #tpu.memory_space<vmem>>[vector<16xi32>, vector<16xi32>], vector<16xf32>,
      %swap3A_352 = arith.constant 10 : i32
      %swap3A_353 = arith.index_cast %swap3A_352 : i32 to index
      %swap3A_354 = arith.constant 16 : index
      %swap3A_355 = tpu.vector_load %arg7[%swap3A_353, %swap3A_354] {strides = array<i32>} : memref<32x128xf32, #tpu.memory_space<vmem>>, vector<16xf32>,
      tpu.vector_store %arg7[%swap3A_353, %swap3A_354], %gather3A_351 {strides = array<i32>} : memref<32x128xf32, #tpu.memory_space<vmem>>, vector<16xf32>,
      %broadcast_in_dim3A_356 = arith.constant 11 : i32
      %broadcast_in_dim3A_357 = vector.broadcast %broadcast_in_dim3A_356 : i32 to vector<16xi32>
      %gather3A_358 = tpu.vector_load_idx %arg6[%broadcast_in_dim3A_357, %sub3A_278] : memref<32x3328xf32, #tpu.memory_space<vmem>>[vector<16xi32>, vector<16xi32>], vector<16xf32>,
      %swap3A_359 = arith.constant 11 : i32
      %swap3A_360 = arith.index_cast %swap3A_359 : i32 to index
      %swap3A_361 = arith.constant 16 : index
      %swap3A_362 = tpu.vector_load %arg7[%swap3A_360, %swap3A_361] {strides = array<i32>} : memref<32x128xf32, #tpu.memory_space<vmem>>, vector<16xf32>,
      tpu.vector_store %arg7[%swap3A_360, %swap3A_361], %gather3A_358 {strides = array<i32>} : memref<32x128xf32, #tpu.memory_space<vmem>>, vector<16xf32>,
      %broadcast_in_dim3A_363 = arith.constant 12 : i32
      %broadcast_in_dim3A_364 = vector.broadcast %broadcast_in_dim3A_363 : i32 to vector<16xi32>
      %gather3A_365 = tpu.vector_load_idx %arg6[%broadcast_in_dim3A_364, %sub3A_278] : memref<32x3328xf32, #tpu.memory_space<vmem>>[vector<16xi32>, vector<16xi32>], vector<16xf32>,
      %swap3A_366 = arith.constant 12 : i32
      %swap3A_367 = arith.index_cast %swap3A_366 : i32 to index
      %swap3A_368 = arith.constant 16 : index
      %swap3A_369 = tpu.vector_load %arg7[%swap3A_367, %swap3A_368] {strides = array<i32>} : memref<32x128xf32, #tpu.memory_space<vmem>>, vector<16xf32>,
      tpu.vector_store %arg7[%swap3A_367, %swap3A_368], %gather3A_365 {strides = array<i32>} : memref<32x128xf32, #tpu.memory_space<vmem>>, vector<16xf32>,
      %broadcast_in_dim3A_370 = arith.constant 13 : i32
      %broadcast_in_dim3A_371 = vector.broadcast %broadcast_in_dim3A_370 : i32 to vector<16xi32>
      %gather3A_372 = tpu.vector_load_idx %arg6[%broadcast_in_dim3A_371, %sub3A_278] : memref<32x3328xf32, #tpu.memory_space<vmem>>[vector<16xi32>, vector<16xi32>], vector<16xf32>,
      %swap3A_373 = arith.constant 13 : i32
      %swap3A_374 = arith.index_cast %swap3A_373 : i32 to index
      %swap3A_375 = arith.constant 16 : index
      %swap3A_376 = tpu.vector_load %arg7[%swap3A_374, %swap3A_375] {strides = array<i32>} : memref<32x128xf32, #tpu.memory_space<vmem>>, vector<16xf32>,
      tpu.vector_store %arg7[%swap3A_374, %swap3A_375], %gather3A_372 {strides = array<i32>} : memref<32x128xf32, #tpu.memory_space<vmem>>, vector<16xf32>,
      %broadcast_in_dim3A_377 = arith.constant 14 : i32
      %broadcast_in_dim3A_378 = vector.broadcast %broadcast_in_dim3A_377 : i32 to vector<16xi32>
      %gather3A_379 = tpu.vector_load_idx %arg6[%broadcast_in_dim3A_378, %sub3A_278] : memref<32x3328xf32, #tpu.memory_space<vmem>>[vector<16xi32>, vector<16xi32>], vector<16xf32>,
      %swap3A_380 = arith.constant 14 : i32
      %swap3A_381 = arith.index_cast %swap3A_380 : i32 to index
      %swap3A_382 = arith.constant 16 : index
      %swap3A_383 = tpu.vector_load %arg7[%swap3A_381, %swap3A_382] {strides = array<i32>} : memref<32x128xf32, #tpu.memory_space<vmem>>, vector<16xf32>,
      tpu.vector_store %arg7[%swap3A_381, %swap3A_382], %gather3A_379 {strides = array<i32>} : memref<32x128xf32, #tpu.memory_space<vmem>>, vector<16xf32>,
      %broadcast_in_dim3A_384 = arith.constant 15 : i32
      %broadcast_in_dim3A_385 = vector.broadcast %broadcast_in_dim3A_384 : i32 to vector<16xi32>
      %gather3A_386 = tpu.vector_load_idx %arg6[%broadcast_in_dim3A_385, %sub3A_278] : memref<32x3328xf32, #tpu.memory_space<vmem>>[vector<16xi32>, vector<16xi32>], vector<16xf32>,
      %swap3A_387 = arith.constant 15 : i32
      %swap3A_388 = arith.index_cast %swap3A_387 : i32 to index
      %swap3A_389 = arith.constant 16 : index
      %swap3A_390 = tpu.vector_load %arg7[%swap3A_388, %swap3A_389] {strides = array<i32>} : memref<32x128xf32, #tpu.memory_space<vmem>>, vector<16xf32>,
      tpu.vector_store %arg7[%swap3A_388, %swap3A_389], %gather3A_386 {strides = array<i32>} : memref<32x128xf32, #tpu.memory_space<vmem>>, vector<16xf32>,
      %broadcast_in_dim3A_391 = arith.constant 16 : i32
      %broadcast_in_dim3A_392 = vector.broadcast %broadcast_in_dim3A_391 : i32 to vector<16xi32>
      %gather3A_393 = tpu.vector_load_idx %arg6[%broadcast_in_dim3A_392, %sub3A_278] : memref<32x3328xf32, #tpu.memory_space<vmem>>[vector<16xi32>, vector<16xi32>], vector<16xf32>,
      %swap3A_394 = arith.constant 16 : i32
      %swap3A_395 = arith.index_cast %swap3A_394 : i32 to index
      %swap3A_396 = arith.constant 16 : index
      %swap3A_397 = tpu.vector_load %arg7[%swap3A_395, %swap3A_396] {strides = array<i32>} : memref<32x128xf32, #tpu.memory_space<vmem>>, vector<16xf32>,
      tpu.vector_store %arg7[%swap3A_395, %swap3A_396], %gather3A_393 {strides = array<i32>} : memref<32x128xf32, #tpu.memory_space<vmem>>, vector<16xf32>,
      %broadcast_in_dim3A_398 = arith.constant 17 : i32
      %broadcast_in_dim3A_399 = vector.broadcast %broadcast_in_dim3A_398 : i32 to vector<16xi32>
      %gather3A_400 = tpu.vector_load_idx %arg6[%broadcast_in_dim3A_399, %sub3A_278] : memref<32x3328xf32, #tpu.memory_space<vmem>>[vector<16xi32>, vector<16xi32>], vector<16xf32>,
      %swap3A_401 = arith.constant 17 : i32
      %swap3A_402 = arith.index_cast %swap3A_401 : i32 to index
      %swap3A_403 = arith.constant 16 : index
      %swap3A_404 = tpu.vector_load %arg7[%swap3A_402, %swap3A_403] {strides = array<i32>} : memref<32x128xf32, #tpu.memory_space<vmem>>, vector<16xf32>,
      tpu.vector_store %arg7[%swap3A_402, %swap3A_403], %gather3A_400 {strides = array<i32>} : memref<32x128xf32, #tpu.memory_space<vmem>>, vector<16xf32>,
      %broadcast_in_dim3A_405 = arith.constant 18 : i32
      %broadcast_in_dim3A_406 = vector.broadcast %broadcast_in_dim3A_405 : i32 to vector<16xi32>
      %gather3A_407 = tpu.vector_load_idx %arg6[%broadcast_in_dim3A_406, %sub3A_278] : memref<32x3328xf32, #tpu.memory_space<vmem>>[vector<16xi32>, vector<16xi32>], vector<16xf32>,
      %swap3A_408 = arith.constant 18 : i32
      %swap3A_409 = arith.index_cast %swap3A_408 : i32 to index
      %swap3A_410 = arith.constant 16 : index
      %swap3A_411 = tpu.vector_load %arg7[%swap3A_409, %swap3A_410] {strides = array<i32>} : memref<32x128xf32, #tpu.memory_space<vmem>>, vector<16xf32>,
      tpu.vector_store %arg7[%swap3A_409, %swap3A_410], %gather3A_407 {strides = array<i32>} : memref<32x128xf32, #tpu.memory_space<vmem>>, vector<16xf32>,
      %broadcast_in_dim3A_412 = arith.constant 19 : i32
      %broadcast_in_dim3A_413 = vector.broadcast %broadcast_in_dim3A_412 : i32 to vector<16xi32>
      %gather3A_414 = tpu.vector_load_idx %arg6[%broadcast_in_dim3A_413, %sub3A_278] : memref<32x3328xf32, #tpu.memory_space<vmem>>[vector<16xi32>, vector<16xi32>], vector<16xf32>,
      %swap3A_415 = arith.constant 19 : i32
      %swap3A_416 = arith.index_cast %swap3A_415 : i32 to index
      %swap3A_417 = arith.constant 16 : index
      %swap3A_418 = tpu.vector_load %arg7[%swap3A_416, %swap3A_417] {strides = array<i32>} : memref<32x128xf32, #tpu.memory_space<vmem>>, vector<16xf32>,
      tpu.vector_store %arg7[%swap3A_416, %swap3A_417], %gather3A_414 {strides = array<i32>} : memref<32x128xf32, #tpu.memory_space<vmem>>, vector<16xf32>,
      %broadcast_in_dim3A_419 = arith.constant 20 : i32
      %broadcast_in_dim3A_420 = vector.broadcast %broadcast_in_dim3A_419 : i32 to vector<16xi32>
      %gather3A_421 = tpu.vector_load_idx %arg6[%broadcast_in_dim3A_420, %sub3A_278] : memref<32x3328xf32, #tpu.memory_space<vmem>>[vector<16xi32>, vector<16xi32>], vector<16xf32>,
      %swap3A_422 = arith.constant 20 : i32
      %swap3A_423 = arith.index_cast %swap3A_422 : i32 to index
      %swap3A_424 = arith.constant 16 : index
      %swap3A_425 = tpu.vector_load %arg7[%swap3A_423, %swap3A_424] {strides = array<i32>} : memref<32x128xf32, #tpu.memory_space<vmem>>, vector<16xf32>,
      tpu.vector_store %arg7[%swap3A_423, %swap3A_424], %gather3A_421 {strides = array<i32>} : memref<32x128xf32, #tpu.memory_space<vmem>>, vector<16xf32>,
      %broadcast_in_dim3A_426 = arith.constant 21 : i32
      %broadcast_in_dim3A_427 = vector.broadcast %broadcast_in_dim3A_426 : i32 to vector<16xi32>
      %gather3A_428 = tpu.vector_load_idx %arg6[%broadcast_in_dim3A_427, %sub3A_278] : memref<32x3328xf32, #tpu.memory_space<vmem>>[vector<16xi32>, vector<16xi32>], vector<16xf32>,
      %swap3A_429 = arith.constant 21 : i32
      %swap3A_430 = arith.index_cast %swap3A_429 : i32 to index
      %swap3A_431 = arith.constant 16 : index
      %swap3A_432 = tpu.vector_load %arg7[%swap3A_430, %swap3A_431] {strides = array<i32>} : memref<32x128xf32, #tpu.memory_space<vmem>>, vector<16xf32>,
      tpu.vector_store %arg7[%swap3A_430, %swap3A_431], %gather3A_428 {strides = array<i32>} : memref<32x128xf32, #tpu.memory_space<vmem>>, vector<16xf32>,
      %broadcast_in_dim3A_433 = arith.constant 22 : i32
      %broadcast_in_dim3A_434 = vector.broadcast %broadcast_in_dim3A_433 : i32 to vector<16xi32>
      %gather3A_435 = tpu.vector_load_idx %arg6[%broadcast_in_dim3A_434, %sub3A_278] : memref<32x3328xf32, #tpu.memory_space<vmem>>[vector<16xi32>, vector<16xi32>], vector<16xf32>,
      %swap3A_436 = arith.constant 22 : i32
      %swap3A_437 = arith.index_cast %swap3A_436 : i32 to index
      %swap3A_438 = arith.constant 16 : index
      %swap3A_439 = tpu.vector_load %arg7[%swap3A_437, %swap3A_438] {strides = array<i32>} : memref<32x128xf32, #tpu.memory_space<vmem>>, vector<16xf32>,
      tpu.vector_store %arg7[%swap3A_437, %swap3A_438], %gather3A_435 {strides = array<i32>} : memref<32x128xf32, #tpu.memory_space<vmem>>, vector<16xf32>,
      %broadcast_in_dim3A_440 = arith.constant 23 : i32
      %broadcast_in_dim3A_441 = vector.broadcast %broadcast_in_dim3A_440 : i32 to vector<16xi32>
      %gather3A_442 = tpu.vector_load_idx %arg6[%broadcast_in_dim3A_441, %sub3A_278] : memref<32x3328xf32, #tpu.memory_space<vmem>>[vector<16xi32>, vector<16xi32>], vector<16xf32>,
      %swap3A_443 = arith.constant 23 : i32
      %swap3A_444 = arith.index_cast %swap3A_443 : i32 to index
      %swap3A_445 = arith.constant 16 : index
      %swap3A_446 = tpu.vector_load %arg7[%swap3A_444, %swap3A_445] {strides = array<i32>} : memref<32x128xf32, #tpu.memory_space<vmem>>, vector<16xf32>,
      tpu.vector_store %arg7[%swap3A_444, %swap3A_445], %gather3A_442 {strides = array<i32>} : memref<32x128xf32, #tpu.memory_space<vmem>>, vector<16xf32>,
      %broadcast_in_dim3A_447 = arith.constant 24 : i32
      %broadcast_in_dim3A_448 = vector.broadcast %broadcast_in_dim3A_447 : i32 to vector<16xi32>
      %gather3A_449 = tpu.vector_load_idx %arg6[%broadcast_in_dim3A_448, %sub3A_278] : memref<32x3328xf32, #tpu.memory_space<vmem>>[vector<16xi32>, vector<16xi32>], vector<16xf32>,
      %swap3A_450 = arith.constant 24 : i32
      %swap3A_451 = arith.index_cast %swap3A_450 : i32 to index
      %swap3A_452 = arith.constant 16 : index
      %swap3A_453 = tpu.vector_load %arg7[%swap3A_451, %swap3A_452] {strides = array<i32>} : memref<32x128xf32, #tpu.memory_space<vmem>>, vector<16xf32>,
      tpu.vector_store %arg7[%swap3A_451, %swap3A_452], %gather3A_449 {strides = array<i32>} : memref<32x128xf32, #tpu.memory_space<vmem>>, vector<16xf32>,
      %broadcast_in_dim3A_454 = arith.constant 25 : i32
      %broadcast_in_dim3A_455 = vector.broadcast %broadcast_in_dim3A_454 : i32 to vector<16xi32>
      %gather3A_456 = tpu.vector_load_idx %arg6[%broadcast_in_dim3A_455, %sub3A_278] : memref<32x3328xf32, #tpu.memory_space<vmem>>[vector<16xi32>, vector<16xi32>], vector<16xf32>,
      %swap3A_457 = arith.constant 25 : i32
      %swap3A_458 = arith.index_cast %swap3A_457 : i32 to index
      %swap3A_459 = arith.constant 16 : index
      %swap3A_460 = tpu.vector_load %arg7[%swap3A_458, %swap3A_459] {strides = array<i32>} : memref<32x128xf32, #tpu.memory_space<vmem>>, vector<16xf32>,
      tpu.vector_store %arg7[%swap3A_458, %swap3A_459], %gather3A_456 {strides = array<i32>} : memref<32x128xf32, #tpu.memory_space<vmem>>, vector<16xf32>,
      %broadcast_in_dim3A_461 = arith.constant 26 : i32
      %broadcast_in_dim3A_462 = vector.broadcast %broadcast_in_dim3A_461 : i32 to vector<16xi32>
      %gather3A_463 = tpu.vector_load_idx %arg6[%broadcast_in_dim3A_462, %sub3A_278] : memref<32x3328xf32, #tpu.memory_space<vmem>>[vector<16xi32>, vector<16xi32>], vector<16xf32>,
      %swap3A_464 = arith.constant 26 : i32
      %swap3A_465 = arith.index_cast %swap3A_464 : i32 to index
      %swap3A_466 = arith.constant 16 : index
      %swap3A_467 = tpu.vector_load %arg7[%swap3A_465, %swap3A_466] {strides = array<i32>} : memref<32x128xf32, #tpu.memory_space<vmem>>, vector<16xf32>,
      tpu.vector_store %arg7[%swap3A_465, %swap3A_466], %gather3A_463 {strides = array<i32>} : memref<32x128xf32, #tpu.memory_space<vmem>>, vector<16xf32>,
      %broadcast_in_dim3A_468 = arith.constant 27 : i32
      %broadcast_in_dim3A_469 = vector.broadcast %broadcast_in_dim3A_468 : i32 to vector<16xi32>
      %gather3A_470 = tpu.vector_load_idx %arg6[%broadcast_in_dim3A_469, %sub3A_278] : memref<32x3328xf32, #tpu.memory_space<vmem>>[vector<16xi32>, vector<16xi32>], vector<16xf32>,
      %swap3A_471 = arith.constant 27 : i32
      %swap3A_472 = arith.index_cast %swap3A_471 : i32 to index
      %swap3A_473 = arith.constant 16 : index
      %swap3A_474 = tpu.vector_load %arg7[%swap3A_472, %swap3A_473] {strides = array<i32>} : memref<32x128xf32, #tpu.memory_space<vmem>>, vector<16xf32>,
      tpu.vector_store %arg7[%swap3A_472, %swap3A_473], %gather3A_470 {strides = array<i32>} : memref<32x128xf32, #tpu.memory_space<vmem>>, vector<16xf32>,
      %broadcast_in_dim3A_475 = arith.constant 28 : i32
      %broadcast_in_dim3A_476 = vector.broadcast %broadcast_in_dim3A_475 : i32 to vector<16xi32>
      %gather3A_477 = tpu.vector_load_idx %arg6[%broadcast_in_dim3A_476, %sub3A_278] : memref<32x3328xf32, #tpu.memory_space<vmem>>[vector<16xi32>, vector<16xi32>], vector<16xf32>,
      %swap3A_478 = arith.constant 28 : i32
      %swap3A_479 = arith.index_cast %swap3A_478 : i32 to index
      %swap3A_480 = arith.constant 16 : index
      %swap3A_481 = tpu.vector_load %arg7[%swap3A_479, %swap3A_480] {strides = array<i32>} : memref<32x128xf32, #tpu.memory_space<vmem>>, vector<16xf32>,
      tpu.vector_store %arg7[%swap3A_479, %swap3A_480], %gather3A_477 {strides = array<i32>} : memref<32x128xf32, #tpu.memory_space<vmem>>, vector<16xf32>,
      %broadcast_in_dim3A_482 = arith.constant 29 : i32
      %broadcast_in_dim3A_483 = vector.broadcast %broadcast_in_dim3A_482 : i32 to vector<16xi32>
      %gather3A_484 = tpu.vector_load_idx %arg6[%broadcast_in_dim3A_483, %sub3A_278] : memref<32x3328xf32, #tpu.memory_space<vmem>>[vector<16xi32>, vector<16xi32>], vector<16xf32>,
      %swap3A_485 = arith.constant 29 : i32
      %swap3A_486 = arith.index_cast %swap3A_485 : i32 to index
      %swap3A_487 = arith.constant 16 : index
      %swap3A_488 = tpu.vector_load %arg7[%swap3A_486, %swap3A_487] {strides = array<i32>} : memref<32x128xf32, #tpu.memory_space<vmem>>, vector<16xf32>,
      tpu.vector_store %arg7[%swap3A_486, %swap3A_487], %gather3A_484 {strides = array<i32>} : memref<32x128xf32, #tpu.memory_space<vmem>>, vector<16xf32>,
      %broadcast_in_dim3A_489 = arith.constant 30 : i32
      %broadcast_in_dim3A_490 = vector.broadcast %broadcast_in_dim3A_489 : i32 to vector<16xi32>
      %gather3A_491 = tpu.vector_load_idx %arg6[%broadcast_in_dim3A_490, %sub3A_278] : memref<32x3328xf32, #tpu.memory_space<vmem>>[vector<16xi32>, vector<16xi32>], vector<16xf32>,
      %swap3A_492 = arith.constant 30 : i32
      %swap3A_493 = arith.index_cast %swap3A_492 : i32 to index
      %swap3A_494 = arith.constant 16 : index
      %swap3A_495 = tpu.vector_load %arg7[%swap3A_493, %swap3A_494] {strides = array<i32>} : memref<32x128xf32, #tpu.memory_space<vmem>>, vector<16xf32>,
      tpu.vector_store %arg7[%swap3A_493, %swap3A_494], %gather3A_491 {strides = array<i32>} : memref<32x128xf32, #tpu.memory_space<vmem>>, vector<16xf32>,
      %broadcast_in_dim3A_496 = arith.constant 31 : i32
      %broadcast_in_dim3A_497 = vector.broadcast %broadcast_in_dim3A_496 : i32 to vector<16xi32>
      %gather3A_498 = tpu.vector_load_idx %arg6[%broadcast_in_dim3A_497, %sub3A_278] : memref<32x3328xf32, #tpu.memory_space<vmem>>[vector<16xi32>, vector<16xi32>], vector<16xf32>,
      %swap3A_499 = arith.constant 31 : i32
      %swap3A_500 = arith.index_cast %swap3A_499 : i32 to index
      %swap3A_501 = arith.constant 16 : index
      %swap3A_502 = tpu.vector_load %arg7[%swap3A_500, %swap3A_501] {strides = array<i32>} : memref<32x128xf32, #tpu.memory_space<vmem>>, vector<16xf32>,
      tpu.vector_store %arg7[%swap3A_500, %swap3A_501], %gather3A_498 {strides = array<i32>} : memref<32x128xf32, #tpu.memory_space<vmem>>, vector<16xf32>,
      %get3A_503 = arith.constant 32 : index
      %get3A_504 = tpu.vector_load %arg5[%get3A_503] {strides = array<i32>} : memref<128xi32, #tpu.memory_space<vmem>>, vector<16xi32>,
      %sub3A_505 = vector.broadcast %multiple_of3A : i32 to vector<16xi32>
      %sub3A_506 = arith.subi %get3A_504, %sub3A_505 : vector<16xi32>
      %broadcast_in_dim3A_507 = arith.constant 0 : i32
      %broadcast_in_dim3A_508 = vector.broadcast %broadcast_in_dim3A_507 : i32 to vector<16xi32>
      %gather3A_509 = tpu.vector_load_idx %arg6[%broadcast_in_dim3A_508, %sub3A_506] : memref<32x3328xf32, #tpu.memory_space<vmem>>[vector<16xi32>, vector<16xi32>], vector<16xf32>,
      %swap3A_510 = arith.constant 0 : i32
      %swap3A_511 = arith.index_cast %swap3A_510 : i32 to index
      %swap3A_512 = arith.constant 32 : index
      %swap3A_513 = tpu.vector_load %arg7[%swap3A_511, %swap3A_512] {strides = array<i32>} : memref<32x128xf32, #tpu.memory_space<vmem>>, vector<16xf32>,
      tpu.vector_store %arg7[%swap3A_511, %swap3A_512], %gather3A_509 {strides = array<i32>} : memref<32x128xf32, #tpu.memory_space<vmem>>, vector<16xf32>,
      %broadcast_in_dim3A_514 = arith.constant 1 : i32
      %broadcast_in_dim3A_515 = vector.broadcast %broadcast_in_dim3A_514 : i32 to vector<16xi32>
      %gather3A_516 = tpu.vector_load_idx %arg6[%broadcast_in_dim3A_515, %sub3A_506] : memref<32x3328xf32, #tpu.memory_space<vmem>>[vector<16xi32>, vector<16xi32>], vector<16xf32>,
      %swap3A_517 = arith.constant 1 : i32
      %swap3A_518 = arith.index_cast %swap3A_517 : i32 to index
      %swap3A_519 = arith.constant 32 : index
      %swap3A_520 = tpu.vector_load %arg7[%swap3A_518, %swap3A_519] {strides = array<i32>} : memref<32x128xf32, #tpu.memory_space<vmem>>, vector<16xf32>,
      tpu.vector_store %arg7[%swap3A_518, %swap3A_519], %gather3A_516 {strides = array<i32>} : memref<32x128xf32, #tpu.memory_space<vmem>>, vector<16xf32>,
      %broadcast_in_dim3A_521 = arith.constant 2 : i32
      %broadcast_in_dim3A_522 = vector.broadcast %broadcast_in_dim3A_521 : i32 to vector<16xi32>
      %gather3A_523 = tpu.vector_load_idx %arg6[%broadcast_in_dim3A_522, %sub3A_506] : memref<32x3328xf32, #tpu.memory_space<vmem>>[vector<16xi32>, vector<16xi32>], vector<16xf32>,
      %swap3A_524 = arith.constant 2 : i32
      %swap3A_525 = arith.index_cast %swap3A_524 : i32 to index
      %swap3A_526 = arith.constant 32 : index
      %swap3A_527 = tpu.vector_load %arg7[%swap3A_525, %swap3A_526] {strides = array<i32>} : memref<32x128xf32, #tpu.memory_space<vmem>>, vector<16xf32>,
      tpu.vector_store %arg7[%swap3A_525, %swap3A_526], %gather3A_523 {strides = array<i32>} : memref<32x128xf32, #tpu.memory_space<vmem>>, vector<16xf32>,
      %broadcast_in_dim3A_528 = arith.constant 3 : i32
      %broadcast_in_dim3A_529 = vector.broadcast %broadcast_in_dim3A_528 : i32 to vector<16xi32>
      %gather3A_530 = tpu.vector_load_idx %arg6[%broadcast_in_dim3A_529, %sub3A_506] : memref<32x3328xf32, #tpu.memory_space<vmem>>[vector<16xi32>, vector<16xi32>], vector<16xf32>,
      %swap3A_531 = arith.constant 3 : i32
      %swap3A_532 = arith.index_cast %swap3A_531 : i32 to index
      %swap3A_533 = arith.constant 32 : index
      %swap3A_534 = tpu.vector_load %arg7[%swap3A_532, %swap3A_533] {strides = array<i32>} : memref<32x128xf32, #tpu.memory_space<vmem>>, vector<16xf32>,
      tpu.vector_store %arg7[%swap3A_532, %swap3A_533], %gather3A_530 {strides = array<i32>} : memref<32x128xf32, #tpu.memory_space<vmem>>, vector<16xf32>,
      %broadcast_in_dim3A_535 = arith.constant 4 : i32
      %broadcast_in_dim3A_536 = vector.broadcast %broadcast_in_dim3A_535 : i32 to vector<16xi32>
      %gather3A_537 = tpu.vector_load_idx %arg6[%broadcast_in_dim3A_536, %sub3A_506] : memref<32x3328xf32, #tpu.memory_space<vmem>>[vector<16xi32>, vector<16xi32>], vector<16xf32>,
      %swap3A_538 = arith.constant 4 : i32
      %swap3A_539 = arith.index_cast %swap3A_538 : i32 to index
      %swap3A_540 = arith.constant 32 : index
      %swap3A_541 = tpu.vector_load %arg7[%swap3A_539, %swap3A_540] {strides = array<i32>} : memref<32x128xf32, #tpu.memory_space<vmem>>, vector<16xf32>,
      tpu.vector_store %arg7[%swap3A_539, %swap3A_540], %gather3A_537 {strides = array<i32>} : memref<32x128xf32, #tpu.memory_space<vmem>>, vector<16xf32>,
      %broadcast_in_dim3A_542 = arith.constant 5 : i32
      %broadcast_in_dim3A_543 = vector.broadcast %broadcast_in_dim3A_542 : i32 to vector<16xi32>
      %gather3A_544 = tpu.vector_load_idx %arg6[%broadcast_in_dim3A_543, %sub3A_506] : memref<32x3328xf32, #tpu.memory_space<vmem>>[vector<16xi32>, vector<16xi32>], vector<16xf32>,
      %swap3A_545 = arith.constant 5 : i32
      %swap3A_546 = arith.index_cast %swap3A_545 : i32 to index
      %swap3A_547 = arith.constant 32 : index
      %swap3A_548 = tpu.vector_load %arg7[%swap3A_546, %swap3A_547] {strides = array<i32>} : memref<32x128xf32, #tpu.memory_space<vmem>>, vector<16xf32>,
      tpu.vector_store %arg7[%swap3A_546, %swap3A_547], %gather3A_544 {strides = array<i32>} : memref<32x128xf32, #tpu.memory_space<vmem>>, vector<16xf32>,
      %broadcast_in_dim3A_549 = arith.constant 6 : i32
      %broadcast_in_dim3A_550 = vector.broadcast %broadcast_in_dim3A_549 : i32 to vector<16xi32>
      %gather3A_551 = tpu.vector_load_idx %arg6[%broadcast_in_dim3A_550, %sub3A_506] : memref<32x3328xf32, #tpu.memory_space<vmem>>[vector<16xi32>, vector<16xi32>], vector<16xf32>,
      %swap3A_552 = arith.constant 6 : i32
      %swap3A_553 = arith.index_cast %swap3A_552 : i32 to index
      %swap3A_554 = arith.constant 32 : index
      %swap3A_555 = tpu.vector_load %arg7[%swap3A_553, %swap3A_554] {strides = array<i32>} : memref<32x128xf32, #tpu.memory_space<vmem>>, vector<16xf32>,
      tpu.vector_store %arg7[%swap3A_553, %swap3A_554], %gather3A_551 {strides = array<i32>} : memref<32x128xf32, #tpu.memory_space<vmem>>, vector<16xf32>,
      %broadcast_in_dim3A_556 = arith.constant 7 : i32
      %broadcast_in_dim3A_557 = vector.broadcast %broadcast_in_dim3A_556 : i32 to vector<16xi32>
      %gather3A_558 = tpu.vector_load_idx %arg6[%broadcast_in_dim3A_557, %sub3A_506] : memref<32x3328xf32, #tpu.memory_space<vmem>>[vector<16xi32>, vector<16xi32>], vector<16xf32>,
      %swap3A_559 = arith.constant 7 : i32
      %swap3A_560 = arith.index_cast %swap3A_559 : i32 to index
      %swap3A_561 = arith.constant 32 : index
      %swap3A_562 = tpu.vector_load %arg7[%swap3A_560, %swap3A_561] {strides = array<i32>} : memref<32x128xf32, #tpu.memory_space<vmem>>, vector<16xf32>,
      tpu.vector_store %arg7[%swap3A_560, %swap3A_561], %gather3A_558 {strides = array<i32>} : memref<32x128xf32, #tpu.memory_space<vmem>>, vector<16xf32>,
      %broadcast_in_dim3A_563 = arith.constant 8 : i32
      %broadcast_in_dim3A_564 = vector.broadcast %broadcast_in_dim3A_563 : i32 to vector<16xi32>
      %gather3A_565 = tpu.vector_load_idx %arg6[%broadcast_in_dim3A_564, %sub3A_506] : memref<32x3328xf32, #tpu.memory_space<vmem>>[vector<16xi32>, vector<16xi32>], vector<16xf32>,
      %swap3A_566 = arith.constant 8 : i32
      %swap3A_567 = arith.index_cast %swap3A_566 : i32 to index
      %swap3A_568 = arith.constant 32 : index
      %swap3A_569 = tpu.vector_load %arg7[%swap3A_567, %swap3A_568] {strides = array<i32>} : memref<32x128xf32, #tpu.memory_space<vmem>>, vector<16xf32>,
      tpu.vector_store %arg7[%swap3A_567, %swap3A_568], %gather3A_565 {strides = array<i32>} : memref<32x128xf32, #tpu.memory_space<vmem>>, vector<16xf32>,
      %broadcast_in_dim3A_570 = arith.constant 9 : i32
      %broadcast_in_dim3A_571 = vector.broadcast %broadcast_in_dim3A_570 : i32 to vector<16xi32>
      %gather3A_572 = tpu.vector_load_idx %arg6[%broadcast_in_dim3A_571, %sub3A_506] : memref<32x3328xf32, #tpu.memory_space<vmem>>[vector<16xi32>, vector<16xi32>], vector<16xf32>,
      %swap3A_573 = arith.constant 9 : i32
      %swap3A_574 = arith.index_cast %swap3A_573 : i32 to index
      %swap3A_575 = arith.constant 32 : index
      %swap3A_576 = tpu.vector_load %arg7[%swap3A_574, %swap3A_575] {strides = array<i32>} : memref<32x128xf32, #tpu.memory_space<vmem>>, vector<16xf32>,
      tpu.vector_store %arg7[%swap3A_574, %swap3A_575], %gather3A_572 {strides = array<i32>} : memref<32x128xf32, #tpu.memory_space<vmem>>, vector<16xf32>,
      %broadcast_in_dim3A_577 = arith.constant 10 : i32
      %broadcast_in_dim3A_578 = vector.broadcast %broadcast_in_dim3A_577 : i32 to vector<16xi32>
      %gather3A_579 = tpu.vector_load_idx %arg6[%broadcast_in_dim3A_578, %sub3A_506] : memref<32x3328xf32, #tpu.memory_space<vmem>>[vector<16xi32>, vector<16xi32>], vector<16xf32>,
      %swap3A_580 = arith.constant 10 : i32
      %swap3A_581 = arith.index_cast %swap3A_580 : i32 to index
      %swap3A_582 = arith.constant 32 : index
      %swap3A_583 = tpu.vector_load %arg7[%swap3A_581, %swap3A_582] {strides = array<i32>} : memref<32x128xf32, #tpu.memory_space<vmem>>, vector<16xf32>,
      tpu.vector_store %arg7[%swap3A_581, %swap3A_582], %gather3A_579 {strides = array<i32>} : memref<32x128xf32, #tpu.memory_space<vmem>>, vector<16xf32>,
      %broadcast_in_dim3A_584 = arith.constant 11 : i32
      %broadcast_in_dim3A_585 = vector.broadcast %broadcast_in_dim3A_584 : i32 to vector<16xi32>
      %gather3A_586 = tpu.vector_load_idx %arg6[%broadcast_in_dim3A_585, %sub3A_506] : memref<32x3328xf32, #tpu.memory_space<vmem>>[vector<16xi32>, vector<16xi32>], vector<16xf32>,
      %swap3A_587 = arith.constant 11 : i32
      %swap3A_588 = arith.index_cast %swap3A_587 : i32 to index
      %swap3A_589 = arith.constant 32 : index
      %swap3A_590 = tpu.vector_load %arg7[%swap3A_588, %swap3A_589] {strides = array<i32>} : memref<32x128xf32, #tpu.memory_space<vmem>>, vector<16xf32>,
      tpu.vector_store %arg7[%swap3A_588, %swap3A_589], %gather3A_586 {strides = array<i32>} : memref<32x128xf32, #tpu.memory_space<vmem>>, vector<16xf32>,
      %broadcast_in_dim3A_591 = arith.constant 12 : i32
      %broadcast_in_dim3A_592 = vector.broadcast %broadcast_in_dim3A_591 : i32 to vector<16xi32>
      %gather3A_593 = tpu.vector_load_idx %arg6[%broadcast_in_dim3A_592, %sub3A_506] : memref<32x3328xf32, #tpu.memory_space<vmem>>[vector<16xi32>, vector<16xi32>], vector<16xf32>,
      %swap3A_594 = arith.constant 12 : i32
      %swap3A_595 = arith.index_cast %swap3A_594 : i32 to index
      %swap3A_596 = arith.constant 32 : index
      %swap3A_597 = tpu.vector_load %arg7[%swap3A_595, %swap3A_596] {strides = array<i32>} : memref<32x128xf32, #tpu.memory_space<vmem>>, vector<16xf32>,
      tpu.vector_store %arg7[%swap3A_595, %swap3A_596], %gather3A_593 {strides = array<i32>} : memref<32x128xf32, #tpu.memory_space<vmem>>, vector<16xf32>,
      %broadcast_in_dim3A_598 = arith.constant 13 : i32
      %broadcast_in_dim3A_599 = vector.broadcast %broadcast_in_dim3A_598 : i32 to vector<16xi32>
      %gather3A_600 = tpu.vector_load_idx %arg6[%broadcast_in_dim3A_599, %sub3A_506] : memref<32x3328xf32, #tpu.memory_space<vmem>>[vector<16xi32>, vector<16xi32>], vector<16xf32>,
      %swap3A_601 = arith.constant 13 : i32
      %swap3A_602 = arith.index_cast %swap3A_601 : i32 to index
      %swap3A_603 = arith.constant 32 : index
      %swap3A_604 = tpu.vector_load %arg7[%swap3A_602, %swap3A_603] {strides = array<i32>} : memref<32x128xf32, #tpu.memory_space<vmem>>, vector<16xf32>,
      tpu.vector_store %arg7[%swap3A_602, %swap3A_603], %gather3A_600 {strides = array<i32>} : memref<32x128xf32, #tpu.memory_space<vmem>>, vector<16xf32>,
      %broadcast_in_dim3A_605 = arith.constant 14 : i32
      %broadcast_in_dim3A_606 = vector.broadcast %broadcast_in_dim3A_605 : i32 to vector<16xi32>
      %gather3A_607 = tpu.vector_load_idx %arg6[%broadcast_in_dim3A_606, %sub3A_506] : memref<32x3328xf32, #tpu.memory_space<vmem>>[vector<16xi32>, vector<16xi32>], vector<16xf32>,
      %swap3A_608 = arith.constant 14 : i32
      %swap3A_609 = arith.index_cast %swap3A_608 : i32 to index
      %swap3A_610 = arith.constant 32 : index
      %swap3A_611 = tpu.vector_load %arg7[%swap3A_609, %swap3A_610] {strides = array<i32>} : memref<32x128xf32, #tpu.memory_space<vmem>>, vector<16xf32>,
      tpu.vector_store %arg7[%swap3A_609, %swap3A_610], %gather3A_607 {strides = array<i32>} : memref<32x128xf32, #tpu.memory_space<vmem>>, vector<16xf32>,
      %broadcast_in_dim3A_612 = arith.constant 15 : i32
      %broadcast_in_dim3A_613 = vector.broadcast %broadcast_in_dim3A_612 : i32 to vector<16xi32>
      %gather3A_614 = tpu.vector_load_idx %arg6[%broadcast_in_dim3A_613, %sub3A_506] : memref<32x3328xf32, #tpu.memory_space<vmem>>[vector<16xi32>, vector<16xi32>], vector<16xf32>,
      %swap3A_615 = arith.constant 15 : i32
      %swap3A_616 = arith.index_cast %swap3A_615 : i32 to index
      %swap3A_617 = arith.constant 32 : index
      %swap3A_618 = tpu.vector_load %arg7[%swap3A_616, %swap3A_617] {strides = array<i32>} : memref<32x128xf32, #tpu.memory_space<vmem>>, vector<16xf32>,
      tpu.vector_store %arg7[%swap3A_616, %swap3A_617], %gather3A_614 {strides = array<i32>} : memref<32x128xf32, #tpu.memory_space<vmem>>, vector<16xf32>,
      %broadcast_in_dim3A_619 = arith.constant 16 : i32
      %broadcast_in_dim3A_620 = vector.broadcast %broadcast_in_dim3A_619 : i32 to vector<16xi32>
      %gather3A_621 = tpu.vector_load_idx %arg6[%broadcast_in_dim3A_620, %sub3A_506] : memref<32x3328xf32, #tpu.memory_space<vmem>>[vector<16xi32>, vector<16xi32>], vector<16xf32>,
      %swap3A_622 = arith.constant 16 : i32
      %swap3A_623 = arith.index_cast %swap3A_622 : i32 to index
      %swap3A_624 = arith.constant 32 : index
      %swap3A_625 = tpu.vector_load %arg7[%swap3A_623, %swap3A_624] {strides = array<i32>} : memref<32x128xf32, #tpu.memory_space<vmem>>, vector<16xf32>,
      tpu.vector_store %arg7[%swap3A_623, %swap3A_624], %gather3A_621 {strides = array<i32>} : memref<32x128xf32, #tpu.memory_space<vmem>>, vector<16xf32>,
      %broadcast_in_dim3A_626 = arith.constant 17 : i32
      %broadcast_in_dim3A_627 = vector.broadcast %broadcast_in_dim3A_626 : i32 to vector<16xi32>
      %gather3A_628 = tpu.vector_load_idx %arg6[%broadcast_in_dim3A_627, %sub3A_506] : memref<32x3328xf32, #tpu.memory_space<vmem>>[vector<16xi32>, vector<16xi32>], vector<16xf32>,
      %swap3A_629 = arith.constant 17 : i32
      %swap3A_630 = arith.index_cast %swap3A_629 : i32 to index
      %swap3A_631 = arith.constant 32 : index
      %swap3A_632 = tpu.vector_load %arg7[%swap3A_630, %swap3A_631] {strides = array<i32>} : memref<32x128xf32, #tpu.memory_space<vmem>>, vector<16xf32>,
      tpu.vector_store %arg7[%swap3A_630, %swap3A_631], %gather3A_628 {strides = array<i32>} : memref<32x128xf32, #tpu.memory_space<vmem>>, vector<16xf32>,
      %broadcast_in_dim3A_633 = arith.constant 18 : i32
      %broadcast_in_dim3A_634 = vector.broadcast %broadcast_in_dim3A_633 : i32 to vector<16xi32>
      %gather3A_635 = tpu.vector_load_idx %arg6[%broadcast_in_dim3A_634, %sub3A_506] : memref<32x3328xf32, #tpu.memory_space<vmem>>[vector<16xi32>, vector<16xi32>], vector<16xf32>,
      %swap3A_636 = arith.constant 18 : i32
      %swap3A_637 = arith.index_cast %swap3A_636 : i32 to index
      %swap3A_638 = arith.constant 32 : index
      %swap3A_639 = tpu.vector_load %arg7[%swap3A_637, %swap3A_638] {strides = array<i32>} : memref<32x128xf32, #tpu.memory_space<vmem>>, vector<16xf32>,
      tpu.vector_store %arg7[%swap3A_637, %swap3A_638], %gather3A_635 {strides = array<i32>} : memref<32x128xf32, #tpu.memory_space<vmem>>, vector<16xf32>,
      %broadcast_in_dim3A_640 = arith.constant 19 : i32
      %broadcast_in_dim3A_641 = vector.broadcast %broadcast_in_dim3A_640 : i32 to vector<16xi32>
      %gather3A_642 = tpu.vector_load_idx %arg6[%broadcast_in_dim3A_641, %sub3A_506] : memref<32x3328xf32, #tpu.memory_space<vmem>>[vector<16xi32>, vector<16xi32>], vector<16xf32>,
      %swap3A_643 = arith.constant 19 : i32
      %swap3A_644 = arith.index_cast %swap3A_643 : i32 to index
      %swap3A_645 = arith.constant 32 : index
      %swap3A_646 = tpu.vector_load %arg7[%swap3A_644, %swap3A_645] {strides = array<i32>} : memref<32x128xf32, #tpu.memory_space<vmem>>, vector<16xf32>,
      tpu.vector_store %arg7[%swap3A_644, %swap3A_645], %gather3A_642 {strides = array<i32>} : memref<32x128xf32, #tpu.memory_space<vmem>>, vector<16xf32>,
      %broadcast_in_dim3A_647 = arith.constant 20 : i32
      %broadcast_in_dim3A_648 = vector.broadcast %broadcast_in_dim3A_647 : i32 to vector<16xi32>
      %gather3A_649 = tpu.vector_load_idx %arg6[%broadcast_in_dim3A_648, %sub3A_506] : memref<32x3328xf32, #tpu.memory_space<vmem>>[vector<16xi32>, vector<16xi32>], vector<16xf32>,
      %swap3A_650 = arith.constant 20 : i32
      %swap3A_651 = arith.index_cast %swap3A_650 : i32 to index
      %swap3A_652 = arith.constant 32 : index
      %swap3A_653 = tpu.vector_load %arg7[%swap3A_651, %swap3A_652] {strides = array<i32>} : memref<32x128xf32, #tpu.memory_space<vmem>>, vector<16xf32>,
      tpu.vector_store %arg7[%swap3A_651, %swap3A_652], %gather3A_649 {strides = array<i32>} : memref<32x128xf32, #tpu.memory_space<vmem>>, vector<16xf32>,
      %broadcast_in_dim3A_654 = arith.constant 21 : i32
      %broadcast_in_dim3A_655 = vector.broadcast %broadcast_in_dim3A_654 : i32 to vector<16xi32>
      %gather3A_656 = tpu.vector_load_idx %arg6[%broadcast_in_dim3A_655, %sub3A_506] : memref<32x3328xf32, #tpu.memory_space<vmem>>[vector<16xi32>, vector<16xi32>], vector<16xf32>,
      %swap3A_657 = arith.constant 21 : i32
      %swap3A_658 = arith.index_cast %swap3A_657 : i32 to index
      %swap3A_659 = arith.constant 32 : index
      %swap3A_660 = tpu.vector_load %arg7[%swap3A_658, %swap3A_659] {strides = array<i32>} : memref<32x128xf32, #tpu.memory_space<vmem>>, vector<16xf32>,
      tpu.vector_store %arg7[%swap3A_658, %swap3A_659], %gather3A_656 {strides = array<i32>} : memref<32x128xf32, #tpu.memory_space<vmem>>, vector<16xf32>,
      %broadcast_in_dim3A_661 = arith.constant 22 : i32
      %broadcast_in_dim3A_662 = vector.broadcast %broadcast_in_dim3A_661 : i32 to vector<16xi32>
      %gather3A_663 = tpu.vector_load_idx %arg6[%broadcast_in_dim3A_662, %sub3A_506] : memref<32x3328xf32, #tpu.memory_space<vmem>>[vector<16xi32>, vector<16xi32>], vector<16xf32>,
      %swap3A_664 = arith.constant 22 : i32
      %swap3A_665 = arith.index_cast %swap3A_664 : i32 to index
      %swap3A_666 = arith.constant 32 : index
      %swap3A_667 = tpu.vector_load %arg7[%swap3A_665, %swap3A_666] {strides = array<i32>} : memref<32x128xf32, #tpu.memory_space<vmem>>, vector<16xf32>,
      tpu.vector_store %arg7[%swap3A_665, %swap3A_666], %gather3A_663 {strides = array<i32>} : memref<32x128xf32, #tpu.memory_space<vmem>>, vector<16xf32>,
      %broadcast_in_dim3A_668 = arith.constant 23 : i32
      %broadcast_in_dim3A_669 = vector.broadcast %broadcast_in_dim3A_668 : i32 to vector<16xi32>
      %gather3A_670 = tpu.vector_load_idx %arg6[%broadcast_in_dim3A_669, %sub3A_506] : memref<32x3328xf32, #tpu.memory_space<vmem>>[vector<16xi32>, vector<16xi32>], vector<16xf32>,
      %swap3A_671 = arith.constant 23 : i32
      %swap3A_672 = arith.index_cast %swap3A_671 : i32 to index
      %swap3A_673 = arith.constant 32 : index
      %swap3A_674 = tpu.vector_load %arg7[%swap3A_672, %swap3A_673] {strides = array<i32>} : memref<32x128xf32, #tpu.memory_space<vmem>>, vector<16xf32>,
      tpu.vector_store %arg7[%swap3A_672, %swap3A_673], %gather3A_670 {strides = array<i32>} : memref<32x128xf32, #tpu.memory_space<vmem>>, vector<16xf32>,
      %broadcast_in_dim3A_675 = arith.constant 24 : i32
      %broadcast_in_dim3A_676 = vector.broadcast %broadcast_in_dim3A_675 : i32 to vector<16xi32>
      %gather3A_677 = tpu.vector_load_idx %arg6[%broadcast_in_dim3A_676, %sub3A_506] : memref<32x3328xf32, #tpu.memory_space<vmem>>[vector<16xi32>, vector<16xi32>], vector<16xf32>,
      %swap3A_678 = arith.constant 24 : i32
      %swap3A_679 = arith.index_cast %swap3A_678 : i32 to index
      %swap3A_680 = arith.constant 32 : index
      %swap3A_681 = tpu.vector_load %arg7[%swap3A_679, %swap3A_680] {strides = array<i32>} : memref<32x128xf32, #tpu.memory_space<vmem>>, vector<16xf32>,
      tpu.vector_store %arg7[%swap3A_679, %swap3A_680], %gather3A_677 {strides = array<i32>} : memref<32x128xf32, #tpu.memory_space<vmem>>, vector<16xf32>,
      %broadcast_in_dim3A_682 = arith.constant 25 : i32
      %broadcast_in_dim3A_683 = vector.broadcast %broadcast_in_dim3A_682 : i32 to vector<16xi32>
      %gather3A_684 = tpu.vector_load_idx %arg6[%broadcast_in_dim3A_683, %sub3A_506] : memref<32x3328xf32, #tpu.memory_space<vmem>>[vector<16xi32>, vector<16xi32>], vector<16xf32>,
      %swap3A_685 = arith.constant 25 : i32
      %swap3A_686 = arith.index_cast %swap3A_685 : i32 to index
      %swap3A_687 = arith.constant 32 : index
      %swap3A_688 = tpu.vector_load %arg7[%swap3A_686, %swap3A_687] {strides = array<i32>} : memref<32x128xf32, #tpu.memory_space<vmem>>, vector<16xf32>,
      tpu.vector_store %arg7[%swap3A_686, %swap3A_687], %gather3A_684 {strides = array<i32>} : memref<32x128xf32, #tpu.memory_space<vmem>>, vector<16xf32>,
      %broadcast_in_dim3A_689 = arith.constant 26 : i32
      %broadcast_in_dim3A_690 = vector.broadcast %broadcast_in_dim3A_689 : i32 to vector<16xi32>
      %gather3A_691 = tpu.vector_load_idx %arg6[%broadcast_in_dim3A_690, %sub3A_506] : memref<32x3328xf32, #tpu.memory_space<vmem>>[vector<16xi32>, vector<16xi32>], vector<16xf32>,
      %swap3A_692 = arith.constant 26 : i32
      %swap3A_693 = arith.index_cast %swap3A_692 : i32 to index
      %swap3A_694 = arith.constant 32 : index
      %swap3A_695 = tpu.vector_load %arg7[%swap3A_693, %swap3A_694] {strides = array<i32>} : memref<32x128xf32, #tpu.memory_space<vmem>>, vector<16xf32>,
      tpu.vector_store %arg7[%swap3A_693, %swap3A_694], %gather3A_691 {strides = array<i32>} : memref<32x128xf32, #tpu.memory_space<vmem>>, vector<16xf32>,
      %broadcast_in_dim3A_696 = arith.constant 27 : i32
      %broadcast_in_dim3A_697 = vector.broadcast %broadcast_in_dim3A_696 : i32 to vector<16xi32>
      %gather3A_698 = tpu.vector_load_idx %arg6[%broadcast_in_dim3A_697, %sub3A_506] : memref<32x3328xf32, #tpu.memory_space<vmem>>[vector<16xi32>, vector<16xi32>], vector<16xf32>,
      %swap3A_699 = arith.constant 27 : i32
      %swap3A_700 = arith.index_cast %swap3A_699 : i32 to index
      %swap3A_701 = arith.constant 32 : index
      %swap3A_702 = tpu.vector_load %arg7[%swap3A_700, %swap3A_701] {strides = array<i32>} : memref<32x128xf32, #tpu.memory_space<vmem>>, vector<16xf32>,
      tpu.vector_store %arg7[%swap3A_700, %swap3A_701], %gather3A_698 {strides = array<i32>} : memref<32x128xf32, #tpu.memory_space<vmem>>, vector<16xf32>,
      %broadcast_in_dim3A_703 = arith.constant 28 : i32
      %broadcast_in_dim3A_704 = vector.broadcast %broadcast_in_dim3A_703 : i32 to vector<16xi32>
      %gather3A_705 = tpu.vector_load_idx %arg6[%broadcast_in_dim3A_704, %sub3A_506] : memref<32x3328xf32, #tpu.memory_space<vmem>>[vector<16xi32>, vector<16xi32>], vector<16xf32>,
      %swap3A_706 = arith.constant 28 : i32
      %swap3A_707 = arith.index_cast %swap3A_706 : i32 to index
      %swap3A_708 = arith.constant 32 : index
      %swap3A_709 = tpu.vector_load %arg7[%swap3A_707, %swap3A_708] {strides = array<i32>} : memref<32x128xf32, #tpu.memory_space<vmem>>, vector<16xf32>,
      tpu.vector_store %arg7[%swap3A_707, %swap3A_708], %gather3A_705 {strides = array<i32>} : memref<32x128xf32, #tpu.memory_space<vmem>>, vector<16xf32>,
      %broadcast_in_dim3A_710 = arith.constant 29 : i32
      %broadcast_in_dim3A_711 = vector.broadcast %broadcast_in_dim3A_710 : i32 to vector<16xi32>
      %gather3A_712 = tpu.vector_load_idx %arg6[%broadcast_in_dim3A_711, %sub3A_506] : memref<32x3328xf32, #tpu.memory_space<vmem>>[vector<16xi32>, vector<16xi32>], vector<16xf32>,
      %swap3A_713 = arith.constant 29 : i32
      %swap3A_714 = arith.index_cast %swap3A_713 : i32 to index
      %swap3A_715 = arith.constant 32 : index
      %swap3A_716 = tpu.vector_load %arg7[%swap3A_714, %swap3A_715] {strides = array<i32>} : memref<32x128xf32, #tpu.memory_space<vmem>>, vector<16xf32>,
      tpu.vector_store %arg7[%swap3A_714, %swap3A_715], %gather3A_712 {strides = array<i32>} : memref<32x128xf32, #tpu.memory_space<vmem>>, vector<16xf32>,
      %broadcast_in_dim3A_717 = arith.constant 30 : i32
      %broadcast_in_dim3A_718 = vector.broadcast %broadcast_in_dim3A_717 : i32 to vector<16xi32>
      %gather3A_719 = tpu.vector_load_idx %arg6[%broadcast_in_dim3A_718, %sub3A_506] : memref<32x3328xf32, #tpu.memory_space<vmem>>[vector<16xi32>, vector<16xi32>], vector<16xf32>,
      %swap3A_720 = arith.constant 30 : i32
      %swap3A_721 = arith.index_cast %swap3A_720 : i32 to index
      %swap3A_722 = arith.constant 32 : index
      %swap3A_723 = tpu.vector_load %arg7[%swap3A_721, %swap3A_722] {strides = array<i32>} : memref<32x128xf32, #tpu.memory_space<vmem>>, vector<16xf32>,
      tpu.vector_store %arg7[%swap3A_721, %swap3A_722], %gather3A_719 {strides = array<i32>} : memref<32x128xf32, #tpu.memory_space<vmem>>, vector<16xf32>,
      %broadcast_in_dim3A_724 = arith.constant 31 : i32
      %broadcast_in_dim3A_725 = vector.broadcast %broadcast_in_dim3A_724 : i32 to vector<16xi32>
      %gather3A_726 = tpu.vector_load_idx %arg6[%broadcast_in_dim3A_725, %sub3A_506] : memref<32x3328xf32, #tpu.memory_space<vmem>>[vector<16xi32>, vector<16xi32>], vector<16xf32>,
      %swap3A_727 = arith.constant 31 : i32
      %swap3A_728 = arith.index_cast %swap3A_727 : i32 to index
      %swap3A_729 = arith.constant 32 : index
      %swap3A_730 = tpu.vector_load %arg7[%swap3A_728, %swap3A_729] {strides = array<i32>} : memref<32x128xf32, #tpu.memory_space<vmem>>, vector<16xf32>,
      tpu.vector_store %arg7[%swap3A_728, %swap3A_729], %gather3A_726 {strides = array<i32>} : memref<32x128xf32, #tpu.memory_space<vmem>>, vector<16xf32>,
      %get3A_731 = arith.constant 48 : index
      %get3A_732 = tpu.vector_load %arg5[%get3A_731] {strides = array<i32>} : memref<128xi32, #tpu.memory_space<vmem>>, vector<16xi32>,
      %sub3A_733 = vector.broadcast %multiple_of3A : i32 to vector<16xi32>
      %sub3A_734 = arith.subi %get3A_732, %sub3A_733 : vector<16xi32>
      %broadcast_in_dim3A_735 = arith.constant 0 : i32
      %broadcast_in_dim3A_736 = vector.broadcast %broadcast_in_dim3A_735 : i32 to vector<16xi32>
      %gather3A_737 = tpu.vector_load_idx %arg6[%broadcast_in_dim3A_736, %sub3A_734] : memref<32x3328xf32, #tpu.memory_space<vmem>>[vector<16xi32>, vector<16xi32>], vector<16xf32>,
      %swap3A_738 = arith.constant 0 : i32
      %swap3A_739 = arith.index_cast %swap3A_738 : i32 to index
      %swap3A_740 = arith.constant 48 : index
      %swap3A_741 = tpu.vector_load %arg7[%swap3A_739, %swap3A_740] {strides = array<i32>} : memref<32x128xf32, #tpu.memory_space<vmem>>, vector<16xf32>,
      tpu.vector_store %arg7[%swap3A_739, %swap3A_740], %gather3A_737 {strides = array<i32>} : memref<32x128xf32, #tpu.memory_space<vmem>>, vector<16xf32>,
      %broadcast_in_dim3A_742 = arith.constant 1 : i32
      %broadcast_in_dim3A_743 = vector.broadcast %broadcast_in_dim3A_742 : i32 to vector<16xi32>
      %gather3A_744 = tpu.vector_load_idx %arg6[%broadcast_in_dim3A_743, %sub3A_734] : memref<32x3328xf32, #tpu.memory_space<vmem>>[vector<16xi32>, vector<16xi32>], vector<16xf32>,
      %swap3A_745 = arith.constant 1 : i32
      %swap3A_746 = arith.index_cast %swap3A_745 : i32 to index
      %swap3A_747 = arith.constant 48 : index
      %swap3A_748 = tpu.vector_load %arg7[%swap3A_746, %swap3A_747] {strides = array<i32>} : memref<32x128xf32, #tpu.memory_space<vmem>>, vector<16xf32>,
      tpu.vector_store %arg7[%swap3A_746, %swap3A_747], %gather3A_744 {strides = array<i32>} : memref<32x128xf32, #tpu.memory_space<vmem>>, vector<16xf32>,
      %broadcast_in_dim3A_749 = arith.constant 2 : i32
      %broadcast_in_dim3A_750 = vector.broadcast %broadcast_in_dim3A_749 : i32 to vector<16xi32>
      %gather3A_751 = tpu.vector_load_idx %arg6[%broadcast_in_dim3A_750, %sub3A_734] : memref<32x3328xf32, #tpu.memory_space<vmem>>[vector<16xi32>, vector<16xi32>], vector<16xf32>,
      %swap3A_752 = arith.constant 2 : i32
      %swap3A_753 = arith.index_cast %swap3A_752 : i32 to index
      %swap3A_754 = arith.constant 48 : index
      %swap3A_755 = tpu.vector_load %arg7[%swap3A_753, %swap3A_754] {strides = array<i32>} : memref<32x128xf32, #tpu.memory_space<vmem>>, vector<16xf32>,
      tpu.vector_store %arg7[%swap3A_753, %swap3A_754], %gather3A_751 {strides = array<i32>} : memref<32x128xf32, #tpu.memory_space<vmem>>, vector<16xf32>,
      %broadcast_in_dim3A_756 = arith.constant 3 : i32
      %broadcast_in_dim3A_757 = vector.broadcast %broadcast_in_dim3A_756 : i32 to vector<16xi32>
      %gather3A_758 = tpu.vector_load_idx %arg6[%broadcast_in_dim3A_757, %sub3A_734] : memref<32x3328xf32, #tpu.memory_space<vmem>>[vector<16xi32>, vector<16xi32>], vector<16xf32>,
      %swap3A_759 = arith.constant 3 : i32
      %swap3A_760 = arith.index_cast %swap3A_759 : i32 to index
      %swap3A_761 = arith.constant 48 : index
      %swap3A_762 = tpu.vector_load %arg7[%swap3A_760, %swap3A_761] {strides = array<i32>} : memref<32x128xf32, #tpu.memory_space<vmem>>, vector<16xf32>,
      tpu.vector_store %arg7[%swap3A_760, %swap3A_761], %gather3A_758 {strides = array<i32>} : memref<32x128xf32, #tpu.memory_space<vmem>>, vector<16xf32>,
      %broadcast_in_dim3A_763 = arith.constant 4 : i32
      %broadcast_in_dim3A_764 = vector.broadcast %broadcast_in_dim3A_763 : i32 to vector<16xi32>
      %gather3A_765 = tpu.vector_load_idx %arg6[%broadcast_in_dim3A_764, %sub3A_734] : memref<32x3328xf32, #tpu.memory_space<vmem>>[vector<16xi32>, vector<16xi32>], vector<16xf32>,
      %swap3A_766 = arith.constant 4 : i32
      %swap3A_767 = arith.index_cast %swap3A_766 : i32 to index
      %swap3A_768 = arith.constant 48 : index
      %swap3A_769 = tpu.vector_load %arg7[%swap3A_767, %swap3A_768] {strides = array<i32>} : memref<32x128xf32, #tpu.memory_space<vmem>>, vector<16xf32>,
      tpu.vector_store %arg7[%swap3A_767, %swap3A_768], %gather3A_765 {strides = array<i32>} : memref<32x128xf32, #tpu.memory_space<vmem>>, vector<16xf32>,
      %broadcast_in_dim3A_770 = arith.constant 5 : i32
      %broadcast_in_dim3A_771 = vector.broadcast %broadcast_in_dim3A_770 : i32 to vector<16xi32>
      %gather3A_772 = tpu.vector_load_idx %arg6[%broadcast_in_dim3A_771, %sub3A_734] : memref<32x3328xf32, #tpu.memory_space<vmem>>[vector<16xi32>, vector<16xi32>], vector<16xf32>,
      %swap3A_773 = arith.constant 5 : i32
      %swap3A_774 = arith.index_cast %swap3A_773 : i32 to index
      %swap3A_775 = arith.constant 48 : index
      %swap3A_776 = tpu.vector_load %arg7[%swap3A_774, %swap3A_775] {strides = array<i32>} : memref<32x128xf32, #tpu.memory_space<vmem>>, vector<16xf32>,
      tpu.vector_store %arg7[%swap3A_774, %swap3A_775], %gather3A_772 {strides = array<i32>} : memref<32x128xf32, #tpu.memory_space<vmem>>, vector<16xf32>,
      %broadcast_in_dim3A_777 = arith.constant 6 : i32
      %broadcast_in_dim3A_778 = vector.broadcast %broadcast_in_dim3A_777 : i32 to vector<16xi32>
      %gather3A_779 = tpu.vector_load_idx %arg6[%broadcast_in_dim3A_778, %sub3A_734] : memref<32x3328xf32, #tpu.memory_space<vmem>>[vector<16xi32>, vector<16xi32>], vector<16xf32>,
      %swap3A_780 = arith.constant 6 : i32
      %swap3A_781 = arith.index_cast %swap3A_780 : i32 to index
      %swap3A_782 = arith.constant 48 : index
      %swap3A_783 = tpu.vector_load %arg7[%swap3A_781, %swap3A_782] {strides = array<i32>} : memref<32x128xf32, #tpu.memory_space<vmem>>, vector<16xf32>,
      tpu.vector_store %arg7[%swap3A_781, %swap3A_782], %gather3A_779 {strides = array<i32>} : memref<32x128xf32, #tpu.memory_space<vmem>>, vector<16xf32>,
      %broadcast_in_dim3A_784 = arith.constant 7 : i32
      %broadcast_in_dim3A_785 = vector.broadcast %broadcast_in_dim3A_784 : i32 to vector<16xi32>
      %gather3A_786 = tpu.vector_load_idx %arg6[%broadcast_in_dim3A_785, %sub3A_734] : memref<32x3328xf32, #tpu.memory_space<vmem>>[vector<16xi32>, vector<16xi32>], vector<16xf32>,
      %swap3A_787 = arith.constant 7 : i32
      %swap3A_788 = arith.index_cast %swap3A_787 : i32 to index
      %swap3A_789 = arith.constant 48 : index
      %swap3A_790 = tpu.vector_load %arg7[%swap3A_788, %swap3A_789] {strides = array<i32>} : memref<32x128xf32, #tpu.memory_space<vmem>>, vector<16xf32>,
      tpu.vector_store %arg7[%swap3A_788, %swap3A_789], %gather3A_786 {strides = array<i32>} : memref<32x128xf32, #tpu.memory_space<vmem>>, vector<16xf32>,
      %broadcast_in_dim3A_791 = arith.constant 8 : i32
      %broadcast_in_dim3A_792 = vector.broadcast %broadcast_in_dim3A_791 : i32 to vector<16xi32>
      %gather3A_793 = tpu.vector_load_idx %arg6[%broadcast_in_dim3A_792, %sub3A_734] : memref<32x3328xf32, #tpu.memory_space<vmem>>[vector<16xi32>, vector<16xi32>], vector<16xf32>,
      %swap3A_794 = arith.constant 8 : i32
      %swap3A_795 = arith.index_cast %swap3A_794 : i32 to index
      %swap3A_796 = arith.constant 48 : index
      %swap3A_797 = tpu.vector_load %arg7[%swap3A_795, %swap3A_796] {strides = array<i32>} : memref<32x128xf32, #tpu.memory_space<vmem>>, vector<16xf32>,
      tpu.vector_store %arg7[%swap3A_795, %swap3A_796], %gather3A_793 {strides = array<i32>} : memref<32x128xf32, #tpu.memory_space<vmem>>, vector<16xf32>,
      %broadcast_in_dim3A_798 = arith.constant 9 : i32
      %broadcast_in_dim3A_799 = vector.broadcast %broadcast_in_dim3A_798 : i32 to vector<16xi32>
      %gather3A_800 = tpu.vector_load_idx %arg6[%broadcast_in_dim3A_799, %sub3A_734] : memref<32x3328xf32, #tpu.memory_space<vmem>>[vector<16xi32>, vector<16xi32>], vector<16xf32>,
      %swap3A_801 = arith.constant 9 : i32
      %swap3A_802 = arith.index_cast %swap3A_801 : i32 to index
      %swap3A_803 = arith.constant 48 : index
      %swap3A_804 = tpu.vector_load %arg7[%swap3A_802, %swap3A_803] {strides = array<i32>} : memref<32x128xf32, #tpu.memory_space<vmem>>, vector<16xf32>,
      tpu.vector_store %arg7[%swap3A_802, %swap3A_803], %gather3A_800 {strides = array<i32>} : memref<32x128xf32, #tpu.memory_space<vmem>>, vector<16xf32>,
      %broadcast_in_dim3A_805 = arith.constant 10 : i32
      %broadcast_in_dim3A_806 = vector.broadcast %broadcast_in_dim3A_805 : i32 to vector<16xi32>
      %gather3A_807 = tpu.vector_load_idx %arg6[%broadcast_in_dim3A_806, %sub3A_734] : memref<32x3328xf32, #tpu.memory_space<vmem>>[vector<16xi32>, vector<16xi32>], vector<16xf32>,
      %swap3A_808 = arith.constant 10 : i32
      %swap3A_809 = arith.index_cast %swap3A_808 : i32 to index
      %swap3A_810 = arith.constant 48 : index
      %swap3A_811 = tpu.vector_load %arg7[%swap3A_809, %swap3A_810] {strides = array<i32>} : memref<32x128xf32, #tpu.memory_space<vmem>>, vector<16xf32>,
      tpu.vector_store %arg7[%swap3A_809, %swap3A_810], %gather3A_807 {strides = array<i32>} : memref<32x128xf32, #tpu.memory_space<vmem>>, vector<16xf32>,
      %broadcast_in_dim3A_812 = arith.constant 11 : i32
      %broadcast_in_dim3A_813 = vector.broadcast %broadcast_in_dim3A_812 : i32 to vector<16xi32>
      %gather3A_814 = tpu.vector_load_idx %arg6[%broadcast_in_dim3A_813, %sub3A_734] : memref<32x3328xf32, #tpu.memory_space<vmem>>[vector<16xi32>, vector<16xi32>], vector<16xf32>,
      %swap3A_815 = arith.constant 11 : i32
      %swap3A_816 = arith.index_cast %swap3A_815 : i32 to index
      %swap3A_817 = arith.constant 48 : index
      %swap3A_818 = tpu.vector_load %arg7[%swap3A_816, %swap3A_817] {strides = array<i32>} : memref<32x128xf32, #tpu.memory_space<vmem>>, vector<16xf32>,
      tpu.vector_store %arg7[%swap3A_816, %swap3A_817], %gather3A_814 {strides = array<i32>} : memref<32x128xf32, #tpu.memory_space<vmem>>, vector<16xf32>,
      %broadcast_in_dim3A_819 = arith.constant 12 : i32
      %broadcast_in_dim3A_820 = vector.broadcast %broadcast_in_dim3A_819 : i32 to vector<16xi32>
      %gather3A_821 = tpu.vector_load_idx %arg6[%broadcast_in_dim3A_820, %sub3A_734] : memref<32x3328xf32, #tpu.memory_space<vmem>>[vector<16xi32>, vector<16xi32>], vector<16xf32>,
      %swap3A_822 = arith.constant 12 : i32
      %swap3A_823 = arith.index_cast %swap3A_822 : i32 to index
      %swap3A_824 = arith.constant 48 : index
      %swap3A_825 = tpu.vector_load %arg7[%swap3A_823, %swap3A_824] {strides = array<i32>} : memref<32x128xf32, #tpu.memory_space<vmem>>, vector<16xf32>,
      tpu.vector_store %arg7[%swap3A_823, %swap3A_824], %gather3A_821 {strides = array<i32>} : memref<32x128xf32, #tpu.memory_space<vmem>>, vector<16xf32>,
      %broadcast_in_dim3A_826 = arith.constant 13 : i32
      %broadcast_in_dim3A_827 = vector.broadcast %broadcast_in_dim3A_826 : i32 to vector<16xi32>
      %gather3A_828 = tpu.vector_load_idx %arg6[%broadcast_in_dim3A_827, %sub3A_734] : memref<32x3328xf32, #tpu.memory_space<vmem>>[vector<16xi32>, vector<16xi32>], vector<16xf32>,
      %swap3A_829 = arith.constant 13 : i32
      %swap3A_830 = arith.index_cast %swap3A_829 : i32 to index
      %swap3A_831 = arith.constant 48 : index
      %swap3A_832 = tpu.vector_load %arg7[%swap3A_830, %swap3A_831] {strides = array<i32>} : memref<32x128xf32, #tpu.memory_space<vmem>>, vector<16xf32>,
      tpu.vector_store %arg7[%swap3A_830, %swap3A_831], %gather3A_828 {strides = array<i32>} : memref<32x128xf32, #tpu.memory_space<vmem>>, vector<16xf32>,
      %broadcast_in_dim3A_833 = arith.constant 14 : i32
      %broadcast_in_dim3A_834 = vector.broadcast %broadcast_in_dim3A_833 : i32 to vector<16xi32>
      %gather3A_835 = tpu.vector_load_idx %arg6[%broadcast_in_dim3A_834, %sub3A_734] : memref<32x3328xf32, #tpu.memory_space<vmem>>[vector<16xi32>, vector<16xi32>], vector<16xf32>,
      %swap3A_836 = arith.constant 14 : i32
      %swap3A_837 = arith.index_cast %swap3A_836 : i32 to index
      %swap3A_838 = arith.constant 48 : index
      %swap3A_839 = tpu.vector_load %arg7[%swap3A_837, %swap3A_838] {strides = array<i32>} : memref<32x128xf32, #tpu.memory_space<vmem>>, vector<16xf32>,
      tpu.vector_store %arg7[%swap3A_837, %swap3A_838], %gather3A_835 {strides = array<i32>} : memref<32x128xf32, #tpu.memory_space<vmem>>, vector<16xf32>,
      %broadcast_in_dim3A_840 = arith.constant 15 : i32
      %broadcast_in_dim3A_841 = vector.broadcast %broadcast_in_dim3A_840 : i32 to vector<16xi32>
      %gather3A_842 = tpu.vector_load_idx %arg6[%broadcast_in_dim3A_841, %sub3A_734] : memref<32x3328xf32, #tpu.memory_space<vmem>>[vector<16xi32>, vector<16xi32>], vector<16xf32>,
      %swap3A_843 = arith.constant 15 : i32
      %swap3A_844 = arith.index_cast %swap3A_843 : i32 to index
      %swap3A_845 = arith.constant 48 : index
      %swap3A_846 = tpu.vector_load %arg7[%swap3A_844, %swap3A_845] {strides = array<i32>} : memref<32x128xf32, #tpu.memory_space<vmem>>, vector<16xf32>,
      tpu.vector_store %arg7[%swap3A_844, %swap3A_845], %gather3A_842 {strides = array<i32>} : memref<32x128xf32, #tpu.memory_space<vmem>>, vector<16xf32>,
      %broadcast_in_dim3A_847 = arith.constant 16 : i32
      %broadcast_in_dim3A_848 = vector.broadcast %broadcast_in_dim3A_847 : i32 to vector<16xi32>
      %gather3A_849 = tpu.vector_load_idx %arg6[%broadcast_in_dim3A_848, %sub3A_734] : memref<32x3328xf32, #tpu.memory_space<vmem>>[vector<16xi32>, vector<16xi32>], vector<16xf32>,
      %swap3A_850 = arith.constant 16 : i32
      %swap3A_851 = arith.index_cast %swap3A_850 : i32 to index
      %swap3A_852 = arith.constant 48 : index
      %swap3A_853 = tpu.vector_load %arg7[%swap3A_851, %swap3A_852] {strides = array<i32>} : memref<32x128xf32, #tpu.memory_space<vmem>>, vector<16xf32>,
      tpu.vector_store %arg7[%swap3A_851, %swap3A_852], %gather3A_849 {strides = array<i32>} : memref<32x128xf32, #tpu.memory_space<vmem>>, vector<16xf32>,
      %broadcast_in_dim3A_854 = arith.constant 17 : i32
      %broadcast_in_dim3A_855 = vector.broadcast %broadcast_in_dim3A_854 : i32 to vector<16xi32>
      %gather3A_856 = tpu.vector_load_idx %arg6[%broadcast_in_dim3A_855, %sub3A_734] : memref<32x3328xf32, #tpu.memory_space<vmem>>[vector<16xi32>, vector<16xi32>], vector<16xf32>,
      %swap3A_857 = arith.constant 17 : i32
      %swap3A_858 = arith.index_cast %swap3A_857 : i32 to index
      %swap3A_859 = arith.constant 48 : index
      %swap3A_860 = tpu.vector_load %arg7[%swap3A_858, %swap3A_859] {strides = array<i32>} : memref<32x128xf32, #tpu.memory_space<vmem>>, vector<16xf32>,
      tpu.vector_store %arg7[%swap3A_858, %swap3A_859], %gather3A_856 {strides = array<i32>} : memref<32x128xf32, #tpu.memory_space<vmem>>, vector<16xf32>,
      %broadcast_in_dim3A_861 = arith.constant 18 : i32
      %broadcast_in_dim3A_862 = vector.broadcast %broadcast_in_dim3A_861 : i32 to vector<16xi32>
      %gather3A_863 = tpu.vector_load_idx %arg6[%broadcast_in_dim3A_862, %sub3A_734] : memref<32x3328xf32, #tpu.memory_space<vmem>>[vector<16xi32>, vector<16xi32>], vector<16xf32>,
      %swap3A_864 = arith.constant 18 : i32
      %swap3A_865 = arith.index_cast %swap3A_864 : i32 to index
      %swap3A_866 = arith.constant 48 : index
      %swap3A_867 = tpu.vector_load %arg7[%swap3A_865, %swap3A_866] {strides = array<i32>} : memref<32x128xf32, #tpu.memory_space<vmem>>, vector<16xf32>,
      tpu.vector_store %arg7[%swap3A_865, %swap3A_866], %gather3A_863 {strides = array<i32>} : memref<32x128xf32, #tpu.memory_space<vmem>>, vector<16xf32>,
      %broadcast_in_dim3A_868 = arith.constant 19 : i32
      %broadcast_in_dim3A_869 = vector.broadcast %broadcast_in_dim3A_868 : i32 to vector<16xi32>
      %gather3A_870 = tpu.vector_load_idx %arg6[%broadcast_in_dim3A_869, %sub3A_734] : memref<32x3328xf32, #tpu.memory_space<vmem>>[vector<16xi32>, vector<16xi32>], vector<16xf32>,
      %swap3A_871 = arith.constant 19 : i32
      %swap3A_872 = arith.index_cast %swap3A_871 : i32 to index
      %swap3A_873 = arith.constant 48 : index
      %swap3A_874 = tpu.vector_load %arg7[%swap3A_872, %swap3A_873] {strides = array<i32>} : memref<32x128xf32, #tpu.memory_space<vmem>>, vector<16xf32>,
      tpu.vector_store %arg7[%swap3A_872, %swap3A_873], %gather3A_870 {strides = array<i32>} : memref<32x128xf32, #tpu.memory_space<vmem>>, vector<16xf32>,
      %broadcast_in_dim3A_875 = arith.constant 20 : i32
      %broadcast_in_dim3A_876 = vector.broadcast %broadcast_in_dim3A_875 : i32 to vector<16xi32>
      %gather3A_877 = tpu.vector_load_idx %arg6[%broadcast_in_dim3A_876, %sub3A_734] : memref<32x3328xf32, #tpu.memory_space<vmem>>[vector<16xi32>, vector<16xi32>], vector<16xf32>,
      %swap3A_878 = arith.constant 20 : i32
      %swap3A_879 = arith.index_cast %swap3A_878 : i32 to index
      %swap3A_880 = arith.constant 48 : index
      %swap3A_881 = tpu.vector_load %arg7[%swap3A_879, %swap3A_880] {strides = array<i32>} : memref<32x128xf32, #tpu.memory_space<vmem>>, vector<16xf32>,
      tpu.vector_store %arg7[%swap3A_879, %swap3A_880], %gather3A_877 {strides = array<i32>} : memref<32x128xf32, #tpu.memory_space<vmem>>, vector<16xf32>,
      %broadcast_in_dim3A_882 = arith.constant 21 : i32
      %broadcast_in_dim3A_883 = vector.broadcast %broadcast_in_dim3A_882 : i32 to vector<16xi32>
      %gather3A_884 = tpu.vector_load_idx %arg6[%broadcast_in_dim3A_883, %sub3A_734] : memref<32x3328xf32, #tpu.memory_space<vmem>>[vector<16xi32>, vector<16xi32>], vector<16xf32>,
      %swap3A_885 = arith.constant 21 : i32
      %swap3A_886 = arith.index_cast %swap3A_885 : i32 to index
      %swap3A_887 = arith.constant 48 : index
      %swap3A_888 = tpu.vector_load %arg7[%swap3A_886, %swap3A_887] {strides = array<i32>} : memref<32x128xf32, #tpu.memory_space<vmem>>, vector<16xf32>,
      tpu.vector_store %arg7[%swap3A_886, %swap3A_887], %gather3A_884 {strides = array<i32>} : memref<32x128xf32, #tpu.memory_space<vmem>>, vector<16xf32>,
      %broadcast_in_dim3A_889 = arith.constant 22 : i32
      %broadcast_in_dim3A_890 = vector.broadcast %broadcast_in_dim3A_889 : i32 to vector<16xi32>
      %gather3A_891 = tpu.vector_load_idx %arg6[%broadcast_in_dim3A_890, %sub3A_734] : memref<32x3328xf32, #tpu.memory_space<vmem>>[vector<16xi32>, vector<16xi32>], vector<16xf32>,
      %swap3A_892 = arith.constant 22 : i32
      %swap3A_893 = arith.index_cast %swap3A_892 : i32 to index
      %swap3A_894 = arith.constant 48 : index
      %swap3A_895 = tpu.vector_load %arg7[%swap3A_893, %swap3A_894] {strides = array<i32>} : memref<32x128xf32, #tpu.memory_space<vmem>>, vector<16xf32>,
      tpu.vector_store %arg7[%swap3A_893, %swap3A_894], %gather3A_891 {strides = array<i32>} : memref<32x128xf32, #tpu.memory_space<vmem>>, vector<16xf32>,
      %broadcast_in_dim3A_896 = arith.constant 23 : i32
      %broadcast_in_dim3A_897 = vector.broadcast %broadcast_in_dim3A_896 : i32 to vector<16xi32>
      %gather3A_898 = tpu.vector_load_idx %arg6[%broadcast_in_dim3A_897, %sub3A_734] : memref<32x3328xf32, #tpu.memory_space<vmem>>[vector<16xi32>, vector<16xi32>], vector<16xf32>,
      %swap3A_899 = arith.constant 23 : i32
      %swap3A_900 = arith.index_cast %swap3A_899 : i32 to index
      %swap3A_901 = arith.constant 48 : index
      %swap3A_902 = tpu.vector_load %arg7[%swap3A_900, %swap3A_901] {strides = array<i32>} : memref<32x128xf32, #tpu.memory_space<vmem>>, vector<16xf32>,
      tpu.vector_store %arg7[%swap3A_900, %swap3A_901], %gather3A_898 {strides = array<i32>} : memref<32x128xf32, #tpu.memory_space<vmem>>, vector<16xf32>,
      %broadcast_in_dim3A_903 = arith.constant 24 : i32
      %broadcast_in_dim3A_904 = vector.broadcast %broadcast_in_dim3A_903 : i32 to vector<16xi32>
      %gather3A_905 = tpu.vector_load_idx %arg6[%broadcast_in_dim3A_904, %sub3A_734] : memref<32x3328xf32, #tpu.memory_space<vmem>>[vector<16xi32>, vector<16xi32>], vector<16xf32>,
      %swap3A_906 = arith.constant 24 : i32
      %swap3A_907 = arith.index_cast %swap3A_906 : i32 to index
      %swap3A_908 = arith.constant 48 : index
      %swap3A_909 = tpu.vector_load %arg7[%swap3A_907, %swap3A_908] {strides = array<i32>} : memref<32x128xf32, #tpu.memory_space<vmem>>, vector<16xf32>,
      tpu.vector_store %arg7[%swap3A_907, %swap3A_908], %gather3A_905 {strides = array<i32>} : memref<32x128xf32, #tpu.memory_space<vmem>>, vector<16xf32>,
      %broadcast_in_dim3A_910 = arith.constant 25 : i32
      %broadcast_in_dim3A_911 = vector.broadcast %broadcast_in_dim3A_910 : i32 to vector<16xi32>
      %gather3A_912 = tpu.vector_load_idx %arg6[%broadcast_in_dim3A_911, %sub3A_734] : memref<32x3328xf32, #tpu.memory_space<vmem>>[vector<16xi32>, vector<16xi32>], vector<16xf32>,
      %swap3A_913 = arith.constant 25 : i32
      %swap3A_914 = arith.index_cast %swap3A_913 : i32 to index
      %swap3A_915 = arith.constant 48 : index
      %swap3A_916 = tpu.vector_load %arg7[%swap3A_914, %swap3A_915] {strides = array<i32>} : memref<32x128xf32, #tpu.memory_space<vmem>>, vector<16xf32>,
      tpu.vector_store %arg7[%swap3A_914, %swap3A_915], %gather3A_912 {strides = array<i32>} : memref<32x128xf32, #tpu.memory_space<vmem>>, vector<16xf32>,
      %broadcast_in_dim3A_917 = arith.constant 26 : i32
      %broadcast_in_dim3A_918 = vector.broadcast %broadcast_in_dim3A_917 : i32 to vector<16xi32>
      %gather3A_919 = tpu.vector_load_idx %arg6[%broadcast_in_dim3A_918, %sub3A_734] : memref<32x3328xf32, #tpu.memory_space<vmem>>[vector<16xi32>, vector<16xi32>], vector<16xf32>,
      %swap3A_920 = arith.constant 26 : i32
      %swap3A_921 = arith.index_cast %swap3A_920 : i32 to index
      %swap3A_922 = arith.constant 48 : index
      %swap3A_923 = tpu.vector_load %arg7[%swap3A_921, %swap3A_922] {strides = array<i32>} : memref<32x128xf32, #tpu.memory_space<vmem>>, vector<16xf32>,
      tpu.vector_store %arg7[%swap3A_921, %swap3A_922], %gather3A_919 {strides = array<i32>} : memref<32x128xf32, #tpu.memory_space<vmem>>, vector<16xf32>,
      %broadcast_in_dim3A_924 = arith.constant 27 : i32
      %broadcast_in_dim3A_925 = vector.broadcast %broadcast_in_dim3A_924 : i32 to vector<16xi32>
      %gather3A_926 = tpu.vector_load_idx %arg6[%broadcast_in_dim3A_925, %sub3A_734] : memref<32x3328xf32, #tpu.memory_space<vmem>>[vector<16xi32>, vector<16xi32>], vector<16xf32>,
      %swap3A_927 = arith.constant 27 : i32
      %swap3A_928 = arith.index_cast %swap3A_927 : i32 to index
      %swap3A_929 = arith.constant 48 : index
      %swap3A_930 = tpu.vector_load %arg7[%swap3A_928, %swap3A_929] {strides = array<i32>} : memref<32x128xf32, #tpu.memory_space<vmem>>, vector<16xf32>,
      tpu.vector_store %arg7[%swap3A_928, %swap3A_929], %gather3A_926 {strides = array<i32>} : memref<32x128xf32, #tpu.memory_space<vmem>>, vector<16xf32>,
      %broadcast_in_dim3A_931 = arith.constant 28 : i32
      %broadcast_in_dim3A_932 = vector.broadcast %broadcast_in_dim3A_931 : i32 to vector<16xi32>
      %gather3A_933 = tpu.vector_load_idx %arg6[%broadcast_in_dim3A_932, %sub3A_734] : memref<32x3328xf32, #tpu.memory_space<vmem>>[vector<16xi32>, vector<16xi32>], vector<16xf32>,
      %swap3A_934 = arith.constant 28 : i32
      %swap3A_935 = arith.index_cast %swap3A_934 : i32 to index
      %swap3A_936 = arith.constant 48 : index
      %swap3A_937 = tpu.vector_load %arg7[%swap3A_935, %swap3A_936] {strides = array<i32>} : memref<32x128xf32, #tpu.memory_space<vmem>>, vector<16xf32>,
      tpu.vector_store %arg7[%swap3A_935, %swap3A_936], %gather3A_933 {strides = array<i32>} : memref<32x128xf32, #tpu.memory_space<vmem>>, vector<16xf32>,
      %broadcast_in_dim3A_938 = arith.constant 29 : i32
      %broadcast_in_dim3A_939 = vector.broadcast %broadcast_in_dim3A_938 : i32 to vector<16xi32>
      %gather3A_940 = tpu.vector_load_idx %arg6[%broadcast_in_dim3A_939, %sub3A_734] : memref<32x3328xf32, #tpu.memory_space<vmem>>[vector<16xi32>, vector<16xi32>], vector<16xf32>,
      %swap3A_941 = arith.constant 29 : i32
      %swap3A_942 = arith.index_cast %swap3A_941 : i32 to index
      %swap3A_943 = arith.constant 48 : index
      %swap3A_944 = tpu.vector_load %arg7[%swap3A_942, %swap3A_943] {strides = array<i32>} : memref<32x128xf32, #tpu.memory_space<vmem>>, vector<16xf32>,
      tpu.vector_store %arg7[%swap3A_942, %swap3A_943], %gather3A_940 {strides = array<i32>} : memref<32x128xf32, #tpu.memory_space<vmem>>, vector<16xf32>,
      %broadcast_in_dim3A_945 = arith.constant 30 : i32
      %broadcast_in_dim3A_946 = vector.broadcast %broadcast_in_dim3A_945 : i32 to vector<16xi32>
      %gather3A_947 = tpu.vector_load_idx %arg6[%broadcast_in_dim3A_946, %sub3A_734] : memref<32x3328xf32, #tpu.memory_space<vmem>>[vector<16xi32>, vector<16xi32>], vector<16xf32>,
      %swap3A_948 = arith.constant 30 : i32
      %swap3A_949 = arith.index_cast %swap3A_948 : i32 to index
      %swap3A_950 = arith.constant 48 : index
      %swap3A_951 = tpu.vector_load %arg7[%swap3A_949, %swap3A_950] {strides = array<i32>} : memref<32x128xf32, #tpu.memory_space<vmem>>, vector<16xf32>,
      tpu.vector_store %arg7[%swap3A_949, %swap3A_950], %gather3A_947 {strides = array<i32>} : memref<32x128xf32, #tpu.memory_space<vmem>>, vector<16xf32>,
      %broadcast_in_dim3A_952 = arith.constant 31 : i32
      %broadcast_in_dim3A_953 = vector.broadcast %broadcast_in_dim3A_952 : i32 to vector<16xi32>
      %gather3A_954 = tpu.vector_load_idx %arg6[%broadcast_in_dim3A_953, %sub3A_734] : memref<32x3328xf32, #tpu.memory_space<vmem>>[vector<16xi32>, vector<16xi32>], vector<16xf32>,
      %swap3A_955 = arith.constant 31 : i32
      %swap3A_956 = arith.index_cast %swap3A_955 : i32 to index
      %swap3A_957 = arith.constant 48 : index
      %swap3A_958 = tpu.vector_load %arg7[%swap3A_956, %swap3A_957] {strides = array<i32>} : memref<32x128xf32, #tpu.memory_space<vmem>>, vector<16xf32>,
      tpu.vector_store %arg7[%swap3A_956, %swap3A_957], %gather3A_954 {strides = array<i32>} : memref<32x128xf32, #tpu.memory_space<vmem>>, vector<16xf32>,
      %get3A_959 = arith.constant 64 : index
      %get3A_960 = tpu.vector_load %arg5[%get3A_959] {strides = array<i32>} : memref<128xi32, #tpu.memory_space<vmem>>, vector<16xi32>,
      %sub3A_961 = vector.broadcast %multiple_of3A : i32 to vector<16xi32>
      %sub3A_962 = arith.subi %get3A_960, %sub3A_961 : vector<16xi32>
      %broadcast_in_dim3A_963 = arith.constant 0 : i32
      %broadcast_in_dim3A_964 = vector.broadcast %broadcast_in_dim3A_963 : i32 to vector<16xi32>
      %gather3A_965 = tpu.vector_load_idx %arg6[%broadcast_in_dim3A_964, %sub3A_962] : memref<32x3328xf32, #tpu.memory_space<vmem>>[vector<16xi32>, vector<16xi32>], vector<16xf32>,
      %swap3A_966 = arith.constant 0 : i32
      %swap3A_967 = arith.index_cast %swap3A_966 : i32 to index
      %swap3A_968 = arith.constant 64 : index
      %swap3A_969 = tpu.vector_load %arg7[%swap3A_967, %swap3A_968] {strides = array<i32>} : memref<32x128xf32, #tpu.memory_space<vmem>>, vector<16xf32>,
      tpu.vector_store %arg7[%swap3A_967, %swap3A_968], %gather3A_965 {strides = array<i32>} : memref<32x128xf32, #tpu.memory_space<vmem>>, vector<16xf32>,
      %broadcast_in_dim3A_970 = arith.constant 1 : i32
      %broadcast_in_dim3A_971 = vector.broadcast %broadcast_in_dim3A_970 : i32 to vector<16xi32>
      %gather3A_972 = tpu.vector_load_idx %arg6[%broadcast_in_dim3A_971, %sub3A_962] : memref<32x3328xf32, #tpu.memory_space<vmem>>[vector<16xi32>, vector<16xi32>], vector<16xf32>,
      %swap3A_973 = arith.constant 1 : i32
      %swap3A_974 = arith.index_cast %swap3A_973 : i32 to index
      %swap3A_975 = arith.constant 64 : index
      %swap3A_976 = tpu.vector_load %arg7[%swap3A_974, %swap3A_975] {strides = array<i32>} : memref<32x128xf32, #tpu.memory_space<vmem>>, vector<16xf32>,
      tpu.vector_store %arg7[%swap3A_974, %swap3A_975], %gather3A_972 {strides = array<i32>} : memref<32x128xf32, #tpu.memory_space<vmem>>, vector<16xf32>,
      %broadcast_in_dim3A_977 = arith.constant 2 : i32
      %broadcast_in_dim3A_978 = vector.broadcast %broadcast_in_dim3A_977 : i32 to vector<16xi32>
      %gather3A_979 = tpu.vector_load_idx %arg6[%broadcast_in_dim3A_978, %sub3A_962] : memref<32x3328xf32, #tpu.memory_space<vmem>>[vector<16xi32>, vector<16xi32>], vector<16xf32>,
      %swap3A_980 = arith.constant 2 : i32
      %swap3A_981 = arith.index_cast %swap3A_980 : i32 to index
      %swap3A_982 = arith.constant 64 : index
      %swap3A_983 = tpu.vector_load %arg7[%swap3A_981, %swap3A_982] {strides = array<i32>} : memref<32x128xf32, #tpu.memory_space<vmem>>, vector<16xf32>,
      tpu.vector_store %arg7[%swap3A_981, %swap3A_982], %gather3A_979 {strides = array<i32>} : memref<32x128xf32, #tpu.memory_space<vmem>>, vector<16xf32>,
      %broadcast_in_dim3A_984 = arith.constant 3 : i32
      %broadcast_in_dim3A_985 = vector.broadcast %broadcast_in_dim3A_984 : i32 to vector<16xi32>
      %gather3A_986 = tpu.vector_load_idx %arg6[%broadcast_in_dim3A_985, %sub3A_962] : memref<32x3328xf32, #tpu.memory_space<vmem>>[vector<16xi32>, vector<16xi32>], vector<16xf32>,
      %swap3A_987 = arith.constant 3 : i32
      %swap3A_988 = arith.index_cast %swap3A_987 : i32 to index
      %swap3A_989 = arith.constant 64 : index
      %swap3A_990 = tpu.vector_load %arg7[%swap3A_988, %swap3A_989] {strides = array<i32>} : memref<32x128xf32, #tpu.memory_space<vmem>>, vector<16xf32>,
      tpu.vector_store %arg7[%swap3A_988, %swap3A_989], %gather3A_986 {strides = array<i32>} : memref<32x128xf32, #tpu.memory_space<vmem>>, vector<16xf32>,
      %broadcast_in_dim3A_991 = arith.constant 4 : i32
      %broadcast_in_dim3A_992 = vector.broadcast %broadcast_in_dim3A_991 : i32 to vector<16xi32>
      %gather3A_993 = tpu.vector_load_idx %arg6[%broadcast_in_dim3A_992, %sub3A_962] : memref<32x3328xf32, #tpu.memory_space<vmem>>[vector<16xi32>, vector<16xi32>], vector<16xf32>,
      %swap3A_994 = arith.constant 4 : i32
      %swap3A_995 = arith.index_cast %swap3A_994 : i32 to index
      %swap3A_996 = arith.constant 64 : index
      %swap3A_997 = tpu.vector_load %arg7[%swap3A_995, %swap3A_996] {strides = array<i32>} : memref<32x128xf32, #tpu.memory_space<vmem>>, vector<16xf32>,
      tpu.vector_store %arg7[%swap3A_995, %swap3A_996], %gather3A_993 {strides = array<i32>} : memref<32x128xf32, #tpu.memory_space<vmem>>, vector<16xf32>,
      %broadcast_in_dim3A_998 = arith.constant 5 : i32
      %broadcast_in_dim3A_999 = vector.broadcast %broadcast_in_dim3A_998 : i32 to vector<16xi32>
      %gather3A_1000 = tpu.vector_load_idx %arg6[%broadcast_in_dim3A_999, %sub3A_962] : memref<32x3328xf32, #tpu.memory_space<vmem>>[vector<16xi32>, vector<16xi32>], vector<16xf32>,
      %swap3A_1001 = arith.constant 5 : i32
      %swap3A_1002 = arith.index_cast %swap3A_1001 : i32 to index
      %swap3A_1003 = arith.constant 64 : index
      %swap3A_1004 = tpu.vector_load %arg7[%swap3A_1002, %swap3A_1003] {strides = array<i32>} : memref<32x128xf32, #tpu.memory_space<vmem>>, vector<16xf32>,
      tpu.vector_store %arg7[%swap3A_1002, %swap3A_1003], %gather3A_1000 {strides = array<i32>} : memref<32x128xf32, #tpu.memory_space<vmem>>, vector<16xf32>,
      %broadcast_in_dim3A_1005 = arith.constant 6 : i32
      %broadcast_in_dim3A_1006 = vector.broadcast %broadcast_in_dim3A_1005 : i32 to vector<16xi32>
      %gather3A_1007 = tpu.vector_load_idx %arg6[%broadcast_in_dim3A_1006, %sub3A_962] : memref<32x3328xf32, #tpu.memory_space<vmem>>[vector<16xi32>, vector<16xi32>], vector<16xf32>,
      %swap3A_1008 = arith.constant 6 : i32
      %swap3A_1009 = arith.index_cast %swap3A_1008 : i32 to index
      %swap3A_1010 = arith.constant 64 : index
      %swap3A_1011 = tpu.vector_load %arg7[%swap3A_1009, %swap3A_1010] {strides = array<i32>} : memref<32x128xf32, #tpu.memory_space<vmem>>, vector<16xf32>,
      tpu.vector_store %arg7[%swap3A_1009, %swap3A_1010], %gather3A_1007 {strides = array<i32>} : memref<32x128xf32, #tpu.memory_space<vmem>>, vector<16xf32>,
      %broadcast_in_dim3A_1012 = arith.constant 7 : i32
      %broadcast_in_dim3A_1013 = vector.broadcast %broadcast_in_dim3A_1012 : i32 to vector<16xi32>
      %gather3A_1014 = tpu.vector_load_idx %arg6[%broadcast_in_dim3A_1013, %sub3A_962] : memref<32x3328xf32, #tpu.memory_space<vmem>>[vector<16xi32>, vector<16xi32>], vector<16xf32>,
      %swap3A_1015 = arith.constant 7 : i32
      %swap3A_1016 = arith.index_cast %swap3A_1015 : i32 to index
      %swap3A_1017 = arith.constant 64 : index
      %swap3A_1018 = tpu.vector_load %arg7[%swap3A_1016, %swap3A_1017] {strides = array<i32>} : memref<32x128xf32, #tpu.memory_space<vmem>>, vector<16xf32>,
      tpu.vector_store %arg7[%swap3A_1016, %swap3A_1017], %gather3A_1014 {strides = array<i32>} : memref<32x128xf32, #tpu.memory_space<vmem>>, vector<16xf32>,
      %broadcast_in_dim3A_1019 = arith.constant 8 : i32
      %broadcast_in_dim3A_1020 = vector.broadcast %broadcast_in_dim3A_1019 : i32 to vector<16xi32>
      %gather3A_1021 = tpu.vector_load_idx %arg6[%broadcast_in_dim3A_1020, %sub3A_962] : memref<32x3328xf32, #tpu.memory_space<vmem>>[vector<16xi32>, vector<16xi32>], vector<16xf32>,
      %swap3A_1022 = arith.constant 8 : i32
      %swap3A_1023 = arith.index_cast %swap3A_1022 : i32 to index
      %swap3A_1024 = arith.constant 64 : index
      %swap3A_1025 = tpu.vector_load %arg7[%swap3A_1023, %swap3A_1024] {strides = array<i32>} : memref<32x128xf32, #tpu.memory_space<vmem>>, vector<16xf32>,
      tpu.vector_store %arg7[%swap3A_1023, %swap3A_1024], %gather3A_1021 {strides = array<i32>} : memref<32x128xf32, #tpu.memory_space<vmem>>, vector<16xf32>,
      %broadcast_in_dim3A_1026 = arith.constant 9 : i32
      %broadcast_in_dim3A_1027 = vector.broadcast %broadcast_in_dim3A_1026 : i32 to vector<16xi32>
      %gather3A_1028 = tpu.vector_load_idx %arg6[%broadcast_in_dim3A_1027, %sub3A_962] : memref<32x3328xf32, #tpu.memory_space<vmem>>[vector<16xi32>, vector<16xi32>], vector<16xf32>,
      %swap3A_1029 = arith.constant 9 : i32
      %swap3A_1030 = arith.index_cast %swap3A_1029 : i32 to index
      %swap3A_1031 = arith.constant 64 : index
      %swap3A_1032 = tpu.vector_load %arg7[%swap3A_1030, %swap3A_1031] {strides = array<i32>} : memref<32x128xf32, #tpu.memory_space<vmem>>, vector<16xf32>,
      tpu.vector_store %arg7[%swap3A_1030, %swap3A_1031], %gather3A_1028 {strides = array<i32>} : memref<32x128xf32, #tpu.memory_space<vmem>>, vector<16xf32>,
      %broadcast_in_dim3A_1033 = arith.constant 10 : i32
      %broadcast_in_dim3A_1034 = vector.broadcast %broadcast_in_dim3A_1033 : i32 to vector<16xi32>
      %gather3A_1035 = tpu.vector_load_idx %arg6[%broadcast_in_dim3A_1034, %sub3A_962] : memref<32x3328xf32, #tpu.memory_space<vmem>>[vector<16xi32>, vector<16xi32>], vector<16xf32>,
      %swap3A_1036 = arith.constant 10 : i32
      %swap3A_1037 = arith.index_cast %swap3A_1036 : i32 to index
      %swap3A_1038 = arith.constant 64 : index
      %swap3A_1039 = tpu.vector_load %arg7[%swap3A_1037, %swap3A_1038] {strides = array<i32>} : memref<32x128xf32, #tpu.memory_space<vmem>>, vector<16xf32>,
      tpu.vector_store %arg7[%swap3A_1037, %swap3A_1038], %gather3A_1035 {strides = array<i32>} : memref<32x128xf32, #tpu.memory_space<vmem>>, vector<16xf32>,
      %broadcast_in_dim3A_1040 = arith.constant 11 : i32
      %broadcast_in_dim3A_1041 = vector.broadcast %broadcast_in_dim3A_1040 : i32 to vector<16xi32>
      %gather3A_1042 = tpu.vector_load_idx %arg6[%broadcast_in_dim3A_1041, %sub3A_962] : memref<32x3328xf32, #tpu.memory_space<vmem>>[vector<16xi32>, vector<16xi32>], vector<16xf32>,
      %swap3A_1043 = arith.constant 11 : i32
      %swap3A_1044 = arith.index_cast %swap3A_1043 : i32 to index
      %swap3A_1045 = arith.constant 64 : index
      %swap3A_1046 = tpu.vector_load %arg7[%swap3A_1044, %swap3A_1045] {strides = array<i32>} : memref<32x128xf32, #tpu.memory_space<vmem>>, vector<16xf32>,
      tpu.vector_store %arg7[%swap3A_1044, %swap3A_1045], %gather3A_1042 {strides = array<i32>} : memref<32x128xf32, #tpu.memory_space<vmem>>, vector<16xf32>,
      %broadcast_in_dim3A_1047 = arith.constant 12 : i32
      %broadcast_in_dim3A_1048 = vector.broadcast %broadcast_in_dim3A_1047 : i32 to vector<16xi32>
      %gather3A_1049 = tpu.vector_load_idx %arg6[%broadcast_in_dim3A_1048, %sub3A_962] : memref<32x3328xf32, #tpu.memory_space<vmem>>[vector<16xi32>, vector<16xi32>], vector<16xf32>,
      %swap3A_1050 = arith.constant 12 : i32
      %swap3A_1051 = arith.index_cast %swap3A_1050 : i32 to index
      %swap3A_1052 = arith.constant 64 : index
      %swap3A_1053 = tpu.vector_load %arg7[%swap3A_1051, %swap3A_1052] {strides = array<i32>} : memref<32x128xf32, #tpu.memory_space<vmem>>, vector<16xf32>,
      tpu.vector_store %arg7[%swap3A_1051, %swap3A_1052], %gather3A_1049 {strides = array<i32>} : memref<32x128xf32, #tpu.memory_space<vmem>>, vector<16xf32>,
      %broadcast_in_dim3A_1054 = arith.constant 13 : i32
      %broadcast_in_dim3A_1055 = vector.broadcast %broadcast_in_dim3A_1054 : i32 to vector<16xi32>
      %gather3A_1056 = tpu.vector_load_idx %arg6[%broadcast_in_dim3A_1055, %sub3A_962] : memref<32x3328xf32, #tpu.memory_space<vmem>>[vector<16xi32>, vector<16xi32>], vector<16xf32>,
      %swap3A_1057 = arith.constant 13 : i32
      %swap3A_1058 = arith.index_cast %swap3A_1057 : i32 to index
      %swap3A_1059 = arith.constant 64 : index
      %swap3A_1060 = tpu.vector_load %arg7[%swap3A_1058, %swap3A_1059] {strides = array<i32>} : memref<32x128xf32, #tpu.memory_space<vmem>>, vector<16xf32>,
      tpu.vector_store %arg7[%swap3A_1058, %swap3A_1059], %gather3A_1056 {strides = array<i32>} : memref<32x128xf32, #tpu.memory_space<vmem>>, vector<16xf32>,
      %broadcast_in_dim3A_1061 = arith.constant 14 : i32
      %broadcast_in_dim3A_1062 = vector.broadcast %broadcast_in_dim3A_1061 : i32 to vector<16xi32>
      %gather3A_1063 = tpu.vector_load_idx %arg6[%broadcast_in_dim3A_1062, %sub3A_962] : memref<32x3328xf32, #tpu.memory_space<vmem>>[vector<16xi32>, vector<16xi32>], vector<16xf32>,
      %swap3A_1064 = arith.constant 14 : i32
      %swap3A_1065 = arith.index_cast %swap3A_1064 : i32 to index
      %swap3A_1066 = arith.constant 64 : index
      %swap3A_1067 = tpu.vector_load %arg7[%swap3A_1065, %swap3A_1066] {strides = array<i32>} : memref<32x128xf32, #tpu.memory_space<vmem>>, vector<16xf32>,
      tpu.vector_store %arg7[%swap3A_1065, %swap3A_1066], %gather3A_1063 {strides = array<i32>} : memref<32x128xf32, #tpu.memory_space<vmem>>, vector<16xf32>,
      %broadcast_in_dim3A_1068 = arith.constant 15 : i32
      %broadcast_in_dim3A_1069 = vector.broadcast %broadcast_in_dim3A_1068 : i32 to vector<16xi32>
      %gather3A_1070 = tpu.vector_load_idx %arg6[%broadcast_in_dim3A_1069, %sub3A_962] : memref<32x3328xf32, #tpu.memory_space<vmem>>[vector<16xi32>, vector<16xi32>], vector<16xf32>,
      %swap3A_1071 = arith.constant 15 : i32
      %swap3A_1072 = arith.index_cast %swap3A_1071 : i32 to index
      %swap3A_1073 = arith.constant 64 : index
      %swap3A_1074 = tpu.vector_load %arg7[%swap3A_1072, %swap3A_1073] {strides = array<i32>} : memref<32x128xf32, #tpu.memory_space<vmem>>, vector<16xf32>,
      tpu.vector_store %arg7[%swap3A_1072, %swap3A_1073], %gather3A_1070 {strides = array<i32>} : memref<32x128xf32, #tpu.memory_space<vmem>>, vector<16xf32>,
      %broadcast_in_dim3A_1075 = arith.constant 16 : i32
      %broadcast_in_dim3A_1076 = vector.broadcast %broadcast_in_dim3A_1075 : i32 to vector<16xi32>
      %gather3A_1077 = tpu.vector_load_idx %arg6[%broadcast_in_dim3A_1076, %sub3A_962] : memref<32x3328xf32, #tpu.memory_space<vmem>>[vector<16xi32>, vector<16xi32>], vector<16xf32>,
      %swap3A_1078 = arith.constant 16 : i32
      %swap3A_1079 = arith.index_cast %swap3A_1078 : i32 to index
      %swap3A_1080 = arith.constant 64 : index
      %swap3A_1081 = tpu.vector_load %arg7[%swap3A_1079, %swap3A_1080] {strides = array<i32>} : memref<32x128xf32, #tpu.memory_space<vmem>>, vector<16xf32>,
      tpu.vector_store %arg7[%swap3A_1079, %swap3A_1080], %gather3A_1077 {strides = array<i32>} : memref<32x128xf32, #tpu.memory_space<vmem>>, vector<16xf32>,
      %broadcast_in_dim3A_1082 = arith.constant 17 : i32
      %broadcast_in_dim3A_1083 = vector.broadcast %broadcast_in_dim3A_1082 : i32 to vector<16xi32>
      %gather3A_1084 = tpu.vector_load_idx %arg6[%broadcast_in_dim3A_1083, %sub3A_962] : memref<32x3328xf32, #tpu.memory_space<vmem>>[vector<16xi32>, vector<16xi32>], vector<16xf32>,
      %swap3A_1085 = arith.constant 17 : i32
      %swap3A_1086 = arith.index_cast %swap3A_1085 : i32 to index
      %swap3A_1087 = arith.constant 64 : index
      %swap3A_1088 = tpu.vector_load %arg7[%swap3A_1086, %swap3A_1087] {strides = array<i32>} : memref<32x128xf32, #tpu.memory_space<vmem>>, vector<16xf32>,
      tpu.vector_store %arg7[%swap3A_1086, %swap3A_1087], %gather3A_1084 {strides = array<i32>} : memref<32x128xf32, #tpu.memory_space<vmem>>, vector<16xf32>,
      %broadcast_in_dim3A_1089 = arith.constant 18 : i32
      %broadcast_in_dim3A_1090 = vector.broadcast %broadcast_in_dim3A_1089 : i32 to vector<16xi32>
      %gather3A_1091 = tpu.vector_load_idx %arg6[%broadcast_in_dim3A_1090, %sub3A_962] : memref<32x3328xf32, #tpu.memory_space<vmem>>[vector<16xi32>, vector<16xi32>], vector<16xf32>,
      %swap3A_1092 = arith.constant 18 : i32
      %swap3A_1093 = arith.index_cast %swap3A_1092 : i32 to index
      %swap3A_1094 = arith.constant 64 : index
      %swap3A_1095 = tpu.vector_load %arg7[%swap3A_1093, %swap3A_1094] {strides = array<i32>} : memref<32x128xf32, #tpu.memory_space<vmem>>, vector<16xf32>,
      tpu.vector_store %arg7[%swap3A_1093, %swap3A_1094], %gather3A_1091 {strides = array<i32>} : memref<32x128xf32, #tpu.memory_space<vmem>>, vector<16xf32>,
      %broadcast_in_dim3A_1096 = arith.constant 19 : i32
      %broadcast_in_dim3A_1097 = vector.broadcast %broadcast_in_dim3A_1096 : i32 to vector<16xi32>
      %gather3A_1098 = tpu.vector_load_idx %arg6[%broadcast_in_dim3A_1097, %sub3A_962] : memref<32x3328xf32, #tpu.memory_space<vmem>>[vector<16xi32>, vector<16xi32>], vector<16xf32>,
      %swap3A_1099 = arith.constant 19 : i32
      %swap3A_1100 = arith.index_cast %swap3A_1099 : i32 to index
      %swap3A_1101 = arith.constant 64 : index
      %swap3A_1102 = tpu.vector_load %arg7[%swap3A_1100, %swap3A_1101] {strides = array<i32>} : memref<32x128xf32, #tpu.memory_space<vmem>>, vector<16xf32>,
      tpu.vector_store %arg7[%swap3A_1100, %swap3A_1101], %gather3A_1098 {strides = array<i32>} : memref<32x128xf32, #tpu.memory_space<vmem>>, vector<16xf32>,
      %broadcast_in_dim3A_1103 = arith.constant 20 : i32
      %broadcast_in_dim3A_1104 = vector.broadcast %broadcast_in_dim3A_1103 : i32 to vector<16xi32>
      %gather3A_1105 = tpu.vector_load_idx %arg6[%broadcast_in_dim3A_1104, %sub3A_962] : memref<32x3328xf32, #tpu.memory_space<vmem>>[vector<16xi32>, vector<16xi32>], vector<16xf32>,
      %swap3A_1106 = arith.constant 20 : i32
      %swap3A_1107 = arith.index_cast %swap3A_1106 : i32 to index
      %swap3A_1108 = arith.constant 64 : index
      %swap3A_1109 = tpu.vector_load %arg7[%swap3A_1107, %swap3A_1108] {strides = array<i32>} : memref<32x128xf32, #tpu.memory_space<vmem>>, vector<16xf32>,
      tpu.vector_store %arg7[%swap3A_1107, %swap3A_1108], %gather3A_1105 {strides = array<i32>} : memref<32x128xf32, #tpu.memory_space<vmem>>, vector<16xf32>,
      %broadcast_in_dim3A_1110 = arith.constant 21 : i32
      %broadcast_in_dim3A_1111 = vector.broadcast %broadcast_in_dim3A_1110 : i32 to vector<16xi32>
      %gather3A_1112 = tpu.vector_load_idx %arg6[%broadcast_in_dim3A_1111, %sub3A_962] : memref<32x3328xf32, #tpu.memory_space<vmem>>[vector<16xi32>, vector<16xi32>], vector<16xf32>,
      %swap3A_1113 = arith.constant 21 : i32
      %swap3A_1114 = arith.index_cast %swap3A_1113 : i32 to index
      %swap3A_1115 = arith.constant 64 : index
      %swap3A_1116 = tpu.vector_load %arg7[%swap3A_1114, %swap3A_1115] {strides = array<i32>} : memref<32x128xf32, #tpu.memory_space<vmem>>, vector<16xf32>,
      tpu.vector_store %arg7[%swap3A_1114, %swap3A_1115], %gather3A_1112 {strides = array<i32>} : memref<32x128xf32, #tpu.memory_space<vmem>>, vector<16xf32>,
      %broadcast_in_dim3A_1117 = arith.constant 22 : i32
      %broadcast_in_dim3A_1118 = vector.broadcast %broadcast_in_dim3A_1117 : i32 to vector<16xi32>
      %gather3A_1119 = tpu.vector_load_idx %arg6[%broadcast_in_dim3A_1118, %sub3A_962] : memref<32x3328xf32, #tpu.memory_space<vmem>>[vector<16xi32>, vector<16xi32>], vector<16xf32>,
      %swap3A_1120 = arith.constant 22 : i32
      %swap3A_1121 = arith.index_cast %swap3A_1120 : i32 to index
      %swap3A_1122 = arith.constant 64 : index
      %swap3A_1123 = tpu.vector_load %arg7[%swap3A_1121, %swap3A_1122] {strides = array<i32>} : memref<32x128xf32, #tpu.memory_space<vmem>>, vector<16xf32>,
      tpu.vector_store %arg7[%swap3A_1121, %swap3A_1122], %gather3A_1119 {strides = array<i32>} : memref<32x128xf32, #tpu.memory_space<vmem>>, vector<16xf32>,
      %broadcast_in_dim3A_1124 = arith.constant 23 : i32
      %broadcast_in_dim3A_1125 = vector.broadcast %broadcast_in_dim3A_1124 : i32 to vector<16xi32>
      %gather3A_1126 = tpu.vector_load_idx %arg6[%broadcast_in_dim3A_1125, %sub3A_962] : memref<32x3328xf32, #tpu.memory_space<vmem>>[vector<16xi32>, vector<16xi32>], vector<16xf32>,
      %swap3A_1127 = arith.constant 23 : i32
      %swap3A_1128 = arith.index_cast %swap3A_1127 : i32 to index
      %swap3A_1129 = arith.constant 64 : index
      %swap3A_1130 = tpu.vector_load %arg7[%swap3A_1128, %swap3A_1129] {strides = array<i32>} : memref<32x128xf32, #tpu.memory_space<vmem>>, vector<16xf32>,
      tpu.vector_store %arg7[%swap3A_1128, %swap3A_1129], %gather3A_1126 {strides = array<i32>} : memref<32x128xf32, #tpu.memory_space<vmem>>, vector<16xf32>,
      %broadcast_in_dim3A_1131 = arith.constant 24 : i32
      %broadcast_in_dim3A_1132 = vector.broadcast %broadcast_in_dim3A_1131 : i32 to vector<16xi32>
      %gather3A_1133 = tpu.vector_load_idx %arg6[%broadcast_in_dim3A_1132, %sub3A_962] : memref<32x3328xf32, #tpu.memory_space<vmem>>[vector<16xi32>, vector<16xi32>], vector<16xf32>,
      %swap3A_1134 = arith.constant 24 : i32
      %swap3A_1135 = arith.index_cast %swap3A_1134 : i32 to index
      %swap3A_1136 = arith.constant 64 : index
      %swap3A_1137 = tpu.vector_load %arg7[%swap3A_1135, %swap3A_1136] {strides = array<i32>} : memref<32x128xf32, #tpu.memory_space<vmem>>, vector<16xf32>,
      tpu.vector_store %arg7[%swap3A_1135, %swap3A_1136], %gather3A_1133 {strides = array<i32>} : memref<32x128xf32, #tpu.memory_space<vmem>>, vector<16xf32>,
      %broadcast_in_dim3A_1138 = arith.constant 25 : i32
      %broadcast_in_dim3A_1139 = vector.broadcast %broadcast_in_dim3A_1138 : i32 to vector<16xi32>
      %gather3A_1140 = tpu.vector_load_idx %arg6[%broadcast_in_dim3A_1139, %sub3A_962] : memref<32x3328xf32, #tpu.memory_space<vmem>>[vector<16xi32>, vector<16xi32>], vector<16xf32>,
      %swap3A_1141 = arith.constant 25 : i32
      %swap3A_1142 = arith.index_cast %swap3A_1141 : i32 to index
      %swap3A_1143 = arith.constant 64 : index
      %swap3A_1144 = tpu.vector_load %arg7[%swap3A_1142, %swap3A_1143] {strides = array<i32>} : memref<32x128xf32, #tpu.memory_space<vmem>>, vector<16xf32>,
      tpu.vector_store %arg7[%swap3A_1142, %swap3A_1143], %gather3A_1140 {strides = array<i32>} : memref<32x128xf32, #tpu.memory_space<vmem>>, vector<16xf32>,
      %broadcast_in_dim3A_1145 = arith.constant 26 : i32
      %broadcast_in_dim3A_1146 = vector.broadcast %broadcast_in_dim3A_1145 : i32 to vector<16xi32>
      %gather3A_1147 = tpu.vector_load_idx %arg6[%broadcast_in_dim3A_1146, %sub3A_962] : memref<32x3328xf32, #tpu.memory_space<vmem>>[vector<16xi32>, vector<16xi32>], vector<16xf32>,
      %swap3A_1148 = arith.constant 26 : i32
      %swap3A_1149 = arith.index_cast %swap3A_1148 : i32 to index
      %swap3A_1150 = arith.constant 64 : index
      %swap3A_1151 = tpu.vector_load %arg7[%swap3A_1149, %swap3A_1150] {strides = array<i32>} : memref<32x128xf32, #tpu.memory_space<vmem>>, vector<16xf32>,
      tpu.vector_store %arg7[%swap3A_1149, %swap3A_1150], %gather3A_1147 {strides = array<i32>} : memref<32x128xf32, #tpu.memory_space<vmem>>, vector<16xf32>,
      %broadcast_in_dim3A_1152 = arith.constant 27 : i32
      %broadcast_in_dim3A_1153 = vector.broadcast %broadcast_in_dim3A_1152 : i32 to vector<16xi32>
      %gather3A_1154 = tpu.vector_load_idx %arg6[%broadcast_in_dim3A_1153, %sub3A_962] : memref<32x3328xf32, #tpu.memory_space<vmem>>[vector<16xi32>, vector<16xi32>], vector<16xf32>,
      %swap3A_1155 = arith.constant 27 : i32
      %swap3A_1156 = arith.index_cast %swap3A_1155 : i32 to index
      %swap3A_1157 = arith.constant 64 : index
      %swap3A_1158 = tpu.vector_load %arg7[%swap3A_1156, %swap3A_1157] {strides = array<i32>} : memref<32x128xf32, #tpu.memory_space<vmem>>, vector<16xf32>,
      tpu.vector_store %arg7[%swap3A_1156, %swap3A_1157], %gather3A_1154 {strides = array<i32>} : memref<32x128xf32, #tpu.memory_space<vmem>>, vector<16xf32>,
      %broadcast_in_dim3A_1159 = arith.constant 28 : i32
      %broadcast_in_dim3A_1160 = vector.broadcast %broadcast_in_dim3A_1159 : i32 to vector<16xi32>
      %gather3A_1161 = tpu.vector_load_idx %arg6[%broadcast_in_dim3A_1160, %sub3A_962] : memref<32x3328xf32, #tpu.memory_space<vmem>>[vector<16xi32>, vector<16xi32>], vector<16xf32>,
      %swap3A_1162 = arith.constant 28 : i32
      %swap3A_1163 = arith.index_cast %swap3A_1162 : i32 to index
      %swap3A_1164 = arith.constant 64 : index
      %swap3A_1165 = tpu.vector_load %arg7[%swap3A_1163, %swap3A_1164] {strides = array<i32>} : memref<32x128xf32, #tpu.memory_space<vmem>>, vector<16xf32>,
      tpu.vector_store %arg7[%swap3A_1163, %swap3A_1164], %gather3A_1161 {strides = array<i32>} : memref<32x128xf32, #tpu.memory_space<vmem>>, vector<16xf32>,
      %broadcast_in_dim3A_1166 = arith.constant 29 : i32
      %broadcast_in_dim3A_1167 = vector.broadcast %broadcast_in_dim3A_1166 : i32 to vector<16xi32>
      %gather3A_1168 = tpu.vector_load_idx %arg6[%broadcast_in_dim3A_1167, %sub3A_962] : memref<32x3328xf32, #tpu.memory_space<vmem>>[vector<16xi32>, vector<16xi32>], vector<16xf32>,
      %swap3A_1169 = arith.constant 29 : i32
      %swap3A_1170 = arith.index_cast %swap3A_1169 : i32 to index
      %swap3A_1171 = arith.constant 64 : index
      %swap3A_1172 = tpu.vector_load %arg7[%swap3A_1170, %swap3A_1171] {strides = array<i32>} : memref<32x128xf32, #tpu.memory_space<vmem>>, vector<16xf32>,
      tpu.vector_store %arg7[%swap3A_1170, %swap3A_1171], %gather3A_1168 {strides = array<i32>} : memref<32x128xf32, #tpu.memory_space<vmem>>, vector<16xf32>,
      %broadcast_in_dim3A_1173 = arith.constant 30 : i32
      %broadcast_in_dim3A_1174 = vector.broadcast %broadcast_in_dim3A_1173 : i32 to vector<16xi32>
      %gather3A_1175 = tpu.vector_load_idx %arg6[%broadcast_in_dim3A_1174, %sub3A_962] : memref<32x3328xf32, #tpu.memory_space<vmem>>[vector<16xi32>, vector<16xi32>], vector<16xf32>,
      %swap3A_1176 = arith.constant 30 : i32
      %swap3A_1177 = arith.index_cast %swap3A_1176 : i32 to index
      %swap3A_1178 = arith.constant 64 : index
      %swap3A_1179 = tpu.vector_load %arg7[%swap3A_1177, %swap3A_1178] {strides = array<i32>} : memref<32x128xf32, #tpu.memory_space<vmem>>, vector<16xf32>,
      tpu.vector_store %arg7[%swap3A_1177, %swap3A_1178], %gather3A_1175 {strides = array<i32>} : memref<32x128xf32, #tpu.memory_space<vmem>>, vector<16xf32>,
      %broadcast_in_dim3A_1180 = arith.constant 31 : i32
      %broadcast_in_dim3A_1181 = vector.broadcast %broadcast_in_dim3A_1180 : i32 to vector<16xi32>
      %gather3A_1182 = tpu.vector_load_idx %arg6[%broadcast_in_dim3A_1181, %sub3A_962] : memref<32x3328xf32, #tpu.memory_space<vmem>>[vector<16xi32>, vector<16xi32>], vector<16xf32>,
      %swap3A_1183 = arith.constant 31 : i32
      %swap3A_1184 = arith.index_cast %swap3A_1183 : i32 to index
      %swap3A_1185 = arith.constant 64 : index
      %swap3A_1186 = tpu.vector_load %arg7[%swap3A_1184, %swap3A_1185] {strides = array<i32>} : memref<32x128xf32, #tpu.memory_space<vmem>>, vector<16xf32>,
      tpu.vector_store %arg7[%swap3A_1184, %swap3A_1185], %gather3A_1182 {strides = array<i32>} : memref<32x128xf32, #tpu.memory_space<vmem>>, vector<16xf32>,
      %get3A_1187 = arith.constant 80 : index
      %get3A_1188 = tpu.vector_load %arg5[%get3A_1187] {strides = array<i32>} : memref<128xi32, #tpu.memory_space<vmem>>, vector<16xi32>,
      %sub3A_1189 = vector.broadcast %multiple_of3A : i32 to vector<16xi32>
      %sub3A_1190 = arith.subi %get3A_1188, %sub3A_1189 : vector<16xi32>
      %broadcast_in_dim3A_1191 = arith.constant 0 : i32
      %broadcast_in_dim3A_1192 = vector.broadcast %broadcast_in_dim3A_1191 : i32 to vector<16xi32>
      %gather3A_1193 = tpu.vector_load_idx %arg6[%broadcast_in_dim3A_1192, %sub3A_1190] : memref<32x3328xf32, #tpu.memory_space<vmem>>[vector<16xi32>, vector<16xi32>], vector<16xf32>,
      %swap3A_1194 = arith.constant 0 : i32
      %swap3A_1195 = arith.index_cast %swap3A_1194 : i32 to index
      %swap3A_1196 = arith.constant 80 : index
      %swap3A_1197 = tpu.vector_load %arg7[%swap3A_1195, %swap3A_1196] {strides = array<i32>} : memref<32x128xf32, #tpu.memory_space<vmem>>, vector<16xf32>,
      tpu.vector_store %arg7[%swap3A_1195, %swap3A_1196], %gather3A_1193 {strides = array<i32>} : memref<32x128xf32, #tpu.memory_space<vmem>>, vector<16xf32>,
      %broadcast_in_dim3A_1198 = arith.constant 1 : i32
      %broadcast_in_dim3A_1199 = vector.broadcast %broadcast_in_dim3A_1198 : i32 to vector<16xi32>
      %gather3A_1200 = tpu.vector_load_idx %arg6[%broadcast_in_dim3A_1199, %sub3A_1190] : memref<32x3328xf32, #tpu.memory_space<vmem>>[vector<16xi32>, vector<16xi32>], vector<16xf32>,
      %swap3A_1201 = arith.constant 1 : i32
      %swap3A_1202 = arith.index_cast %swap3A_1201 : i32 to index
      %swap3A_1203 = arith.constant 80 : index
      %swap3A_1204 = tpu.vector_load %arg7[%swap3A_1202, %swap3A_1203] {strides = array<i32>} : memref<32x128xf32, #tpu.memory_space<vmem>>, vector<16xf32>,
      tpu.vector_store %arg7[%swap3A_1202, %swap3A_1203], %gather3A_1200 {strides = array<i32>} : memref<32x128xf32, #tpu.memory_space<vmem>>, vector<16xf32>,
      %broadcast_in_dim3A_1205 = arith.constant 2 : i32
      %broadcast_in_dim3A_1206 = vector.broadcast %broadcast_in_dim3A_1205 : i32 to vector<16xi32>
      %gather3A_1207 = tpu.vector_load_idx %arg6[%broadcast_in_dim3A_1206, %sub3A_1190] : memref<32x3328xf32, #tpu.memory_space<vmem>>[vector<16xi32>, vector<16xi32>], vector<16xf32>,
      %swap3A_1208 = arith.constant 2 : i32
      %swap3A_1209 = arith.index_cast %swap3A_1208 : i32 to index
      %swap3A_1210 = arith.constant 80 : index
      %swap3A_1211 = tpu.vector_load %arg7[%swap3A_1209, %swap3A_1210] {strides = array<i32>} : memref<32x128xf32, #tpu.memory_space<vmem>>, vector<16xf32>,
      tpu.vector_store %arg7[%swap3A_1209, %swap3A_1210], %gather3A_1207 {strides = array<i32>} : memref<32x128xf32, #tpu.memory_space<vmem>>, vector<16xf32>,
      %broadcast_in_dim3A_1212 = arith.constant 3 : i32
      %broadcast_in_dim3A_1213 = vector.broadcast %broadcast_in_dim3A_1212 : i32 to vector<16xi32>
      %gather3A_1214 = tpu.vector_load_idx %arg6[%broadcast_in_dim3A_1213, %sub3A_1190] : memref<32x3328xf32, #tpu.memory_space<vmem>>[vector<16xi32>, vector<16xi32>], vector<16xf32>,
      %swap3A_1215 = arith.constant 3 : i32
      %swap3A_1216 = arith.index_cast %swap3A_1215 : i32 to index
      %swap3A_1217 = arith.constant 80 : index
      %swap3A_1218 = tpu.vector_load %arg7[%swap3A_1216, %swap3A_1217] {strides = array<i32>} : memref<32x128xf32, #tpu.memory_space<vmem>>, vector<16xf32>,
      tpu.vector_store %arg7[%swap3A_1216, %swap3A_1217], %gather3A_1214 {strides = array<i32>} : memref<32x128xf32, #tpu.memory_space<vmem>>, vector<16xf32>,
      %broadcast_in_dim3A_1219 = arith.constant 4 : i32
      %broadcast_in_dim3A_1220 = vector.broadcast %broadcast_in_dim3A_1219 : i32 to vector<16xi32>
      %gather3A_1221 = tpu.vector_load_idx %arg6[%broadcast_in_dim3A_1220, %sub3A_1190] : memref<32x3328xf32, #tpu.memory_space<vmem>>[vector<16xi32>, vector<16xi32>], vector<16xf32>,
      %swap3A_1222 = arith.constant 4 : i32
      %swap3A_1223 = arith.index_cast %swap3A_1222 : i32 to index
      %swap3A_1224 = arith.constant 80 : index
      %swap3A_1225 = tpu.vector_load %arg7[%swap3A_1223, %swap3A_1224] {strides = array<i32>} : memref<32x128xf32, #tpu.memory_space<vmem>>, vector<16xf32>,
      tpu.vector_store %arg7[%swap3A_1223, %swap3A_1224], %gather3A_1221 {strides = array<i32>} : memref<32x128xf32, #tpu.memory_space<vmem>>, vector<16xf32>,
      %broadcast_in_dim3A_1226 = arith.constant 5 : i32
      %broadcast_in_dim3A_1227 = vector.broadcast %broadcast_in_dim3A_1226 : i32 to vector<16xi32>
      %gather3A_1228 = tpu.vector_load_idx %arg6[%broadcast_in_dim3A_1227, %sub3A_1190] : memref<32x3328xf32, #tpu.memory_space<vmem>>[vector<16xi32>, vector<16xi32>], vector<16xf32>,
      %swap3A_1229 = arith.constant 5 : i32
      %swap3A_1230 = arith.index_cast %swap3A_1229 : i32 to index
      %swap3A_1231 = arith.constant 80 : index
      %swap3A_1232 = tpu.vector_load %arg7[%swap3A_1230, %swap3A_1231] {strides = array<i32>} : memref<32x128xf32, #tpu.memory_space<vmem>>, vector<16xf32>,
      tpu.vector_store %arg7[%swap3A_1230, %swap3A_1231], %gather3A_1228 {strides = array<i32>} : memref<32x128xf32, #tpu.memory_space<vmem>>, vector<16xf32>,
      %broadcast_in_dim3A_1233 = arith.constant 6 : i32
      %broadcast_in_dim3A_1234 = vector.broadcast %broadcast_in_dim3A_1233 : i32 to vector<16xi32>
      %gather3A_1235 = tpu.vector_load_idx %arg6[%broadcast_in_dim3A_1234, %sub3A_1190] : memref<32x3328xf32, #tpu.memory_space<vmem>>[vector<16xi32>, vector<16xi32>], vector<16xf32>,
      %swap3A_1236 = arith.constant 6 : i32
      %swap3A_1237 = arith.index_cast %swap3A_1236 : i32 to index
      %swap3A_1238 = arith.constant 80 : index
      %swap3A_1239 = tpu.vector_load %arg7[%swap3A_1237, %swap3A_1238] {strides = array<i32>} : memref<32x128xf32, #tpu.memory_space<vmem>>, vector<16xf32>,
      tpu.vector_store %arg7[%swap3A_1237, %swap3A_1238], %gather3A_1235 {strides = array<i32>} : memref<32x128xf32, #tpu.memory_space<vmem>>, vector<16xf32>,
      %broadcast_in_dim3A_1240 = arith.constant 7 : i32
      %broadcast_in_dim3A_1241 = vector.broadcast %broadcast_in_dim3A_1240 : i32 to vector<16xi32>
      %gather3A_1242 = tpu.vector_load_idx %arg6[%broadcast_in_dim3A_1241, %sub3A_1190] : memref<32x3328xf32, #tpu.memory_space<vmem>>[vector<16xi32>, vector<16xi32>], vector<16xf32>,
      %swap3A_1243 = arith.constant 7 : i32
      %swap3A_1244 = arith.index_cast %swap3A_1243 : i32 to index
      %swap3A_1245 = arith.constant 80 : index
      %swap3A_1246 = tpu.vector_load %arg7[%swap3A_1244, %swap3A_1245] {strides = array<i32>} : memref<32x128xf32, #tpu.memory_space<vmem>>, vector<16xf32>,
      tpu.vector_store %arg7[%swap3A_1244, %swap3A_1245], %gather3A_1242 {strides = array<i32>} : memref<32x128xf32, #tpu.memory_space<vmem>>, vector<16xf32>,
      %broadcast_in_dim3A_1247 = arith.constant 8 : i32
      %broadcast_in_dim3A_1248 = vector.broadcast %broadcast_in_dim3A_1247 : i32 to vector<16xi32>
      %gather3A_1249 = tpu.vector_load_idx %arg6[%broadcast_in_dim3A_1248, %sub3A_1190] : memref<32x3328xf32, #tpu.memory_space<vmem>>[vector<16xi32>, vector<16xi32>], vector<16xf32>,
      %swap3A_1250 = arith.constant 8 : i32
      %swap3A_1251 = arith.index_cast %swap3A_1250 : i32 to index
      %swap3A_1252 = arith.constant 80 : index
      %swap3A_1253 = tpu.vector_load %arg7[%swap3A_1251, %swap3A_1252] {strides = array<i32>} : memref<32x128xf32, #tpu.memory_space<vmem>>, vector<16xf32>,
      tpu.vector_store %arg7[%swap3A_1251, %swap3A_1252], %gather3A_1249 {strides = array<i32>} : memref<32x128xf32, #tpu.memory_space<vmem>>, vector<16xf32>,
      %broadcast_in_dim3A_1254 = arith.constant 9 : i32
      %broadcast_in_dim3A_1255 = vector.broadcast %broadcast_in_dim3A_1254 : i32 to vector<16xi32>
      %gather3A_1256 = tpu.vector_load_idx %arg6[%broadcast_in_dim3A_1255, %sub3A_1190] : memref<32x3328xf32, #tpu.memory_space<vmem>>[vector<16xi32>, vector<16xi32>], vector<16xf32>,
      %swap3A_1257 = arith.constant 9 : i32
      %swap3A_1258 = arith.index_cast %swap3A_1257 : i32 to index
      %swap3A_1259 = arith.constant 80 : index
      %swap3A_1260 = tpu.vector_load %arg7[%swap3A_1258, %swap3A_1259] {strides = array<i32>} : memref<32x128xf32, #tpu.memory_space<vmem>>, vector<16xf32>,
      tpu.vector_store %arg7[%swap3A_1258, %swap3A_1259], %gather3A_1256 {strides = array<i32>} : memref<32x128xf32, #tpu.memory_space<vmem>>, vector<16xf32>,
      %broadcast_in_dim3A_1261 = arith.constant 10 : i32
      %broadcast_in_dim3A_1262 = vector.broadcast %broadcast_in_dim3A_1261 : i32 to vector<16xi32>
      %gather3A_1263 = tpu.vector_load_idx %arg6[%broadcast_in_dim3A_1262, %sub3A_1190] : memref<32x3328xf32, #tpu.memory_space<vmem>>[vector<16xi32>, vector<16xi32>], vector<16xf32>,
      %swap3A_1264 = arith.constant 10 : i32
      %swap3A_1265 = arith.index_cast %swap3A_1264 : i32 to index
      %swap3A_1266 = arith.constant 80 : index
      %swap3A_1267 = tpu.vector_load %arg7[%swap3A_1265, %swap3A_1266] {strides = array<i32>} : memref<32x128xf32, #tpu.memory_space<vmem>>, vector<16xf32>,
      tpu.vector_store %arg7[%swap3A_1265, %swap3A_1266], %gather3A_1263 {strides = array<i32>} : memref<32x128xf32, #tpu.memory_space<vmem>>, vector<16xf32>,
      %broadcast_in_dim3A_1268 = arith.constant 11 : i32
      %broadcast_in_dim3A_1269 = vector.broadcast %broadcast_in_dim3A_1268 : i32 to vector<16xi32>
      %gather3A_1270 = tpu.vector_load_idx %arg6[%broadcast_in_dim3A_1269, %sub3A_1190] : memref<32x3328xf32, #tpu.memory_space<vmem>>[vector<16xi32>, vector<16xi32>], vector<16xf32>,
      %swap3A_1271 = arith.constant 11 : i32
      %swap3A_1272 = arith.index_cast %swap3A_1271 : i32 to index
      %swap3A_1273 = arith.constant 80 : index
      %swap3A_1274 = tpu.vector_load %arg7[%swap3A_1272, %swap3A_1273] {strides = array<i32>} : memref<32x128xf32, #tpu.memory_space<vmem>>, vector<16xf32>,
      tpu.vector_store %arg7[%swap3A_1272, %swap3A_1273], %gather3A_1270 {strides = array<i32>} : memref<32x128xf32, #tpu.memory_space<vmem>>, vector<16xf32>,
      %broadcast_in_dim3A_1275 = arith.constant 12 : i32
      %broadcast_in_dim3A_1276 = vector.broadcast %broadcast_in_dim3A_1275 : i32 to vector<16xi32>
      %gather3A_1277 = tpu.vector_load_idx %arg6[%broadcast_in_dim3A_1276, %sub3A_1190] : memref<32x3328xf32, #tpu.memory_space<vmem>>[vector<16xi32>, vector<16xi32>], vector<16xf32>,
      %swap3A_1278 = arith.constant 12 : i32
      %swap3A_1279 = arith.index_cast %swap3A_1278 : i32 to index
      %swap3A_1280 = arith.constant 80 : index
      %swap3A_1281 = tpu.vector_load %arg7[%swap3A_1279, %swap3A_1280] {strides = array<i32>} : memref<32x128xf32, #tpu.memory_space<vmem>>, vector<16xf32>,
      tpu.vector_store %arg7[%swap3A_1279, %swap3A_1280], %gather3A_1277 {strides = array<i32>} : memref<32x128xf32, #tpu.memory_space<vmem>>, vector<16xf32>,
      %broadcast_in_dim3A_1282 = arith.constant 13 : i32
      %broadcast_in_dim3A_1283 = vector.broadcast %broadcast_in_dim3A_1282 : i32 to vector<16xi32>
      %gather3A_1284 = tpu.vector_load_idx %arg6[%broadcast_in_dim3A_1283, %sub3A_1190] : memref<32x3328xf32, #tpu.memory_space<vmem>>[vector<16xi32>, vector<16xi32>], vector<16xf32>,
      %swap3A_1285 = arith.constant 13 : i32
      %swap3A_1286 = arith.index_cast %swap3A_1285 : i32 to index
      %swap3A_1287 = arith.constant 80 : index
      %swap3A_1288 = tpu.vector_load %arg7[%swap3A_1286, %swap3A_1287] {strides = array<i32>} : memref<32x128xf32, #tpu.memory_space<vmem>>, vector<16xf32>,
      tpu.vector_store %arg7[%swap3A_1286, %swap3A_1287], %gather3A_1284 {strides = array<i32>} : memref<32x128xf32, #tpu.memory_space<vmem>>, vector<16xf32>,
      %broadcast_in_dim3A_1289 = arith.constant 14 : i32
      %broadcast_in_dim3A_1290 = vector.broadcast %broadcast_in_dim3A_1289 : i32 to vector<16xi32>
      %gather3A_1291 = tpu.vector_load_idx %arg6[%broadcast_in_dim3A_1290, %sub3A_1190] : memref<32x3328xf32, #tpu.memory_space<vmem>>[vector<16xi32>, vector<16xi32>], vector<16xf32>,
      %swap3A_1292 = arith.constant 14 : i32
      %swap3A_1293 = arith.index_cast %swap3A_1292 : i32 to index
      %swap3A_1294 = arith.constant 80 : index
      %swap3A_1295 = tpu.vector_load %arg7[%swap3A_1293, %swap3A_1294] {strides = array<i32>} : memref<32x128xf32, #tpu.memory_space<vmem>>, vector<16xf32>,
      tpu.vector_store %arg7[%swap3A_1293, %swap3A_1294], %gather3A_1291 {strides = array<i32>} : memref<32x128xf32, #tpu.memory_space<vmem>>, vector<16xf32>,
      %broadcast_in_dim3A_1296 = arith.constant 15 : i32
      %broadcast_in_dim3A_1297 = vector.broadcast %broadcast_in_dim3A_1296 : i32 to vector<16xi32>
      %gather3A_1298 = tpu.vector_load_idx %arg6[%broadcast_in_dim3A_1297, %sub3A_1190] : memref<32x3328xf32, #tpu.memory_space<vmem>>[vector<16xi32>, vector<16xi32>], vector<16xf32>,
      %swap3A_1299 = arith.constant 15 : i32
      %swap3A_1300 = arith.index_cast %swap3A_1299 : i32 to index
      %swap3A_1301 = arith.constant 80 : index
      %swap3A_1302 = tpu.vector_load %arg7[%swap3A_1300, %swap3A_1301] {strides = array<i32>} : memref<32x128xf32, #tpu.memory_space<vmem>>, vector<16xf32>,
      tpu.vector_store %arg7[%swap3A_1300, %swap3A_1301], %gather3A_1298 {strides = array<i32>} : memref<32x128xf32, #tpu.memory_space<vmem>>, vector<16xf32>,
      %broadcast_in_dim3A_1303 = arith.constant 16 : i32
      %broadcast_in_dim3A_1304 = vector.broadcast %broadcast_in_dim3A_1303 : i32 to vector<16xi32>
      %gather3A_1305 = tpu.vector_load_idx %arg6[%broadcast_in_dim3A_1304, %sub3A_1190] : memref<32x3328xf32, #tpu.memory_space<vmem>>[vector<16xi32>, vector<16xi32>], vector<16xf32>,
      %swap3A_1306 = arith.constant 16 : i32
      %swap3A_1307 = arith.index_cast %swap3A_1306 : i32 to index
      %swap3A_1308 = arith.constant 80 : index
      %swap3A_1309 = tpu.vector_load %arg7[%swap3A_1307, %swap3A_1308] {strides = array<i32>} : memref<32x128xf32, #tpu.memory_space<vmem>>, vector<16xf32>,
      tpu.vector_store %arg7[%swap3A_1307, %swap3A_1308], %gather3A_1305 {strides = array<i32>} : memref<32x128xf32, #tpu.memory_space<vmem>>, vector<16xf32>,
      %broadcast_in_dim3A_1310 = arith.constant 17 : i32
      %broadcast_in_dim3A_1311 = vector.broadcast %broadcast_in_dim3A_1310 : i32 to vector<16xi32>
      %gather3A_1312 = tpu.vector_load_idx %arg6[%broadcast_in_dim3A_1311, %sub3A_1190] : memref<32x3328xf32, #tpu.memory_space<vmem>>[vector<16xi32>, vector<16xi32>], vector<16xf32>,
      %swap3A_1313 = arith.constant 17 : i32
      %swap3A_1314 = arith.index_cast %swap3A_1313 : i32 to index
      %swap3A_1315 = arith.constant 80 : index
      %swap3A_1316 = tpu.vector_load %arg7[%swap3A_1314, %swap3A_1315] {strides = array<i32>} : memref<32x128xf32, #tpu.memory_space<vmem>>, vector<16xf32>,
      tpu.vector_store %arg7[%swap3A_1314, %swap3A_1315], %gather3A_1312 {strides = array<i32>} : memref<32x128xf32, #tpu.memory_space<vmem>>, vector<16xf32>,
      %broadcast_in_dim3A_1317 = arith.constant 18 : i32
      %broadcast_in_dim3A_1318 = vector.broadcast %broadcast_in_dim3A_1317 : i32 to vector<16xi32>
      %gather3A_1319 = tpu.vector_load_idx %arg6[%broadcast_in_dim3A_1318, %sub3A_1190] : memref<32x3328xf32, #tpu.memory_space<vmem>>[vector<16xi32>, vector<16xi32>], vector<16xf32>,
      %swap3A_1320 = arith.constant 18 : i32
      %swap3A_1321 = arith.index_cast %swap3A_1320 : i32 to index
      %swap3A_1322 = arith.constant 80 : index
      %swap3A_1323 = tpu.vector_load %arg7[%swap3A_1321, %swap3A_1322] {strides = array<i32>} : memref<32x128xf32, #tpu.memory_space<vmem>>, vector<16xf32>,
      tpu.vector_store %arg7[%swap3A_1321, %swap3A_1322], %gather3A_1319 {strides = array<i32>} : memref<32x128xf32, #tpu.memory_space<vmem>>, vector<16xf32>,
      %broadcast_in_dim3A_1324 = arith.constant 19 : i32
      %broadcast_in_dim3A_1325 = vector.broadcast %broadcast_in_dim3A_1324 : i32 to vector<16xi32>
      %gather3A_1326 = tpu.vector_load_idx %arg6[%broadcast_in_dim3A_1325, %sub3A_1190] : memref<32x3328xf32, #tpu.memory_space<vmem>>[vector<16xi32>, vector<16xi32>], vector<16xf32>,
      %swap3A_1327 = arith.constant 19 : i32
      %swap3A_1328 = arith.index_cast %swap3A_1327 : i32 to index
      %swap3A_1329 = arith.constant 80 : index
      %swap3A_1330 = tpu.vector_load %arg7[%swap3A_1328, %swap3A_1329] {strides = array<i32>} : memref<32x128xf32, #tpu.memory_space<vmem>>, vector<16xf32>,
      tpu.vector_store %arg7[%swap3A_1328, %swap3A_1329], %gather3A_1326 {strides = array<i32>} : memref<32x128xf32, #tpu.memory_space<vmem>>, vector<16xf32>,
      %broadcast_in_dim3A_1331 = arith.constant 20 : i32
      %broadcast_in_dim3A_1332 = vector.broadcast %broadcast_in_dim3A_1331 : i32 to vector<16xi32>
      %gather3A_1333 = tpu.vector_load_idx %arg6[%broadcast_in_dim3A_1332, %sub3A_1190] : memref<32x3328xf32, #tpu.memory_space<vmem>>[vector<16xi32>, vector<16xi32>], vector<16xf32>,
      %swap3A_1334 = arith.constant 20 : i32
      %swap3A_1335 = arith.index_cast %swap3A_1334 : i32 to index
      %swap3A_1336 = arith.constant 80 : index
      %swap3A_1337 = tpu.vector_load %arg7[%swap3A_1335, %swap3A_1336] {strides = array<i32>} : memref<32x128xf32, #tpu.memory_space<vmem>>, vector<16xf32>,
      tpu.vector_store %arg7[%swap3A_1335, %swap3A_1336], %gather3A_1333 {strides = array<i32>} : memref<32x128xf32, #tpu.memory_space<vmem>>, vector<16xf32>,
      %broadcast_in_dim3A_1338 = arith.constant 21 : i32
      %broadcast_in_dim3A_1339 = vector.broadcast %broadcast_in_dim3A_1338 : i32 to vector<16xi32>
      %gather3A_1340 = tpu.vector_load_idx %arg6[%broadcast_in_dim3A_1339, %sub3A_1190] : memref<32x3328xf32, #tpu.memory_space<vmem>>[vector<16xi32>, vector<16xi32>], vector<16xf32>,
      %swap3A_1341 = arith.constant 21 : i32
      %swap3A_1342 = arith.index_cast %swap3A_1341 : i32 to index
      %swap3A_1343 = arith.constant 80 : index
      %swap3A_1344 = tpu.vector_load %arg7[%swap3A_1342, %swap3A_1343] {strides = array<i32>} : memref<32x128xf32, #tpu.memory_space<vmem>>, vector<16xf32>,
      tpu.vector_store %arg7[%swap3A_1342, %swap3A_1343], %gather3A_1340 {strides = array<i32>} : memref<32x128xf32, #tpu.memory_space<vmem>>, vector<16xf32>,
      %broadcast_in_dim3A_1345 = arith.constant 22 : i32
      %broadcast_in_dim3A_1346 = vector.broadcast %broadcast_in_dim3A_1345 : i32 to vector<16xi32>
      %gather3A_1347 = tpu.vector_load_idx %arg6[%broadcast_in_dim3A_1346, %sub3A_1190] : memref<32x3328xf32, #tpu.memory_space<vmem>>[vector<16xi32>, vector<16xi32>], vector<16xf32>,
      %swap3A_1348 = arith.constant 22 : i32
      %swap3A_1349 = arith.index_cast %swap3A_1348 : i32 to index
      %swap3A_1350 = arith.constant 80 : index
      %swap3A_1351 = tpu.vector_load %arg7[%swap3A_1349, %swap3A_1350] {strides = array<i32>} : memref<32x128xf32, #tpu.memory_space<vmem>>, vector<16xf32>,
      tpu.vector_store %arg7[%swap3A_1349, %swap3A_1350], %gather3A_1347 {strides = array<i32>} : memref<32x128xf32, #tpu.memory_space<vmem>>, vector<16xf32>,
      %broadcast_in_dim3A_1352 = arith.constant 23 : i32
      %broadcast_in_dim3A_1353 = vector.broadcast %broadcast_in_dim3A_1352 : i32 to vector<16xi32>
      %gather3A_1354 = tpu.vector_load_idx %arg6[%broadcast_in_dim3A_1353, %sub3A_1190] : memref<32x3328xf32, #tpu.memory_space<vmem>>[vector<16xi32>, vector<16xi32>], vector<16xf32>,
      %swap3A_1355 = arith.constant 23 : i32
      %swap3A_1356 = arith.index_cast %swap3A_1355 : i32 to index
      %swap3A_1357 = arith.constant 80 : index
      %swap3A_1358 = tpu.vector_load %arg7[%swap3A_1356, %swap3A_1357] {strides = array<i32>} : memref<32x128xf32, #tpu.memory_space<vmem>>, vector<16xf32>,
      tpu.vector_store %arg7[%swap3A_1356, %swap3A_1357], %gather3A_1354 {strides = array<i32>} : memref<32x128xf32, #tpu.memory_space<vmem>>, vector<16xf32>,
      %broadcast_in_dim3A_1359 = arith.constant 24 : i32
      %broadcast_in_dim3A_1360 = vector.broadcast %broadcast_in_dim3A_1359 : i32 to vector<16xi32>
      %gather3A_1361 = tpu.vector_load_idx %arg6[%broadcast_in_dim3A_1360, %sub3A_1190] : memref<32x3328xf32, #tpu.memory_space<vmem>>[vector<16xi32>, vector<16xi32>], vector<16xf32>,
      %swap3A_1362 = arith.constant 24 : i32
      %swap3A_1363 = arith.index_cast %swap3A_1362 : i32 to index
      %swap3A_1364 = arith.constant 80 : index
      %swap3A_1365 = tpu.vector_load %arg7[%swap3A_1363, %swap3A_1364] {strides = array<i32>} : memref<32x128xf32, #tpu.memory_space<vmem>>, vector<16xf32>,
      tpu.vector_store %arg7[%swap3A_1363, %swap3A_1364], %gather3A_1361 {strides = array<i32>} : memref<32x128xf32, #tpu.memory_space<vmem>>, vector<16xf32>,
      %broadcast_in_dim3A_1366 = arith.constant 25 : i32
      %broadcast_in_dim3A_1367 = vector.broadcast %broadcast_in_dim3A_1366 : i32 to vector<16xi32>
      %gather3A_1368 = tpu.vector_load_idx %arg6[%broadcast_in_dim3A_1367, %sub3A_1190] : memref<32x3328xf32, #tpu.memory_space<vmem>>[vector<16xi32>, vector<16xi32>], vector<16xf32>,
      %swap3A_1369 = arith.constant 25 : i32
      %swap3A_1370 = arith.index_cast %swap3A_1369 : i32 to index
      %swap3A_1371 = arith.constant 80 : index
      %swap3A_1372 = tpu.vector_load %arg7[%swap3A_1370, %swap3A_1371] {strides = array<i32>} : memref<32x128xf32, #tpu.memory_space<vmem>>, vector<16xf32>,
      tpu.vector_store %arg7[%swap3A_1370, %swap3A_1371], %gather3A_1368 {strides = array<i32>} : memref<32x128xf32, #tpu.memory_space<vmem>>, vector<16xf32>,
      %broadcast_in_dim3A_1373 = arith.constant 26 : i32
      %broadcast_in_dim3A_1374 = vector.broadcast %broadcast_in_dim3A_1373 : i32 to vector<16xi32>
      %gather3A_1375 = tpu.vector_load_idx %arg6[%broadcast_in_dim3A_1374, %sub3A_1190] : memref<32x3328xf32, #tpu.memory_space<vmem>>[vector<16xi32>, vector<16xi32>], vector<16xf32>,
      %swap3A_1376 = arith.constant 26 : i32
      %swap3A_1377 = arith.index_cast %swap3A_1376 : i32 to index
      %swap3A_1378 = arith.constant 80 : index
      %swap3A_1379 = tpu.vector_load %arg7[%swap3A_1377, %swap3A_1378] {strides = array<i32>} : memref<32x128xf32, #tpu.memory_space<vmem>>, vector<16xf32>,
      tpu.vector_store %arg7[%swap3A_1377, %swap3A_1378], %gather3A_1375 {strides = array<i32>} : memref<32x128xf32, #tpu.memory_space<vmem>>, vector<16xf32>,
      %broadcast_in_dim3A_1380 = arith.constant 27 : i32
      %broadcast_in_dim3A_1381 = vector.broadcast %broadcast_in_dim3A_1380 : i32 to vector<16xi32>
      %gather3A_1382 = tpu.vector_load_idx %arg6[%broadcast_in_dim3A_1381, %sub3A_1190] : memref<32x3328xf32, #tpu.memory_space<vmem>>[vector<16xi32>, vector<16xi32>], vector<16xf32>,
      %swap3A_1383 = arith.constant 27 : i32
      %swap3A_1384 = arith.index_cast %swap3A_1383 : i32 to index
      %swap3A_1385 = arith.constant 80 : index
      %swap3A_1386 = tpu.vector_load %arg7[%swap3A_1384, %swap3A_1385] {strides = array<i32>} : memref<32x128xf32, #tpu.memory_space<vmem>>, vector<16xf32>,
      tpu.vector_store %arg7[%swap3A_1384, %swap3A_1385], %gather3A_1382 {strides = array<i32>} : memref<32x128xf32, #tpu.memory_space<vmem>>, vector<16xf32>,
      %broadcast_in_dim3A_1387 = arith.constant 28 : i32
      %broadcast_in_dim3A_1388 = vector.broadcast %broadcast_in_dim3A_1387 : i32 to vector<16xi32>
      %gather3A_1389 = tpu.vector_load_idx %arg6[%broadcast_in_dim3A_1388, %sub3A_1190] : memref<32x3328xf32, #tpu.memory_space<vmem>>[vector<16xi32>, vector<16xi32>], vector<16xf32>,
      %swap3A_1390 = arith.constant 28 : i32
      %swap3A_1391 = arith.index_cast %swap3A_1390 : i32 to index
      %swap3A_1392 = arith.constant 80 : index
      %swap3A_1393 = tpu.vector_load %arg7[%swap3A_1391, %swap3A_1392] {strides = array<i32>} : memref<32x128xf32, #tpu.memory_space<vmem>>, vector<16xf32>,
      tpu.vector_store %arg7[%swap3A_1391, %swap3A_1392], %gather3A_1389 {strides = array<i32>} : memref<32x128xf32, #tpu.memory_space<vmem>>, vector<16xf32>,
      %broadcast_in_dim3A_1394 = arith.constant 29 : i32
      %broadcast_in_dim3A_1395 = vector.broadcast %broadcast_in_dim3A_1394 : i32 to vector<16xi32>
      %gather3A_1396 = tpu.vector_load_idx %arg6[%broadcast_in_dim3A_1395, %sub3A_1190] : memref<32x3328xf32, #tpu.memory_space<vmem>>[vector<16xi32>, vector<16xi32>], vector<16xf32>,
      %swap3A_1397 = arith.constant 29 : i32
      %swap3A_1398 = arith.index_cast %swap3A_1397 : i32 to index
      %swap3A_1399 = arith.constant 80 : index
      %swap3A_1400 = tpu.vector_load %arg7[%swap3A_1398, %swap3A_1399] {strides = array<i32>} : memref<32x128xf32, #tpu.memory_space<vmem>>, vector<16xf32>,
      tpu.vector_store %arg7[%swap3A_1398, %swap3A_1399], %gather3A_1396 {strides = array<i32>} : memref<32x128xf32, #tpu.memory_space<vmem>>, vector<16xf32>,
      %broadcast_in_dim3A_1401 = arith.constant 30 : i32
      %broadcast_in_dim3A_1402 = vector.broadcast %broadcast_in_dim3A_1401 : i32 to vector<16xi32>
      %gather3A_1403 = tpu.vector_load_idx %arg6[%broadcast_in_dim3A_1402, %sub3A_1190] : memref<32x3328xf32, #tpu.memory_space<vmem>>[vector<16xi32>, vector<16xi32>], vector<16xf32>,
      %swap3A_1404 = arith.constant 30 : i32
      %swap3A_1405 = arith.index_cast %swap3A_1404 : i32 to index
      %swap3A_1406 = arith.constant 80 : index
      %swap3A_1407 = tpu.vector_load %arg7[%swap3A_1405, %swap3A_1406] {strides = array<i32>} : memref<32x128xf32, #tpu.memory_space<vmem>>, vector<16xf32>,
      tpu.vector_store %arg7[%swap3A_1405, %swap3A_1406], %gather3A_1403 {strides = array<i32>} : memref<32x128xf32, #tpu.memory_space<vmem>>, vector<16xf32>,
      %broadcast_in_dim3A_1408 = arith.constant 31 : i32
      %broadcast_in_dim3A_1409 = vector.broadcast %broadcast_in_dim3A_1408 : i32 to vector<16xi32>
      %gather3A_1410 = tpu.vector_load_idx %arg6[%broadcast_in_dim3A_1409, %sub3A_1190] : memref<32x3328xf32, #tpu.memory_space<vmem>>[vector<16xi32>, vector<16xi32>], vector<16xf32>,
      %swap3A_1411 = arith.constant 31 : i32
      %swap3A_1412 = arith.index_cast %swap3A_1411 : i32 to index
      %swap3A_1413 = arith.constant 80 : index
      %swap3A_1414 = tpu.vector_load %arg7[%swap3A_1412, %swap3A_1413] {strides = array<i32>} : memref<32x128xf32, #tpu.memory_space<vmem>>, vector<16xf32>,
      tpu.vector_store %arg7[%swap3A_1412, %swap3A_1413], %gather3A_1410 {strides = array<i32>} : memref<32x128xf32, #tpu.memory_space<vmem>>, vector<16xf32>,
      %get3A_1415 = arith.constant 96 : index
      %get3A_1416 = tpu.vector_load %arg5[%get3A_1415] {strides = array<i32>} : memref<128xi32, #tpu.memory_space<vmem>>, vector<16xi32>,
      %sub3A_1417 = vector.broadcast %multiple_of3A : i32 to vector<16xi32>
      %sub3A_1418 = arith.subi %get3A_1416, %sub3A_1417 : vector<16xi32>
      %broadcast_in_dim3A_1419 = arith.constant 0 : i32
      %broadcast_in_dim3A_1420 = vector.broadcast %broadcast_in_dim3A_1419 : i32 to vector<16xi32>
      %gather3A_1421 = tpu.vector_load_idx %arg6[%broadcast_in_dim3A_1420, %sub3A_1418] : memref<32x3328xf32, #tpu.memory_space<vmem>>[vector<16xi32>, vector<16xi32>], vector<16xf32>,
      %swap3A_1422 = arith.constant 0 : i32
      %swap3A_1423 = arith.index_cast %swap3A_1422 : i32 to index
      %swap3A_1424 = arith.constant 96 : index
      %swap3A_1425 = tpu.vector_load %arg7[%swap3A_1423, %swap3A_1424] {strides = array<i32>} : memref<32x128xf32, #tpu.memory_space<vmem>>, vector<16xf32>,
      tpu.vector_store %arg7[%swap3A_1423, %swap3A_1424], %gather3A_1421 {strides = array<i32>} : memref<32x128xf32, #tpu.memory_space<vmem>>, vector<16xf32>,
      %broadcast_in_dim3A_1426 = arith.constant 1 : i32
      %broadcast_in_dim3A_1427 = vector.broadcast %broadcast_in_dim3A_1426 : i32 to vector<16xi32>
      %gather3A_1428 = tpu.vector_load_idx %arg6[%broadcast_in_dim3A_1427, %sub3A_1418] : memref<32x3328xf32, #tpu.memory_space<vmem>>[vector<16xi32>, vector<16xi32>], vector<16xf32>,
      %swap3A_1429 = arith.constant 1 : i32
      %swap3A_1430 = arith.index_cast %swap3A_1429 : i32 to index
      %swap3A_1431 = arith.constant 96 : index
      %swap3A_1432 = tpu.vector_load %arg7[%swap3A_1430, %swap3A_1431] {strides = array<i32>} : memref<32x128xf32, #tpu.memory_space<vmem>>, vector<16xf32>,
      tpu.vector_store %arg7[%swap3A_1430, %swap3A_1431], %gather3A_1428 {strides = array<i32>} : memref<32x128xf32, #tpu.memory_space<vmem>>, vector<16xf32>,
      %broadcast_in_dim3A_1433 = arith.constant 2 : i32
      %broadcast_in_dim3A_1434 = vector.broadcast %broadcast_in_dim3A_1433 : i32 to vector<16xi32>
      %gather3A_1435 = tpu.vector_load_idx %arg6[%broadcast_in_dim3A_1434, %sub3A_1418] : memref<32x3328xf32, #tpu.memory_space<vmem>>[vector<16xi32>, vector<16xi32>], vector<16xf32>,
      %swap3A_1436 = arith.constant 2 : i32
      %swap3A_1437 = arith.index_cast %swap3A_1436 : i32 to index
      %swap3A_1438 = arith.constant 96 : index
      %swap3A_1439 = tpu.vector_load %arg7[%swap3A_1437, %swap3A_1438] {strides = array<i32>} : memref<32x128xf32, #tpu.memory_space<vmem>>, vector<16xf32>,
      tpu.vector_store %arg7[%swap3A_1437, %swap3A_1438], %gather3A_1435 {strides = array<i32>} : memref<32x128xf32, #tpu.memory_space<vmem>>, vector<16xf32>,
      %broadcast_in_dim3A_1440 = arith.constant 3 : i32
      %broadcast_in_dim3A_1441 = vector.broadcast %broadcast_in_dim3A_1440 : i32 to vector<16xi32>
      %gather3A_1442 = tpu.vector_load_idx %arg6[%broadcast_in_dim3A_1441, %sub3A_1418] : memref<32x3328xf32, #tpu.memory_space<vmem>>[vector<16xi32>, vector<16xi32>], vector<16xf32>,
      %swap3A_1443 = arith.constant 3 : i32
      %swap3A_1444 = arith.index_cast %swap3A_1443 : i32 to index
      %swap3A_1445 = arith.constant 96 : index
      %swap3A_1446 = tpu.vector_load %arg7[%swap3A_1444, %swap3A_1445] {strides = array<i32>} : memref<32x128xf32, #tpu.memory_space<vmem>>, vector<16xf32>,
      tpu.vector_store %arg7[%swap3A_1444, %swap3A_1445], %gather3A_1442 {strides = array<i32>} : memref<32x128xf32, #tpu.memory_space<vmem>>, vector<16xf32>,
      %broadcast_in_dim3A_1447 = arith.constant 4 : i32
      %broadcast_in_dim3A_1448 = vector.broadcast %broadcast_in_dim3A_1447 : i32 to vector<16xi32>
      %gather3A_1449 = tpu.vector_load_idx %arg6[%broadcast_in_dim3A_1448, %sub3A_1418] : memref<32x3328xf32, #tpu.memory_space<vmem>>[vector<16xi32>, vector<16xi32>], vector<16xf32>,
      %swap3A_1450 = arith.constant 4 : i32
      %swap3A_1451 = arith.index_cast %swap3A_1450 : i32 to index
      %swap3A_1452 = arith.constant 96 : index
      %swap3A_1453 = tpu.vector_load %arg7[%swap3A_1451, %swap3A_1452] {strides = array<i32>} : memref<32x128xf32, #tpu.memory_space<vmem>>, vector<16xf32>,
      tpu.vector_store %arg7[%swap3A_1451, %swap3A_1452], %gather3A_1449 {strides = array<i32>} : memref<32x128xf32, #tpu.memory_space<vmem>>, vector<16xf32>,
      %broadcast_in_dim3A_1454 = arith.constant 5 : i32
      %broadcast_in_dim3A_1455 = vector.broadcast %broadcast_in_dim3A_1454 : i32 to vector<16xi32>
      %gather3A_1456 = tpu.vector_load_idx %arg6[%broadcast_in_dim3A_1455, %sub3A_1418] : memref<32x3328xf32, #tpu.memory_space<vmem>>[vector<16xi32>, vector<16xi32>], vector<16xf32>,
      %swap3A_1457 = arith.constant 5 : i32
      %swap3A_1458 = arith.index_cast %swap3A_1457 : i32 to index
      %swap3A_1459 = arith.constant 96 : index
      %swap3A_1460 = tpu.vector_load %arg7[%swap3A_1458, %swap3A_1459] {strides = array<i32>} : memref<32x128xf32, #tpu.memory_space<vmem>>, vector<16xf32>,
      tpu.vector_store %arg7[%swap3A_1458, %swap3A_1459], %gather3A_1456 {strides = array<i32>} : memref<32x128xf32, #tpu.memory_space<vmem>>, vector<16xf32>,
      %broadcast_in_dim3A_1461 = arith.constant 6 : i32
      %broadcast_in_dim3A_1462 = vector.broadcast %broadcast_in_dim3A_1461 : i32 to vector<16xi32>
      %gather3A_1463 = tpu.vector_load_idx %arg6[%broadcast_in_dim3A_1462, %sub3A_1418] : memref<32x3328xf32, #tpu.memory_space<vmem>>[vector<16xi32>, vector<16xi32>], vector<16xf32>,
      %swap3A_1464 = arith.constant 6 : i32
      %swap3A_1465 = arith.index_cast %swap3A_1464 : i32 to index
      %swap3A_1466 = arith.constant 96 : index
      %swap3A_1467 = tpu.vector_load %arg7[%swap3A_1465, %swap3A_1466] {strides = array<i32>} : memref<32x128xf32, #tpu.memory_space<vmem>>, vector<16xf32>,
      tpu.vector_store %arg7[%swap3A_1465, %swap3A_1466], %gather3A_1463 {strides = array<i32>} : memref<32x128xf32, #tpu.memory_space<vmem>>, vector<16xf32>,
      %broadcast_in_dim3A_1468 = arith.constant 7 : i32
      %broadcast_in_dim3A_1469 = vector.broadcast %broadcast_in_dim3A_1468 : i32 to vector<16xi32>
      %gather3A_1470 = tpu.vector_load_idx %arg6[%broadcast_in_dim3A_1469, %sub3A_1418] : memref<32x3328xf32, #tpu.memory_space<vmem>>[vector<16xi32>, vector<16xi32>], vector<16xf32>,
      %swap3A_1471 = arith.constant 7 : i32
      %swap3A_1472 = arith.index_cast %swap3A_1471 : i32 to index
      %swap3A_1473 = arith.constant 96 : index
      %swap3A_1474 = tpu.vector_load %arg7[%swap3A_1472, %swap3A_1473] {strides = array<i32>} : memref<32x128xf32, #tpu.memory_space<vmem>>, vector<16xf32>,
      tpu.vector_store %arg7[%swap3A_1472, %swap3A_1473], %gather3A_1470 {strides = array<i32>} : memref<32x128xf32, #tpu.memory_space<vmem>>, vector<16xf32>,
      %broadcast_in_dim3A_1475 = arith.constant 8 : i32
      %broadcast_in_dim3A_1476 = vector.broadcast %broadcast_in_dim3A_1475 : i32 to vector<16xi32>
      %gather3A_1477 = tpu.vector_load_idx %arg6[%broadcast_in_dim3A_1476, %sub3A_1418] : memref<32x3328xf32, #tpu.memory_space<vmem>>[vector<16xi32>, vector<16xi32>], vector<16xf32>,
      %swap3A_1478 = arith.constant 8 : i32
      %swap3A_1479 = arith.index_cast %swap3A_1478 : i32 to index
      %swap3A_1480 = arith.constant 96 : index
      %swap3A_1481 = tpu.vector_load %arg7[%swap3A_1479, %swap3A_1480] {strides = array<i32>} : memref<32x128xf32, #tpu.memory_space<vmem>>, vector<16xf32>,
      tpu.vector_store %arg7[%swap3A_1479, %swap3A_1480], %gather3A_1477 {strides = array<i32>} : memref<32x128xf32, #tpu.memory_space<vmem>>, vector<16xf32>,
      %broadcast_in_dim3A_1482 = arith.constant 9 : i32
      %broadcast_in_dim3A_1483 = vector.broadcast %broadcast_in_dim3A_1482 : i32 to vector<16xi32>
      %gather3A_1484 = tpu.vector_load_idx %arg6[%broadcast_in_dim3A_1483, %sub3A_1418] : memref<32x3328xf32, #tpu.memory_space<vmem>>[vector<16xi32>, vector<16xi32>], vector<16xf32>,
      %swap3A_1485 = arith.constant 9 : i32
      %swap3A_1486 = arith.index_cast %swap3A_1485 : i32 to index
      %swap3A_1487 = arith.constant 96 : index
      %swap3A_1488 = tpu.vector_load %arg7[%swap3A_1486, %swap3A_1487] {strides = array<i32>} : memref<32x128xf32, #tpu.memory_space<vmem>>, vector<16xf32>,
      tpu.vector_store %arg7[%swap3A_1486, %swap3A_1487], %gather3A_1484 {strides = array<i32>} : memref<32x128xf32, #tpu.memory_space<vmem>>, vector<16xf32>,
      %broadcast_in_dim3A_1489 = arith.constant 10 : i32
      %broadcast_in_dim3A_1490 = vector.broadcast %broadcast_in_dim3A_1489 : i32 to vector<16xi32>
      %gather3A_1491 = tpu.vector_load_idx %arg6[%broadcast_in_dim3A_1490, %sub3A_1418] : memref<32x3328xf32, #tpu.memory_space<vmem>>[vector<16xi32>, vector<16xi32>], vector<16xf32>,
      %swap3A_1492 = arith.constant 10 : i32
      %swap3A_1493 = arith.index_cast %swap3A_1492 : i32 to index
      %swap3A_1494 = arith.constant 96 : index
      %swap3A_1495 = tpu.vector_load %arg7[%swap3A_1493, %swap3A_1494] {strides = array<i32>} : memref<32x128xf32, #tpu.memory_space<vmem>>, vector<16xf32>,
      tpu.vector_store %arg7[%swap3A_1493, %swap3A_1494], %gather3A_1491 {strides = array<i32>} : memref<32x128xf32, #tpu.memory_space<vmem>>, vector<16xf32>,
      %broadcast_in_dim3A_1496 = arith.constant 11 : i32
      %broadcast_in_dim3A_1497 = vector.broadcast %broadcast_in_dim3A_1496 : i32 to vector<16xi32>
      %gather3A_1498 = tpu.vector_load_idx %arg6[%broadcast_in_dim3A_1497, %sub3A_1418] : memref<32x3328xf32, #tpu.memory_space<vmem>>[vector<16xi32>, vector<16xi32>], vector<16xf32>,
      %swap3A_1499 = arith.constant 11 : i32
      %swap3A_1500 = arith.index_cast %swap3A_1499 : i32 to index
      %swap3A_1501 = arith.constant 96 : index
      %swap3A_1502 = tpu.vector_load %arg7[%swap3A_1500, %swap3A_1501] {strides = array<i32>} : memref<32x128xf32, #tpu.memory_space<vmem>>, vector<16xf32>,
      tpu.vector_store %arg7[%swap3A_1500, %swap3A_1501], %gather3A_1498 {strides = array<i32>} : memref<32x128xf32, #tpu.memory_space<vmem>>, vector<16xf32>,
      %broadcast_in_dim3A_1503 = arith.constant 12 : i32
      %broadcast_in_dim3A_1504 = vector.broadcast %broadcast_in_dim3A_1503 : i32 to vector<16xi32>
      %gather3A_1505 = tpu.vector_load_idx %arg6[%broadcast_in_dim3A_1504, %sub3A_1418] : memref<32x3328xf32, #tpu.memory_space<vmem>>[vector<16xi32>, vector<16xi32>], vector<16xf32>,
      %swap3A_1506 = arith.constant 12 : i32
      %swap3A_1507 = arith.index_cast %swap3A_1506 : i32 to index
      %swap3A_1508 = arith.constant 96 : index
      %swap3A_1509 = tpu.vector_load %arg7[%swap3A_1507, %swap3A_1508] {strides = array<i32>} : memref<32x128xf32, #tpu.memory_space<vmem>>, vector<16xf32>,
      tpu.vector_store %arg7[%swap3A_1507, %swap3A_1508], %gather3A_1505 {strides = array<i32>} : memref<32x128xf32, #tpu.memory_space<vmem>>, vector<16xf32>,
      %broadcast_in_dim3A_1510 = arith.constant 13 : i32
      %broadcast_in_dim3A_1511 = vector.broadcast %broadcast_in_dim3A_1510 : i32 to vector<16xi32>
      %gather3A_1512 = tpu.vector_load_idx %arg6[%broadcast_in_dim3A_1511, %sub3A_1418] : memref<32x3328xf32, #tpu.memory_space<vmem>>[vector<16xi32>, vector<16xi32>], vector<16xf32>,
      %swap3A_1513 = arith.constant 13 : i32
      %swap3A_1514 = arith.index_cast %swap3A_1513 : i32 to index
      %swap3A_1515 = arith.constant 96 : index
      %swap3A_1516 = tpu.vector_load %arg7[%swap3A_1514, %swap3A_1515] {strides = array<i32>} : memref<32x128xf32, #tpu.memory_space<vmem>>, vector<16xf32>,
      tpu.vector_store %arg7[%swap3A_1514, %swap3A_1515], %gather3A_1512 {strides = array<i32>} : memref<32x128xf32, #tpu.memory_space<vmem>>, vector<16xf32>,
      %broadcast_in_dim3A_1517 = arith.constant 14 : i32
      %broadcast_in_dim3A_1518 = vector.broadcast %broadcast_in_dim3A_1517 : i32 to vector<16xi32>
      %gather3A_1519 = tpu.vector_load_idx %arg6[%broadcast_in_dim3A_1518, %sub3A_1418] : memref<32x3328xf32, #tpu.memory_space<vmem>>[vector<16xi32>, vector<16xi32>], vector<16xf32>,
      %swap3A_1520 = arith.constant 14 : i32
      %swap3A_1521 = arith.index_cast %swap3A_1520 : i32 to index
      %swap3A_1522 = arith.constant 96 : index
      %swap3A_1523 = tpu.vector_load %arg7[%swap3A_1521, %swap3A_1522] {strides = array<i32>} : memref<32x128xf32, #tpu.memory_space<vmem>>, vector<16xf32>,
      tpu.vector_store %arg7[%swap3A_1521, %swap3A_1522], %gather3A_1519 {strides = array<i32>} : memref<32x128xf32, #tpu.memory_space<vmem>>, vector<16xf32>,
      %broadcast_in_dim3A_1524 = arith.constant 15 : i32
      %broadcast_in_dim3A_1525 = vector.broadcast %broadcast_in_dim3A_1524 : i32 to vector<16xi32>
      %gather3A_1526 = tpu.vector_load_idx %arg6[%broadcast_in_dim3A_1525, %sub3A_1418] : memref<32x3328xf32, #tpu.memory_space<vmem>>[vector<16xi32>, vector<16xi32>], vector<16xf32>,
      %swap3A_1527 = arith.constant 15 : i32
      %swap3A_1528 = arith.index_cast %swap3A_1527 : i32 to index
      %swap3A_1529 = arith.constant 96 : index
      %swap3A_1530 = tpu.vector_load %arg7[%swap3A_1528, %swap3A_1529] {strides = array<i32>} : memref<32x128xf32, #tpu.memory_space<vmem>>, vector<16xf32>,
      tpu.vector_store %arg7[%swap3A_1528, %swap3A_1529], %gather3A_1526 {strides = array<i32>} : memref<32x128xf32, #tpu.memory_space<vmem>>, vector<16xf32>,
      %broadcast_in_dim3A_1531 = arith.constant 16 : i32
      %broadcast_in_dim3A_1532 = vector.broadcast %broadcast_in_dim3A_1531 : i32 to vector<16xi32>
      %gather3A_1533 = tpu.vector_load_idx %arg6[%broadcast_in_dim3A_1532, %sub3A_1418] : memref<32x3328xf32, #tpu.memory_space<vmem>>[vector<16xi32>, vector<16xi32>], vector<16xf32>,
      %swap3A_1534 = arith.constant 16 : i32
      %swap3A_1535 = arith.index_cast %swap3A_1534 : i32 to index
      %swap3A_1536 = arith.constant 96 : index
      %swap3A_1537 = tpu.vector_load %arg7[%swap3A_1535, %swap3A_1536] {strides = array<i32>} : memref<32x128xf32, #tpu.memory_space<vmem>>, vector<16xf32>,
      tpu.vector_store %arg7[%swap3A_1535, %swap3A_1536], %gather3A_1533 {strides = array<i32>} : memref<32x128xf32, #tpu.memory_space<vmem>>, vector<16xf32>,
      %broadcast_in_dim3A_1538 = arith.constant 17 : i32
      %broadcast_in_dim3A_1539 = vector.broadcast %broadcast_in_dim3A_1538 : i32 to vector<16xi32>
      %gather3A_1540 = tpu.vector_load_idx %arg6[%broadcast_in_dim3A_1539, %sub3A_1418] : memref<32x3328xf32, #tpu.memory_space<vmem>>[vector<16xi32>, vector<16xi32>], vector<16xf32>,
      %swap3A_1541 = arith.constant 17 : i32
      %swap3A_1542 = arith.index_cast %swap3A_1541 : i32 to index
      %swap3A_1543 = arith.constant 96 : index
      %swap3A_1544 = tpu.vector_load %arg7[%swap3A_1542, %swap3A_1543] {strides = array<i32>} : memref<32x128xf32, #tpu.memory_space<vmem>>, vector<16xf32>,
      tpu.vector_store %arg7[%swap3A_1542, %swap3A_1543], %gather3A_1540 {strides = array<i32>} : memref<32x128xf32, #tpu.memory_space<vmem>>, vector<16xf32>,
      %broadcast_in_dim3A_1545 = arith.constant 18 : i32
      %broadcast_in_dim3A_1546 = vector.broadcast %broadcast_in_dim3A_1545 : i32 to vector<16xi32>
      %gather3A_1547 = tpu.vector_load_idx %arg6[%broadcast_in_dim3A_1546, %sub3A_1418] : memref<32x3328xf32, #tpu.memory_space<vmem>>[vector<16xi32>, vector<16xi32>], vector<16xf32>,
      %swap3A_1548 = arith.constant 18 : i32
      %swap3A_1549 = arith.index_cast %swap3A_1548 : i32 to index
      %swap3A_1550 = arith.constant 96 : index
      %swap3A_1551 = tpu.vector_load %arg7[%swap3A_1549, %swap3A_1550] {strides = array<i32>} : memref<32x128xf32, #tpu.memory_space<vmem>>, vector<16xf32>,
      tpu.vector_store %arg7[%swap3A_1549, %swap3A_1550], %gather3A_1547 {strides = array<i32>} : memref<32x128xf32, #tpu.memory_space<vmem>>, vector<16xf32>,
      %broadcast_in_dim3A_1552 = arith.constant 19 : i32
      %broadcast_in_dim3A_1553 = vector.broadcast %broadcast_in_dim3A_1552 : i32 to vector<16xi32>
      %gather3A_1554 = tpu.vector_load_idx %arg6[%broadcast_in_dim3A_1553, %sub3A_1418] : memref<32x3328xf32, #tpu.memory_space<vmem>>[vector<16xi32>, vector<16xi32>], vector<16xf32>,
      %swap3A_1555 = arith.constant 19 : i32
      %swap3A_1556 = arith.index_cast %swap3A_1555 : i32 to index
      %swap3A_1557 = arith.constant 96 : index
      %swap3A_1558 = tpu.vector_load %arg7[%swap3A_1556, %swap3A_1557] {strides = array<i32>} : memref<32x128xf32, #tpu.memory_space<vmem>>, vector<16xf32>,
      tpu.vector_store %arg7[%swap3A_1556, %swap3A_1557], %gather3A_1554 {strides = array<i32>} : memref<32x128xf32, #tpu.memory_space<vmem>>, vector<16xf32>,
      %broadcast_in_dim3A_1559 = arith.constant 20 : i32
      %broadcast_in_dim3A_1560 = vector.broadcast %broadcast_in_dim3A_1559 : i32 to vector<16xi32>
      %gather3A_1561 = tpu.vector_load_idx %arg6[%broadcast_in_dim3A_1560, %sub3A_1418] : memref<32x3328xf32, #tpu.memory_space<vmem>>[vector<16xi32>, vector<16xi32>], vector<16xf32>,
      %swap3A_1562 = arith.constant 20 : i32
      %swap3A_1563 = arith.index_cast %swap3A_1562 : i32 to index
      %swap3A_1564 = arith.constant 96 : index
      %swap3A_1565 = tpu.vector_load %arg7[%swap3A_1563, %swap3A_1564] {strides = array<i32>} : memref<32x128xf32, #tpu.memory_space<vmem>>, vector<16xf32>,
      tpu.vector_store %arg7[%swap3A_1563, %swap3A_1564], %gather3A_1561 {strides = array<i32>} : memref<32x128xf32, #tpu.memory_space<vmem>>, vector<16xf32>,
      %broadcast_in_dim3A_1566 = arith.constant 21 : i32
      %broadcast_in_dim3A_1567 = vector.broadcast %broadcast_in_dim3A_1566 : i32 to vector<16xi32>
      %gather3A_1568 = tpu.vector_load_idx %arg6[%broadcast_in_dim3A_1567, %sub3A_1418] : memref<32x3328xf32, #tpu.memory_space<vmem>>[vector<16xi32>, vector<16xi32>], vector<16xf32>,
      %swap3A_1569 = arith.constant 21 : i32
      %swap3A_1570 = arith.index_cast %swap3A_1569 : i32 to index
      %swap3A_1571 = arith.constant 96 : index
      %swap3A_1572 = tpu.vector_load %arg7[%swap3A_1570, %swap3A_1571] {strides = array<i32>} : memref<32x128xf32, #tpu.memory_space<vmem>>, vector<16xf32>,
      tpu.vector_store %arg7[%swap3A_1570, %swap3A_1571], %gather3A_1568 {strides = array<i32>} : memref<32x128xf32, #tpu.memory_space<vmem>>, vector<16xf32>,
      %broadcast_in_dim3A_1573 = arith.constant 22 : i32
      %broadcast_in_dim3A_1574 = vector.broadcast %broadcast_in_dim3A_1573 : i32 to vector<16xi32>
      %gather3A_1575 = tpu.vector_load_idx %arg6[%broadcast_in_dim3A_1574, %sub3A_1418] : memref<32x3328xf32, #tpu.memory_space<vmem>>[vector<16xi32>, vector<16xi32>], vector<16xf32>,
      %swap3A_1576 = arith.constant 22 : i32
      %swap3A_1577 = arith.index_cast %swap3A_1576 : i32 to index
      %swap3A_1578 = arith.constant 96 : index
      %swap3A_1579 = tpu.vector_load %arg7[%swap3A_1577, %swap3A_1578] {strides = array<i32>} : memref<32x128xf32, #tpu.memory_space<vmem>>, vector<16xf32>,
      tpu.vector_store %arg7[%swap3A_1577, %swap3A_1578], %gather3A_1575 {strides = array<i32>} : memref<32x128xf32, #tpu.memory_space<vmem>>, vector<16xf32>,
      %broadcast_in_dim3A_1580 = arith.constant 23 : i32
      %broadcast_in_dim3A_1581 = vector.broadcast %broadcast_in_dim3A_1580 : i32 to vector<16xi32>
      %gather3A_1582 = tpu.vector_load_idx %arg6[%broadcast_in_dim3A_1581, %sub3A_1418] : memref<32x3328xf32, #tpu.memory_space<vmem>>[vector<16xi32>, vector<16xi32>], vector<16xf32>,
      %swap3A_1583 = arith.constant 23 : i32
      %swap3A_1584 = arith.index_cast %swap3A_1583 : i32 to index
      %swap3A_1585 = arith.constant 96 : index
      %swap3A_1586 = tpu.vector_load %arg7[%swap3A_1584, %swap3A_1585] {strides = array<i32>} : memref<32x128xf32, #tpu.memory_space<vmem>>, vector<16xf32>,
      tpu.vector_store %arg7[%swap3A_1584, %swap3A_1585], %gather3A_1582 {strides = array<i32>} : memref<32x128xf32, #tpu.memory_space<vmem>>, vector<16xf32>,
      %broadcast_in_dim3A_1587 = arith.constant 24 : i32
      %broadcast_in_dim3A_1588 = vector.broadcast %broadcast_in_dim3A_1587 : i32 to vector<16xi32>
      %gather3A_1589 = tpu.vector_load_idx %arg6[%broadcast_in_dim3A_1588, %sub3A_1418] : memref<32x3328xf32, #tpu.memory_space<vmem>>[vector<16xi32>, vector<16xi32>], vector<16xf32>,
      %swap3A_1590 = arith.constant 24 : i32
      %swap3A_1591 = arith.index_cast %swap3A_1590 : i32 to index
      %swap3A_1592 = arith.constant 96 : index
      %swap3A_1593 = tpu.vector_load %arg7[%swap3A_1591, %swap3A_1592] {strides = array<i32>} : memref<32x128xf32, #tpu.memory_space<vmem>>, vector<16xf32>,
      tpu.vector_store %arg7[%swap3A_1591, %swap3A_1592], %gather3A_1589 {strides = array<i32>} : memref<32x128xf32, #tpu.memory_space<vmem>>, vector<16xf32>,
      %broadcast_in_dim3A_1594 = arith.constant 25 : i32
      %broadcast_in_dim3A_1595 = vector.broadcast %broadcast_in_dim3A_1594 : i32 to vector<16xi32>
      %gather3A_1596 = tpu.vector_load_idx %arg6[%broadcast_in_dim3A_1595, %sub3A_1418] : memref<32x3328xf32, #tpu.memory_space<vmem>>[vector<16xi32>, vector<16xi32>], vector<16xf32>,
      %swap3A_1597 = arith.constant 25 : i32
      %swap3A_1598 = arith.index_cast %swap3A_1597 : i32 to index
      %swap3A_1599 = arith.constant 96 : index
      %swap3A_1600 = tpu.vector_load %arg7[%swap3A_1598, %swap3A_1599] {strides = array<i32>} : memref<32x128xf32, #tpu.memory_space<vmem>>, vector<16xf32>,
      tpu.vector_store %arg7[%swap3A_1598, %swap3A_1599], %gather3A_1596 {strides = array<i32>} : memref<32x128xf32, #tpu.memory_space<vmem>>, vector<16xf32>,
      %broadcast_in_dim3A_1601 = arith.constant 26 : i32
      %broadcast_in_dim3A_1602 = vector.broadcast %broadcast_in_dim3A_1601 : i32 to vector<16xi32>
      %gather3A_1603 = tpu.vector_load_idx %arg6[%broadcast_in_dim3A_1602, %sub3A_1418] : memref<32x3328xf32, #tpu.memory_space<vmem>>[vector<16xi32>, vector<16xi32>], vector<16xf32>,
      %swap3A_1604 = arith.constant 26 : i32
      %swap3A_1605 = arith.index_cast %swap3A_1604 : i32 to index
      %swap3A_1606 = arith.constant 96 : index
      %swap3A_1607 = tpu.vector_load %arg7[%swap3A_1605, %swap3A_1606] {strides = array<i32>} : memref<32x128xf32, #tpu.memory_space<vmem>>, vector<16xf32>,
      tpu.vector_store %arg7[%swap3A_1605, %swap3A_1606], %gather3A_1603 {strides = array<i32>} : memref<32x128xf32, #tpu.memory_space<vmem>>, vector<16xf32>,
      %broadcast_in_dim3A_1608 = arith.constant 27 : i32
      %broadcast_in_dim3A_1609 = vector.broadcast %broadcast_in_dim3A_1608 : i32 to vector<16xi32>
      %gather3A_1610 = tpu.vector_load_idx %arg6[%broadcast_in_dim3A_1609, %sub3A_1418] : memref<32x3328xf32, #tpu.memory_space<vmem>>[vector<16xi32>, vector<16xi32>], vector<16xf32>,
      %swap3A_1611 = arith.constant 27 : i32
      %swap3A_1612 = arith.index_cast %swap3A_1611 : i32 to index
      %swap3A_1613 = arith.constant 96 : index
      %swap3A_1614 = tpu.vector_load %arg7[%swap3A_1612, %swap3A_1613] {strides = array<i32>} : memref<32x128xf32, #tpu.memory_space<vmem>>, vector<16xf32>,
      tpu.vector_store %arg7[%swap3A_1612, %swap3A_1613], %gather3A_1610 {strides = array<i32>} : memref<32x128xf32, #tpu.memory_space<vmem>>, vector<16xf32>,
      %broadcast_in_dim3A_1615 = arith.constant 28 : i32
      %broadcast_in_dim3A_1616 = vector.broadcast %broadcast_in_dim3A_1615 : i32 to vector<16xi32>
      %gather3A_1617 = tpu.vector_load_idx %arg6[%broadcast_in_dim3A_1616, %sub3A_1418] : memref<32x3328xf32, #tpu.memory_space<vmem>>[vector<16xi32>, vector<16xi32>], vector<16xf32>,
      %swap3A_1618 = arith.constant 28 : i32
      %swap3A_1619 = arith.index_cast %swap3A_1618 : i32 to index
      %swap3A_1620 = arith.constant 96 : index
      %swap3A_1621 = tpu.vector_load %arg7[%swap3A_1619, %swap3A_1620] {strides = array<i32>} : memref<32x128xf32, #tpu.memory_space<vmem>>, vector<16xf32>,
      tpu.vector_store %arg7[%swap3A_1619, %swap3A_1620], %gather3A_1617 {strides = array<i32>} : memref<32x128xf32, #tpu.memory_space<vmem>>, vector<16xf32>,
      %broadcast_in_dim3A_1622 = arith.constant 29 : i32
      %broadcast_in_dim3A_1623 = vector.broadcast %broadcast_in_dim3A_1622 : i32 to vector<16xi32>
      %gather3A_1624 = tpu.vector_load_idx %arg6[%broadcast_in_dim3A_1623, %sub3A_1418] : memref<32x3328xf32, #tpu.memory_space<vmem>>[vector<16xi32>, vector<16xi32>], vector<16xf32>,
      %swap3A_1625 = arith.constant 29 : i32
      %swap3A_1626 = arith.index_cast %swap3A_1625 : i32 to index
      %swap3A_1627 = arith.constant 96 : index
      %swap3A_1628 = tpu.vector_load %arg7[%swap3A_1626, %swap3A_1627] {strides = array<i32>} : memref<32x128xf32, #tpu.memory_space<vmem>>, vector<16xf32>,
      tpu.vector_store %arg7[%swap3A_1626, %swap3A_1627], %gather3A_1624 {strides = array<i32>} : memref<32x128xf32, #tpu.memory_space<vmem>>, vector<16xf32>,
      %broadcast_in_dim3A_1629 = arith.constant 30 : i32
      %broadcast_in_dim3A_1630 = vector.broadcast %broadcast_in_dim3A_1629 : i32 to vector<16xi32>
      %gather3A_1631 = tpu.vector_load_idx %arg6[%broadcast_in_dim3A_1630, %sub3A_1418] : memref<32x3328xf32, #tpu.memory_space<vmem>>[vector<16xi32>, vector<16xi32>], vector<16xf32>,
      %swap3A_1632 = arith.constant 30 : i32
      %swap3A_1633 = arith.index_cast %swap3A_1632 : i32 to index
      %swap3A_1634 = arith.constant 96 : index
      %swap3A_1635 = tpu.vector_load %arg7[%swap3A_1633, %swap3A_1634] {strides = array<i32>} : memref<32x128xf32, #tpu.memory_space<vmem>>, vector<16xf32>,
      tpu.vector_store %arg7[%swap3A_1633, %swap3A_1634], %gather3A_1631 {strides = array<i32>} : memref<32x128xf32, #tpu.memory_space<vmem>>, vector<16xf32>,
      %broadcast_in_dim3A_1636 = arith.constant 31 : i32
      %broadcast_in_dim3A_1637 = vector.broadcast %broadcast_in_dim3A_1636 : i32 to vector<16xi32>
      %gather3A_1638 = tpu.vector_load_idx %arg6[%broadcast_in_dim3A_1637, %sub3A_1418] : memref<32x3328xf32, #tpu.memory_space<vmem>>[vector<16xi32>, vector<16xi32>], vector<16xf32>,
      %swap3A_1639 = arith.constant 31 : i32
      %swap3A_1640 = arith.index_cast %swap3A_1639 : i32 to index
      %swap3A_1641 = arith.constant 96 : index
      %swap3A_1642 = tpu.vector_load %arg7[%swap3A_1640, %swap3A_1641] {strides = array<i32>} : memref<32x128xf32, #tpu.memory_space<vmem>>, vector<16xf32>,
      tpu.vector_store %arg7[%swap3A_1640, %swap3A_1641], %gather3A_1638 {strides = array<i32>} : memref<32x128xf32, #tpu.memory_space<vmem>>, vector<16xf32>,
      %get3A_1643 = arith.constant 112 : index
      %get3A_1644 = tpu.vector_load %arg5[%get3A_1643] {strides = array<i32>} : memref<128xi32, #tpu.memory_space<vmem>>, vector<16xi32>,
      %sub3A_1645 = vector.broadcast %multiple_of3A : i32 to vector<16xi32>
      %sub3A_1646 = arith.subi %get3A_1644, %sub3A_1645 : vector<16xi32>
      %broadcast_in_dim3A_1647 = arith.constant 0 : i32
      %broadcast_in_dim3A_1648 = vector.broadcast %broadcast_in_dim3A_1647 : i32 to vector<16xi32>
      %gather3A_1649 = tpu.vector_load_idx %arg6[%broadcast_in_dim3A_1648, %sub3A_1646] : memref<32x3328xf32, #tpu.memory_space<vmem>>[vector<16xi32>, vector<16xi32>], vector<16xf32>,
      %swap3A_1650 = arith.constant 0 : i32
      %swap3A_1651 = arith.index_cast %swap3A_1650 : i32 to index
      %swap3A_1652 = arith.constant 112 : index
      %swap3A_1653 = tpu.vector_load %arg7[%swap3A_1651, %swap3A_1652] {strides = array<i32>} : memref<32x128xf32, #tpu.memory_space<vmem>>, vector<16xf32>,
      tpu.vector_store %arg7[%swap3A_1651, %swap3A_1652], %gather3A_1649 {strides = array<i32>} : memref<32x128xf32, #tpu.memory_space<vmem>>, vector<16xf32>,
      %broadcast_in_dim3A_1654 = arith.constant 1 : i32
      %broadcast_in_dim3A_1655 = vector.broadcast %broadcast_in_dim3A_1654 : i32 to vector<16xi32>
      %gather3A_1656 = tpu.vector_load_idx %arg6[%broadcast_in_dim3A_1655, %sub3A_1646] : memref<32x3328xf32, #tpu.memory_space<vmem>>[vector<16xi32>, vector<16xi32>], vector<16xf32>,
      %swap3A_1657 = arith.constant 1 : i32
      %swap3A_1658 = arith.index_cast %swap3A_1657 : i32 to index
      %swap3A_1659 = arith.constant 112 : index
      %swap3A_1660 = tpu.vector_load %arg7[%swap3A_1658, %swap3A_1659] {strides = array<i32>} : memref<32x128xf32, #tpu.memory_space<vmem>>, vector<16xf32>,
      tpu.vector_store %arg7[%swap3A_1658, %swap3A_1659], %gather3A_1656 {strides = array<i32>} : memref<32x128xf32, #tpu.memory_space<vmem>>, vector<16xf32>,
      %broadcast_in_dim3A_1661 = arith.constant 2 : i32
      %broadcast_in_dim3A_1662 = vector.broadcast %broadcast_in_dim3A_1661 : i32 to vector<16xi32>
      %gather3A_1663 = tpu.vector_load_idx %arg6[%broadcast_in_dim3A_1662, %sub3A_1646] : memref<32x3328xf32, #tpu.memory_space<vmem>>[vector<16xi32>, vector<16xi32>], vector<16xf32>,
      %swap3A_1664 = arith.constant 2 : i32
      %swap3A_1665 = arith.index_cast %swap3A_1664 : i32 to index
      %swap3A_1666 = arith.constant 112 : index
      %swap3A_1667 = tpu.vector_load %arg7[%swap3A_1665, %swap3A_1666] {strides = array<i32>} : memref<32x128xf32, #tpu.memory_space<vmem>>, vector<16xf32>,
      tpu.vector_store %arg7[%swap3A_1665, %swap3A_1666], %gather3A_1663 {strides = array<i32>} : memref<32x128xf32, #tpu.memory_space<vmem>>, vector<16xf32>,
      %broadcast_in_dim3A_1668 = arith.constant 3 : i32
      %broadcast_in_dim3A_1669 = vector.broadcast %broadcast_in_dim3A_1668 : i32 to vector<16xi32>
      %gather3A_1670 = tpu.vector_load_idx %arg6[%broadcast_in_dim3A_1669, %sub3A_1646] : memref<32x3328xf32, #tpu.memory_space<vmem>>[vector<16xi32>, vector<16xi32>], vector<16xf32>,
      %swap3A_1671 = arith.constant 3 : i32
      %swap3A_1672 = arith.index_cast %swap3A_1671 : i32 to index
      %swap3A_1673 = arith.constant 112 : index
      %swap3A_1674 = tpu.vector_load %arg7[%swap3A_1672, %swap3A_1673] {strides = array<i32>} : memref<32x128xf32, #tpu.memory_space<vmem>>, vector<16xf32>,
      tpu.vector_store %arg7[%swap3A_1672, %swap3A_1673], %gather3A_1670 {strides = array<i32>} : memref<32x128xf32, #tpu.memory_space<vmem>>, vector<16xf32>,
      %broadcast_in_dim3A_1675 = arith.constant 4 : i32
      %broadcast_in_dim3A_1676 = vector.broadcast %broadcast_in_dim3A_1675 : i32 to vector<16xi32>
      %gather3A_1677 = tpu.vector_load_idx %arg6[%broadcast_in_dim3A_1676, %sub3A_1646] : memref<32x3328xf32, #tpu.memory_space<vmem>>[vector<16xi32>, vector<16xi32>], vector<16xf32>,
      %swap3A_1678 = arith.constant 4 : i32
      %swap3A_1679 = arith.index_cast %swap3A_1678 : i32 to index
      %swap3A_1680 = arith.constant 112 : index
      %swap3A_1681 = tpu.vector_load %arg7[%swap3A_1679, %swap3A_1680] {strides = array<i32>} : memref<32x128xf32, #tpu.memory_space<vmem>>, vector<16xf32>,
      tpu.vector_store %arg7[%swap3A_1679, %swap3A_1680], %gather3A_1677 {strides = array<i32>} : memref<32x128xf32, #tpu.memory_space<vmem>>, vector<16xf32>,
      %broadcast_in_dim3A_1682 = arith.constant 5 : i32
      %broadcast_in_dim3A_1683 = vector.broadcast %broadcast_in_dim3A_1682 : i32 to vector<16xi32>
      %gather3A_1684 = tpu.vector_load_idx %arg6[%broadcast_in_dim3A_1683, %sub3A_1646] : memref<32x3328xf32, #tpu.memory_space<vmem>>[vector<16xi32>, vector<16xi32>], vector<16xf32>,
      %swap3A_1685 = arith.constant 5 : i32
      %swap3A_1686 = arith.index_cast %swap3A_1685 : i32 to index
      %swap3A_1687 = arith.constant 112 : index
      %swap3A_1688 = tpu.vector_load %arg7[%swap3A_1686, %swap3A_1687] {strides = array<i32>} : memref<32x128xf32, #tpu.memory_space<vmem>>, vector<16xf32>,
      tpu.vector_store %arg7[%swap3A_1686, %swap3A_1687], %gather3A_1684 {strides = array<i32>} : memref<32x128xf32, #tpu.memory_space<vmem>>, vector<16xf32>,
      %broadcast_in_dim3A_1689 = arith.constant 6 : i32
      %broadcast_in_dim3A_1690 = vector.broadcast %broadcast_in_dim3A_1689 : i32 to vector<16xi32>
      %gather3A_1691 = tpu.vector_load_idx %arg6[%broadcast_in_dim3A_1690, %sub3A_1646] : memref<32x3328xf32, #tpu.memory_space<vmem>>[vector<16xi32>, vector<16xi32>], vector<16xf32>,
      %swap3A_1692 = arith.constant 6 : i32
      %swap3A_1693 = arith.index_cast %swap3A_1692 : i32 to index
      %swap3A_1694 = arith.constant 112 : index
      %swap3A_1695 = tpu.vector_load %arg7[%swap3A_1693, %swap3A_1694] {strides = array<i32>} : memref<32x128xf32, #tpu.memory_space<vmem>>, vector<16xf32>,
      tpu.vector_store %arg7[%swap3A_1693, %swap3A_1694], %gather3A_1691 {strides = array<i32>} : memref<32x128xf32, #tpu.memory_space<vmem>>, vector<16xf32>,
      %broadcast_in_dim3A_1696 = arith.constant 7 : i32
      %broadcast_in_dim3A_1697 = vector.broadcast %broadcast_in_dim3A_1696 : i32 to vector<16xi32>
      %gather3A_1698 = tpu.vector_load_idx %arg6[%broadcast_in_dim3A_1697, %sub3A_1646] : memref<32x3328xf32, #tpu.memory_space<vmem>>[vector<16xi32>, vector<16xi32>], vector<16xf32>,
      %swap3A_1699 = arith.constant 7 : i32
      %swap3A_1700 = arith.index_cast %swap3A_1699 : i32 to index
      %swap3A_1701 = arith.constant 112 : index
      %swap3A_1702 = tpu.vector_load %arg7[%swap3A_1700, %swap3A_1701] {strides = array<i32>} : memref<32x128xf32, #tpu.memory_space<vmem>>, vector<16xf32>,
      tpu.vector_store %arg7[%swap3A_1700, %swap3A_1701], %gather3A_1698 {strides = array<i32>} : memref<32x128xf32, #tpu.memory_space<vmem>>, vector<16xf32>,
      %broadcast_in_dim3A_1703 = arith.constant 8 : i32
      %broadcast_in_dim3A_1704 = vector.broadcast %broadcast_in_dim3A_1703 : i32 to vector<16xi32>
      %gather3A_1705 = tpu.vector_load_idx %arg6[%broadcast_in_dim3A_1704, %sub3A_1646] : memref<32x3328xf32, #tpu.memory_space<vmem>>[vector<16xi32>, vector<16xi32>], vector<16xf32>,
      %swap3A_1706 = arith.constant 8 : i32
      %swap3A_1707 = arith.index_cast %swap3A_1706 : i32 to index
      %swap3A_1708 = arith.constant 112 : index
      %swap3A_1709 = tpu.vector_load %arg7[%swap3A_1707, %swap3A_1708] {strides = array<i32>} : memref<32x128xf32, #tpu.memory_space<vmem>>, vector<16xf32>,
      tpu.vector_store %arg7[%swap3A_1707, %swap3A_1708], %gather3A_1705 {strides = array<i32>} : memref<32x128xf32, #tpu.memory_space<vmem>>, vector<16xf32>,
      %broadcast_in_dim3A_1710 = arith.constant 9 : i32
      %broadcast_in_dim3A_1711 = vector.broadcast %broadcast_in_dim3A_1710 : i32 to vector<16xi32>
      %gather3A_1712 = tpu.vector_load_idx %arg6[%broadcast_in_dim3A_1711, %sub3A_1646] : memref<32x3328xf32, #tpu.memory_space<vmem>>[vector<16xi32>, vector<16xi32>], vector<16xf32>,
      %swap3A_1713 = arith.constant 9 : i32
      %swap3A_1714 = arith.index_cast %swap3A_1713 : i32 to index
      %swap3A_1715 = arith.constant 112 : index
      %swap3A_1716 = tpu.vector_load %arg7[%swap3A_1714, %swap3A_1715] {strides = array<i32>} : memref<32x128xf32, #tpu.memory_space<vmem>>, vector<16xf32>,
      tpu.vector_store %arg7[%swap3A_1714, %swap3A_1715], %gather3A_1712 {strides = array<i32>} : memref<32x128xf32, #tpu.memory_space<vmem>>, vector<16xf32>,
      %broadcast_in_dim3A_1717 = arith.constant 10 : i32
      %broadcast_in_dim3A_1718 = vector.broadcast %broadcast_in_dim3A_1717 : i32 to vector<16xi32>
      %gather3A_1719 = tpu.vector_load_idx %arg6[%broadcast_in_dim3A_1718, %sub3A_1646] : memref<32x3328xf32, #tpu.memory_space<vmem>>[vector<16xi32>, vector<16xi32>], vector<16xf32>,
      %swap3A_1720 = arith.constant 10 : i32
      %swap3A_1721 = arith.index_cast %swap3A_1720 : i32 to index
      %swap3A_1722 = arith.constant 112 : index
      %swap3A_1723 = tpu.vector_load %arg7[%swap3A_1721, %swap3A_1722] {strides = array<i32>} : memref<32x128xf32, #tpu.memory_space<vmem>>, vector<16xf32>,
      tpu.vector_store %arg7[%swap3A_1721, %swap3A_1722], %gather3A_1719 {strides = array<i32>} : memref<32x128xf32, #tpu.memory_space<vmem>>, vector<16xf32>,
      %broadcast_in_dim3A_1724 = arith.constant 11 : i32
      %broadcast_in_dim3A_1725 = vector.broadcast %broadcast_in_dim3A_1724 : i32 to vector<16xi32>
      %gather3A_1726 = tpu.vector_load_idx %arg6[%broadcast_in_dim3A_1725, %sub3A_1646] : memref<32x3328xf32, #tpu.memory_space<vmem>>[vector<16xi32>, vector<16xi32>], vector<16xf32>,
      %swap3A_1727 = arith.constant 11 : i32
      %swap3A_1728 = arith.index_cast %swap3A_1727 : i32 to index
      %swap3A_1729 = arith.constant 112 : index
      %swap3A_1730 = tpu.vector_load %arg7[%swap3A_1728, %swap3A_1729] {strides = array<i32>} : memref<32x128xf32, #tpu.memory_space<vmem>>, vector<16xf32>,
      tpu.vector_store %arg7[%swap3A_1728, %swap3A_1729], %gather3A_1726 {strides = array<i32>} : memref<32x128xf32, #tpu.memory_space<vmem>>, vector<16xf32>,
      %broadcast_in_dim3A_1731 = arith.constant 12 : i32
      %broadcast_in_dim3A_1732 = vector.broadcast %broadcast_in_dim3A_1731 : i32 to vector<16xi32>
      %gather3A_1733 = tpu.vector_load_idx %arg6[%broadcast_in_dim3A_1732, %sub3A_1646] : memref<32x3328xf32, #tpu.memory_space<vmem>>[vector<16xi32>, vector<16xi32>], vector<16xf32>,
      %swap3A_1734 = arith.constant 12 : i32
      %swap3A_1735 = arith.index_cast %swap3A_1734 : i32 to index
      %swap3A_1736 = arith.constant 112 : index
      %swap3A_1737 = tpu.vector_load %arg7[%swap3A_1735, %swap3A_1736] {strides = array<i32>} : memref<32x128xf32, #tpu.memory_space<vmem>>, vector<16xf32>,
      tpu.vector_store %arg7[%swap3A_1735, %swap3A_1736], %gather3A_1733 {strides = array<i32>} : memref<32x128xf32, #tpu.memory_space<vmem>>, vector<16xf32>,
      %broadcast_in_dim3A_1738 = arith.constant 13 : i32
      %broadcast_in_dim3A_1739 = vector.broadcast %broadcast_in_dim3A_1738 : i32 to vector<16xi32>
      %gather3A_1740 = tpu.vector_load_idx %arg6[%broadcast_in_dim3A_1739, %sub3A_1646] : memref<32x3328xf32, #tpu.memory_space<vmem>>[vector<16xi32>, vector<16xi32>], vector<16xf32>,
      %swap3A_1741 = arith.constant 13 : i32
      %swap3A_1742 = arith.index_cast %swap3A_1741 : i32 to index
      %swap3A_1743 = arith.constant 112 : index
      %swap3A_1744 = tpu.vector_load %arg7[%swap3A_1742, %swap3A_1743] {strides = array<i32>} : memref<32x128xf32, #tpu.memory_space<vmem>>, vector<16xf32>,
      tpu.vector_store %arg7[%swap3A_1742, %swap3A_1743], %gather3A_1740 {strides = array<i32>} : memref<32x128xf32, #tpu.memory_space<vmem>>, vector<16xf32>,
      %broadcast_in_dim3A_1745 = arith.constant 14 : i32
      %broadcast_in_dim3A_1746 = vector.broadcast %broadcast_in_dim3A_1745 : i32 to vector<16xi32>
      %gather3A_1747 = tpu.vector_load_idx %arg6[%broadcast_in_dim3A_1746, %sub3A_1646] : memref<32x3328xf32, #tpu.memory_space<vmem>>[vector<16xi32>, vector<16xi32>], vector<16xf32>,
      %swap3A_1748 = arith.constant 14 : i32
      %swap3A_1749 = arith.index_cast %swap3A_1748 : i32 to index
      %swap3A_1750 = arith.constant 112 : index
      %swap3A_1751 = tpu.vector_load %arg7[%swap3A_1749, %swap3A_1750] {strides = array<i32>} : memref<32x128xf32, #tpu.memory_space<vmem>>, vector<16xf32>,
      tpu.vector_store %arg7[%swap3A_1749, %swap3A_1750], %gather3A_1747 {strides = array<i32>} : memref<32x128xf32, #tpu.memory_space<vmem>>, vector<16xf32>,
      %broadcast_in_dim3A_1752 = arith.constant 15 : i32
      %broadcast_in_dim3A_1753 = vector.broadcast %broadcast_in_dim3A_1752 : i32 to vector<16xi32>
      %gather3A_1754 = tpu.vector_load_idx %arg6[%broadcast_in_dim3A_1753, %sub3A_1646] : memref<32x3328xf32, #tpu.memory_space<vmem>>[vector<16xi32>, vector<16xi32>], vector<16xf32>,
      %swap3A_1755 = arith.constant 15 : i32
      %swap3A_1756 = arith.index_cast %swap3A_1755 : i32 to index
      %swap3A_1757 = arith.constant 112 : index
      %swap3A_1758 = tpu.vector_load %arg7[%swap3A_1756, %swap3A_1757] {strides = array<i32>} : memref<32x128xf32, #tpu.memory_space<vmem>>, vector<16xf32>,
      tpu.vector_store %arg7[%swap3A_1756, %swap3A_1757], %gather3A_1754 {strides = array<i32>} : memref<32x128xf32, #tpu.memory_space<vmem>>, vector<16xf32>,
      %broadcast_in_dim3A_1759 = arith.constant 16 : i32
      %broadcast_in_dim3A_1760 = vector.broadcast %broadcast_in_dim3A_1759 : i32 to vector<16xi32>
      %gather3A_1761 = tpu.vector_load_idx %arg6[%broadcast_in_dim3A_1760, %sub3A_1646] : memref<32x3328xf32, #tpu.memory_space<vmem>>[vector<16xi32>, vector<16xi32>], vector<16xf32>,
      %swap3A_1762 = arith.constant 16 : i32
      %swap3A_1763 = arith.index_cast %swap3A_1762 : i32 to index
      %swap3A_1764 = arith.constant 112 : index
      %swap3A_1765 = tpu.vector_load %arg7[%swap3A_1763, %swap3A_1764] {strides = array<i32>} : memref<32x128xf32, #tpu.memory_space<vmem>>, vector<16xf32>,
      tpu.vector_store %arg7[%swap3A_1763, %swap3A_1764], %gather3A_1761 {strides = array<i32>} : memref<32x128xf32, #tpu.memory_space<vmem>>, vector<16xf32>,
      %broadcast_in_dim3A_1766 = arith.constant 17 : i32
      %broadcast_in_dim3A_1767 = vector.broadcast %broadcast_in_dim3A_1766 : i32 to vector<16xi32>
      %gather3A_1768 = tpu.vector_load_idx %arg6[%broadcast_in_dim3A_1767, %sub3A_1646] : memref<32x3328xf32, #tpu.memory_space<vmem>>[vector<16xi32>, vector<16xi32>], vector<16xf32>,
      %swap3A_1769 = arith.constant 17 : i32
      %swap3A_1770 = arith.index_cast %swap3A_1769 : i32 to index
      %swap3A_1771 = arith.constant 112 : index
      %swap3A_1772 = tpu.vector_load %arg7[%swap3A_1770, %swap3A_1771] {strides = array<i32>} : memref<32x128xf32, #tpu.memory_space<vmem>>, vector<16xf32>,
      tpu.vector_store %arg7[%swap3A_1770, %swap3A_1771], %gather3A_1768 {strides = array<i32>} : memref<32x128xf32, #tpu.memory_space<vmem>>, vector<16xf32>,
      %broadcast_in_dim3A_1773 = arith.constant 18 : i32
      %broadcast_in_dim3A_1774 = vector.broadcast %broadcast_in_dim3A_1773 : i32 to vector<16xi32>
      %gather3A_1775 = tpu.vector_load_idx %arg6[%broadcast_in_dim3A_1774, %sub3A_1646] : memref<32x3328xf32, #tpu.memory_space<vmem>>[vector<16xi32>, vector<16xi32>], vector<16xf32>,
      %swap3A_1776 = arith.constant 18 : i32
      %swap3A_1777 = arith.index_cast %swap3A_1776 : i32 to index
      %swap3A_1778 = arith.constant 112 : index
      %swap3A_1779 = tpu.vector_load %arg7[%swap3A_1777, %swap3A_1778] {strides = array<i32>} : memref<32x128xf32, #tpu.memory_space<vmem>>, vector<16xf32>,
      tpu.vector_store %arg7[%swap3A_1777, %swap3A_1778], %gather3A_1775 {strides = array<i32>} : memref<32x128xf32, #tpu.memory_space<vmem>>, vector<16xf32>,
      %broadcast_in_dim3A_1780 = arith.constant 19 : i32
      %broadcast_in_dim3A_1781 = vector.broadcast %broadcast_in_dim3A_1780 : i32 to vector<16xi32>
      %gather3A_1782 = tpu.vector_load_idx %arg6[%broadcast_in_dim3A_1781, %sub3A_1646] : memref<32x3328xf32, #tpu.memory_space<vmem>>[vector<16xi32>, vector<16xi32>], vector<16xf32>,
      %swap3A_1783 = arith.constant 19 : i32
      %swap3A_1784 = arith.index_cast %swap3A_1783 : i32 to index
      %swap3A_1785 = arith.constant 112 : index
      %swap3A_1786 = tpu.vector_load %arg7[%swap3A_1784, %swap3A_1785] {strides = array<i32>} : memref<32x128xf32, #tpu.memory_space<vmem>>, vector<16xf32>,
      tpu.vector_store %arg7[%swap3A_1784, %swap3A_1785], %gather3A_1782 {strides = array<i32>} : memref<32x128xf32, #tpu.memory_space<vmem>>, vector<16xf32>,
      %broadcast_in_dim3A_1787 = arith.constant 20 : i32
      %broadcast_in_dim3A_1788 = vector.broadcast %broadcast_in_dim3A_1787 : i32 to vector<16xi32>
      %gather3A_1789 = tpu.vector_load_idx %arg6[%broadcast_in_dim3A_1788, %sub3A_1646] : memref<32x3328xf32, #tpu.memory_space<vmem>>[vector<16xi32>, vector<16xi32>], vector<16xf32>,
      %swap3A_1790 = arith.constant 20 : i32
      %swap3A_1791 = arith.index_cast %swap3A_1790 : i32 to index
      %swap3A_1792 = arith.constant 112 : index
      %swap3A_1793 = tpu.vector_load %arg7[%swap3A_1791, %swap3A_1792] {strides = array<i32>} : memref<32x128xf32, #tpu.memory_space<vmem>>, vector<16xf32>,
      tpu.vector_store %arg7[%swap3A_1791, %swap3A_1792], %gather3A_1789 {strides = array<i32>} : memref<32x128xf32, #tpu.memory_space<vmem>>, vector<16xf32>,
      %broadcast_in_dim3A_1794 = arith.constant 21 : i32
      %broadcast_in_dim3A_1795 = vector.broadcast %broadcast_in_dim3A_1794 : i32 to vector<16xi32>
      %gather3A_1796 = tpu.vector_load_idx %arg6[%broadcast_in_dim3A_1795, %sub3A_1646] : memref<32x3328xf32, #tpu.memory_space<vmem>>[vector<16xi32>, vector<16xi32>], vector<16xf32>,
      %swap3A_1797 = arith.constant 21 : i32
      %swap3A_1798 = arith.index_cast %swap3A_1797 : i32 to index
      %swap3A_1799 = arith.constant 112 : index
      %swap3A_1800 = tpu.vector_load %arg7[%swap3A_1798, %swap3A_1799] {strides = array<i32>} : memref<32x128xf32, #tpu.memory_space<vmem>>, vector<16xf32>,
      tpu.vector_store %arg7[%swap3A_1798, %swap3A_1799], %gather3A_1796 {strides = array<i32>} : memref<32x128xf32, #tpu.memory_space<vmem>>, vector<16xf32>,
      %broadcast_in_dim3A_1801 = arith.constant 22 : i32
      %broadcast_in_dim3A_1802 = vector.broadcast %broadcast_in_dim3A_1801 : i32 to vector<16xi32>
      %gather3A_1803 = tpu.vector_load_idx %arg6[%broadcast_in_dim3A_1802, %sub3A_1646] : memref<32x3328xf32, #tpu.memory_space<vmem>>[vector<16xi32>, vector<16xi32>], vector<16xf32>,
      %swap3A_1804 = arith.constant 22 : i32
      %swap3A_1805 = arith.index_cast %swap3A_1804 : i32 to index
      %swap3A_1806 = arith.constant 112 : index
      %swap3A_1807 = tpu.vector_load %arg7[%swap3A_1805, %swap3A_1806] {strides = array<i32>} : memref<32x128xf32, #tpu.memory_space<vmem>>, vector<16xf32>,
      tpu.vector_store %arg7[%swap3A_1805, %swap3A_1806], %gather3A_1803 {strides = array<i32>} : memref<32x128xf32, #tpu.memory_space<vmem>>, vector<16xf32>,
      %broadcast_in_dim3A_1808 = arith.constant 23 : i32
      %broadcast_in_dim3A_1809 = vector.broadcast %broadcast_in_dim3A_1808 : i32 to vector<16xi32>
      %gather3A_1810 = tpu.vector_load_idx %arg6[%broadcast_in_dim3A_1809, %sub3A_1646] : memref<32x3328xf32, #tpu.memory_space<vmem>>[vector<16xi32>, vector<16xi32>], vector<16xf32>,
      %swap3A_1811 = arith.constant 23 : i32
      %swap3A_1812 = arith.index_cast %swap3A_1811 : i32 to index
      %swap3A_1813 = arith.constant 112 : index
      %swap3A_1814 = tpu.vector_load %arg7[%swap3A_1812, %swap3A_1813] {strides = array<i32>} : memref<32x128xf32, #tpu.memory_space<vmem>>, vector<16xf32>,
      tpu.vector_store %arg7[%swap3A_1812, %swap3A_1813], %gather3A_1810 {strides = array<i32>} : memref<32x128xf32, #tpu.memory_space<vmem>>, vector<16xf32>,
      %broadcast_in_dim3A_1815 = arith.constant 24 : i32
      %broadcast_in_dim3A_1816 = vector.broadcast %broadcast_in_dim3A_1815 : i32 to vector<16xi32>
      %gather3A_1817 = tpu.vector_load_idx %arg6[%broadcast_in_dim3A_1816, %sub3A_1646] : memref<32x3328xf32, #tpu.memory_space<vmem>>[vector<16xi32>, vector<16xi32>], vector<16xf32>,
      %swap3A_1818 = arith.constant 24 : i32
      %swap3A_1819 = arith.index_cast %swap3A_1818 : i32 to index
      %swap3A_1820 = arith.constant 112 : index
      %swap3A_1821 = tpu.vector_load %arg7[%swap3A_1819, %swap3A_1820] {strides = array<i32>} : memref<32x128xf32, #tpu.memory_space<vmem>>, vector<16xf32>,
      tpu.vector_store %arg7[%swap3A_1819, %swap3A_1820], %gather3A_1817 {strides = array<i32>} : memref<32x128xf32, #tpu.memory_space<vmem>>, vector<16xf32>,
      %broadcast_in_dim3A_1822 = arith.constant 25 : i32
      %broadcast_in_dim3A_1823 = vector.broadcast %broadcast_in_dim3A_1822 : i32 to vector<16xi32>
      %gather3A_1824 = tpu.vector_load_idx %arg6[%broadcast_in_dim3A_1823, %sub3A_1646] : memref<32x3328xf32, #tpu.memory_space<vmem>>[vector<16xi32>, vector<16xi32>], vector<16xf32>,
      %swap3A_1825 = arith.constant 25 : i32
      %swap3A_1826 = arith.index_cast %swap3A_1825 : i32 to index
      %swap3A_1827 = arith.constant 112 : index
      %swap3A_1828 = tpu.vector_load %arg7[%swap3A_1826, %swap3A_1827] {strides = array<i32>} : memref<32x128xf32, #tpu.memory_space<vmem>>, vector<16xf32>,
      tpu.vector_store %arg7[%swap3A_1826, %swap3A_1827], %gather3A_1824 {strides = array<i32>} : memref<32x128xf32, #tpu.memory_space<vmem>>, vector<16xf32>,
      %broadcast_in_dim3A_1829 = arith.constant 26 : i32
      %broadcast_in_dim3A_1830 = vector.broadcast %broadcast_in_dim3A_1829 : i32 to vector<16xi32>
      %gather3A_1831 = tpu.vector_load_idx %arg6[%broadcast_in_dim3A_1830, %sub3A_1646] : memref<32x3328xf32, #tpu.memory_space<vmem>>[vector<16xi32>, vector<16xi32>], vector<16xf32>,
      %swap3A_1832 = arith.constant 26 : i32
      %swap3A_1833 = arith.index_cast %swap3A_1832 : i32 to index
      %swap3A_1834 = arith.constant 112 : index
      %swap3A_1835 = tpu.vector_load %arg7[%swap3A_1833, %swap3A_1834] {strides = array<i32>} : memref<32x128xf32, #tpu.memory_space<vmem>>, vector<16xf32>,
      tpu.vector_store %arg7[%swap3A_1833, %swap3A_1834], %gather3A_1831 {strides = array<i32>} : memref<32x128xf32, #tpu.memory_space<vmem>>, vector<16xf32>,
      %broadcast_in_dim3A_1836 = arith.constant 27 : i32
      %broadcast_in_dim3A_1837 = vector.broadcast %broadcast_in_dim3A_1836 : i32 to vector<16xi32>
      %gather3A_1838 = tpu.vector_load_idx %arg6[%broadcast_in_dim3A_1837, %sub3A_1646] : memref<32x3328xf32, #tpu.memory_space<vmem>>[vector<16xi32>, vector<16xi32>], vector<16xf32>,
      %swap3A_1839 = arith.constant 27 : i32
      %swap3A_1840 = arith.index_cast %swap3A_1839 : i32 to index
      %swap3A_1841 = arith.constant 112 : index
      %swap3A_1842 = tpu.vector_load %arg7[%swap3A_1840, %swap3A_1841] {strides = array<i32>} : memref<32x128xf32, #tpu.memory_space<vmem>>, vector<16xf32>,
      tpu.vector_store %arg7[%swap3A_1840, %swap3A_1841], %gather3A_1838 {strides = array<i32>} : memref<32x128xf32, #tpu.memory_space<vmem>>, vector<16xf32>,
      %broadcast_in_dim3A_1843 = arith.constant 28 : i32
      %broadcast_in_dim3A_1844 = vector.broadcast %broadcast_in_dim3A_1843 : i32 to vector<16xi32>
      %gather3A_1845 = tpu.vector_load_idx %arg6[%broadcast_in_dim3A_1844, %sub3A_1646] : memref<32x3328xf32, #tpu.memory_space<vmem>>[vector<16xi32>, vector<16xi32>], vector<16xf32>,
      %swap3A_1846 = arith.constant 28 : i32
      %swap3A_1847 = arith.index_cast %swap3A_1846 : i32 to index
      %swap3A_1848 = arith.constant 112 : index
      %swap3A_1849 = tpu.vector_load %arg7[%swap3A_1847, %swap3A_1848] {strides = array<i32>} : memref<32x128xf32, #tpu.memory_space<vmem>>, vector<16xf32>,
      tpu.vector_store %arg7[%swap3A_1847, %swap3A_1848], %gather3A_1845 {strides = array<i32>} : memref<32x128xf32, #tpu.memory_space<vmem>>, vector<16xf32>,
      %broadcast_in_dim3A_1850 = arith.constant 29 : i32
      %broadcast_in_dim3A_1851 = vector.broadcast %broadcast_in_dim3A_1850 : i32 to vector<16xi32>
      %gather3A_1852 = tpu.vector_load_idx %arg6[%broadcast_in_dim3A_1851, %sub3A_1646] : memref<32x3328xf32, #tpu.memory_space<vmem>>[vector<16xi32>, vector<16xi32>], vector<16xf32>,
      %swap3A_1853 = arith.constant 29 : i32
      %swap3A_1854 = arith.index_cast %swap3A_1853 : i32 to index
      %swap3A_1855 = arith.constant 112 : index
      %swap3A_1856 = tpu.vector_load %arg7[%swap3A_1854, %swap3A_1855] {strides = array<i32>} : memref<32x128xf32, #tpu.memory_space<vmem>>, vector<16xf32>,
      tpu.vector_store %arg7[%swap3A_1854, %swap3A_1855], %gather3A_1852 {strides = array<i32>} : memref<32x128xf32, #tpu.memory_space<vmem>>, vector<16xf32>,
      %broadcast_in_dim3A_1857 = arith.constant 30 : i32
      %broadcast_in_dim3A_1858 = vector.broadcast %broadcast_in_dim3A_1857 : i32 to vector<16xi32>
      %gather3A_1859 = tpu.vector_load_idx %arg6[%broadcast_in_dim3A_1858, %sub3A_1646] : memref<32x3328xf32, #tpu.memory_space<vmem>>[vector<16xi32>, vector<16xi32>], vector<16xf32>,
      %swap3A_1860 = arith.constant 30 : i32
      %swap3A_1861 = arith.index_cast %swap3A_1860 : i32 to index
      %swap3A_1862 = arith.constant 112 : index
      %swap3A_1863 = tpu.vector_load %arg7[%swap3A_1861, %swap3A_1862] {strides = array<i32>} : memref<32x128xf32, #tpu.memory_space<vmem>>, vector<16xf32>,
      tpu.vector_store %arg7[%swap3A_1861, %swap3A_1862], %gather3A_1859 {strides = array<i32>} : memref<32x128xf32, #tpu.memory_space<vmem>>, vector<16xf32>,
      %broadcast_in_dim3A_1864 = arith.constant 31 : i32
      %broadcast_in_dim3A_1865 = vector.broadcast %broadcast_in_dim3A_1864 : i32 to vector<16xi32>
      %gather3A_1866 = tpu.vector_load_idx %arg6[%broadcast_in_dim3A_1865, %sub3A_1646] : memref<32x3328xf32, #tpu.memory_space<vmem>>[vector<16xi32>, vector<16xi32>], vector<16xf32>,
      %swap3A_1867 = arith.constant 31 : i32
      %swap3A_1868 = arith.index_cast %swap3A_1867 : i32 to index
      %swap3A_1869 = arith.constant 112 : index
      %swap3A_1870 = tpu.vector_load %arg7[%swap3A_1868, %swap3A_1869] {strides = array<i32>} : memref<32x128xf32, #tpu.memory_space<vmem>>, vector<16xf32>,
      tpu.vector_store %arg7[%swap3A_1868, %swap3A_1869], %gather3A_1866 {strides = array<i32>} : memref<32x128xf32, #tpu.memory_space<vmem>>, vector<16xf32>,
      %mul3A_1871 = arith.constant 32 : i32
      %mul3A_1872 = arith.muli %select_n3A_9, %mul3A_1871 : i32
      %mul3A_1873 = arith.constant 128 : i32
      %mul3A_1874 = arith.muli %add3A_39, %mul3A_1873 : i32
      "tpu.region"() ({
        %run_scoped3A = tpu.sem_alloc : memref<!tpu.dma_semaphore, #tpu.memory_space<semaphore_mem>>
        %dma_start3A_1875 = tpu.memref_slice %arg4[%mul3A_1872, %mul3A_1874] : memref<64x4096xf32, #tpu.memory_space<hbm>> -> memref<32x128xf32, #tpu.memory_space<hbm>>
        %dma_start3A_1876 = tpu.memref_slice %arg4[%mul3A_1872, %mul3A_1874] : memref<64x4096xf32, #tpu.memory_space<hbm>> -> memref<32x128xf32, #tpu.memory_space<hbm>>
        tpu.enqueue_dma source(%arg7 : memref<32x128xf32, #tpu.memory_space<vmem>>) target(%dma_start3A_1876 : memref<32x128xf32, #tpu.memory_space<hbm>>) target_semaphore(%run_scoped3A : memref<!tpu.dma_semaphore, #tpu.memory_space<semaphore_mem>>)
        %dma_wait3A_1877 = tpu.memref_slice %arg4[%mul3A_1872, %mul3A_1874] : memref<64x4096xf32, #tpu.memory_space<hbm>> -> memref<32x128xf32, #tpu.memory_space<hbm>>
        %dma_wait3A_1878 = tpu.memref_slice %arg4[%mul3A_1872, %mul3A_1874] : memref<64x4096xf32, #tpu.memory_space<hbm>> -> memref<32x128xf32, #tpu.memory_space<hbm>>
        tpu.wait_dma2 semaphore(%run_scoped3A : memref<!tpu.dma_semaphore, #tpu.memory_space<semaphore_mem>>) src(%arg7 : memref<32x128xf32, #tpu.memory_space<vmem>>) dst(%dma_wait3A_1878 : memref<32x128xf32, #tpu.memory_space<hbm>>)
        tpu.yield
      }) : () -> ()
    }
    %scan3A_35 = arith.constant 2 : i32
    return
  }
}

</mosaic_0001>

<sc_bundles>
// kernel: kernel.3.cloned.1.call-start
scs
__scs_entry_jumppad:
0x0: {  	(pc) =	sbr.rel $0x88, $3  }
0x1: {  	(tag) =	ssettag $0x0;
	lr =	simm.s32 $0x1  }
0x2: {  	[smem:$0x3FA0] =	sst lr;
	_ =	strace $0xD0000000  }
0x3: {  	_ = 	snop  }
0x4: {  	_ = 	snop  }
0x5: {  	_ = 	snop  }
0x6: {  	_ = 	snop  }
0x7: {  	_ = 	snop  }
__scs_overlays_trampoline_lowered:
0x8: {  	[smem:$0x3FAF] =	sst s0  }
0x9: {  	[smem:$0x3FB0] =	sst s1  }
0xa: {  	[smem:$0x3FB1] =	sst s2  }
0xb: {  	[smem:$0x3FB2] =	sst s3  }
0xc: {  	[smem:$0x3FB3] =	sst s4  }
0xd: {  	[smem:$0x3FB4] =	sst s5  }
0xe: {  	[smem:$0x3FB5] =	sst s6  }
0xf: {  	[smem:$0x3FB6] =	sst s7  }
0x10: {  	[smem:$0x3FB7] =	sst s8  }
0x11: {  	[smem:$0x3FB8] =	sst s9;
	s0 =	simm.s32 @!p0 $0x0  }
0x12: {  	s1 =	sld [smem:$0x3F9E];
	s0 =	simm.s32 @p0 $0x1  }
0x13: {  	[smem:$0x3FB9] =	sst s0;
	s0 =	simm.s32 @!p1 $0x0  }
0x14: {  	s2 =	sld [smem:$0x3F9D];
	s0 =	simm.s32 @p1 $0x1  }
0x15: {  	[smem:$0x3FBA] =	sst s0;
	s0 =	simm.s32 @!p2 $0x0  }
0x16: {  	s3 =	sld [smem:$0x3FDB];
	s0 =	simm.s32 @p2 $0x1  }
0x17: {  	s4 =	simm.s32 $0x1BF5;
	[smem:$0x3FBC] =	sst s0  }
0x18: {  	s0 =	sld [smem:$0x3F9F];
	_ =	swait.ge [sflag:s4], $0x0  }
0x19: {  	s7 =	sld [smem:$0x3FA0]  }
0x1a: {  	s8 =	sadd.s32 $0xFFFFE003, lr  }
0x1b: {  	s9 =	sadd.s32 $0xFFFFFEF7, lr;
	s5 =	simm.s32 $0xFFFFFFFF;
	p2 =	slt.u32 s8, $0xFFFFF086  }
0x1c: {  	p1 =	slt.u32 s9, $0xF7A;
	s5 =	simm.s32 @!p2 $0x0  }
0x1d: {  	s5 =	simm.s32 @p1 $0x1;
	p0 =	seq.s32 s7, s2  }
0x1e: {  	s7 =	smul.u32 @!p0 $0xF7A, s2;
	p2 =	seq.s32 @!p0 s5, $0x0  }
0x1f: {  	s9 =	smul.u32 $0xF7A, s1;
	s8 =	simm.s32 @!p0 $0x1BF5;
	p2 =	por !p2, p0  }
0x20: {  	[sflag:s8] =	ssyncset.s32 @!p0 $0xFFFFF086;
	s6 =	sadd.s32 @!p0 s3, s7;
	s7 =	simm.s32 @!p0 $0x108  }
0x21: {  	s3 =	sadd.s32 s3, s9;
	s6 =	sadd.s32 @!p0 $0x88, s6;
	s7 =	simm.s32 @p2 $0x1082  }
0x22: {  	[simem:s7], [sflag:s8] =	dma.local @!p0 [hbm:s6], $0xF7A  }
0x23: {  	s9 =	sor.u32 $0xD0000000, s2;
	s6 =	simm.s32 $0x108;
	_ =	swait.ge @!p0 [sflag:s8], $0x0  }
0x24: {  	s3 =	sadd.s32 $0x88, s3;
	s6 =	simm.s32 @!p1 $0x1082;
	[sflag:s4] =	ssyncset.s32 $0xFFFFF086  }
0x25: {  	[simem:s6], [sflag:s4] =	dma.local [hbm:s3], $0xF7A  }
0x26: {  	[smem:$0x3FA0] =	sst s1;
	(tag) =	ssettag s2;
	_ =	strace s9  }
0x27: {  	s1 =	sld [smem:$0x3FB0]  }
0x28: {  	s2 =	sld [smem:$0x3FB1]  }
0x29: {  	s4 =	sld [smem:$0x3FB3]  }
0x2a: {  	p0 =	seq.s32 s5, $0x0;
	s5 =	sld [smem:$0x3FB4]  }
0x2b: {  	s6 =	sld [smem:$0x3FB5]  }
0x2c: {  	s7 =	sld [smem:$0x3FB6]  }
0x2d: {  	s3 =	simm.s32 $0x108;
	s8 =	sld [smem:$0x3FB7]  }
0x2e: {  	s3 =	simm.s32 @!p0 $0x1082;
	s9 =	sld [smem:$0x3FB8]  }
0x2f: {  	lr =	sadd.s32 s0, s3;
	s0 =	sld [smem:$0x3FAF]  }
0x30: {  	s3 =	sld [smem:$0x3FB2]  }
0x31: {  	[smem:$0x3FBB] =	sst s10  }
0x32: {  	s10 =	sld [smem:$0x3FB9];
	_ =	sdelay $0x3  }
0x33: {  	p0 =	seq.s32 s10, $0x1;
	s10 =	sld [smem:$0x3FBB];
	_ =	sdelay $0x3  }
0x34: {  	[smem:$0x3FBB] =	sst s10  }
0x35: {  	s10 =	sld [smem:$0x3FBA];
	_ =	sdelay $0x3  }
0x36: {  	p1 =	seq.s32 s10, $0x1;
	s10 =	sld [smem:$0x3FBB];
	_ =	sdelay $0x3  }
0x37: {  	[smem:$0x3FBB] =	sst s10  }
0x38: {  	s10 =	sld [smem:$0x3FBC]  }
0x39: {  	_ = 	snop;
	(pc) =	sbr.ind lr, $3  }
0x3a: {  	_ = 	snop  }
0x3b: {  	_ = 	snop  }
0x3c: {  	p2 =	seq.s32 s10, $0x1;
	s10 =	sld [smem:$0x3FBB]  }
0x3d: {  	_ =	shalt  }
0x3e: {  	_ =	shalt  }
0x3f: {  	_ =	shalt  }
0x40: {  	_ =	shalt  }
0x41: {  	_ =	shalt  }
0x42: {  	_ =	shalt  }
0x43: {  	_ =	shalt  }
0x44: {  	_ =	shalt  }
0x45: {  	_ =	shalt  }
0x46: {  	_ =	shalt  }
0x47: {  	_ =	shalt  }
0x48: {  	_ =	shalt  }
0x49: {  	_ =	shalt  }
0x4a: {  	_ =	shalt  }
0x4b: {  	_ =	shalt  }
0x4c: {  	_ =	shalt  }
0x4d: {  	_ =	shalt  }
0x4e: {  	_ =	shalt  }
0x4f: {  	_ =	shalt  }
0x50: {  	_ =	shalt  }
0x51: {  	_ =	shalt  }
0x52: {  	_ =	shalt  }
0x53: {  	_ =	shalt  }
0x54: {  	_ =	shalt  }
0x55: {  	_ =	shalt  }
0x56: {  	_ =	shalt  }
0x57: {  	_ =	shalt  }
0x58: {  	_ =	shalt  }
0x59: {  	_ =	shalt  }
0x5a: {  	_ =	shalt  }
0x5b: {  	_ =	shalt  }
0x5c: {  	_ =	shalt  }
0x5d: {  	_ =	shalt  }
0x5e: {  	_ =	shalt  }
0x5f: {  	_ =	shalt  }
0x60: {  	_ =	shalt  }
0x61: {  	_ =	shalt  }
0x62: {  	_ =	shalt  }
0x63: {  	_ =	shalt  }
0x64: {  	_ =	shalt  }
0x65: {  	_ =	shalt  }
0x66: {  	_ =	shalt  }
0x67: {  	_ =	shalt  }
0x68: {  	_ =	shalt  }
0x69: {  	_ =	shalt  }
0x6a: {  	_ =	shalt  }
0x6b: {  	_ =	shalt  }
0x6c: {  	_ =	shalt  }
0x6d: {  	_ =	shalt  }
0x6e: {  	_ =	shalt  }
0x6f: {  	_ =	shalt  }
0x70: {  	_ =	shalt  }
0x71: {  	_ =	shalt  }
0x72: {  	_ =	shalt  }
0x73: {  	_ =	shalt  }
0x74: {  	_ =	shalt  }
0x75: {  	_ =	shalt  }
0x76: {  	_ =	shalt  }
0x77: {  	_ =	shalt  }
0x78: {  	_ =	shalt  }
0x79: {  	_ =	shalt  }
0x7a: {  	_ =	shalt  }
0x7b: {  	_ =	shalt  }
0x7c: {  	_ =	shalt  }
0x7d: {  	_ =	shalt  }
0x7e: {  	_ =	shalt  }
0x7f: {  	_ =	shalt  }
0x80: {  	_ =	shalt  }
0x81: {  	_ =	shalt  }
0x82: {  	_ =	shalt  }
0x83: {  	_ =	shalt  }
0x84: {  	_ =	shalt  }
0x85: {  	_ =	shalt  }
0x86: {  	_ =	shalt  }
0x87: {  	_ =	shalt  }
.Lfunc_end0:
.L_simem_size_0:
called_computation_lowered:
.L_overlay_start_0:
0x88: {  	s2 =	sld [smem:$0x3FD9]  }
0x89: {  	s3 =	sld [smem:$0x3FFE];
	_ =	sdelay $0x1  }
0x8a: {  	s1 =	srdreg.scid  }
0x8b: {  	s0 =	sand.u32 $0x1, s1  }
0x8c: {  	s17 =	sshll.u32 s0, $0xA;
	s2 =	sadd.s32 s3, s2  }
0x8d: {  	s2 =	sadd.s32 s2, s17  }
0x8e: {  	[smem:$0x3FC7] =	sst s2  }
0x8f: {  	_ = 	snop  }
0x90: {  	s2 =	sld [smem:$0x3FC9]  }
0x91: {  	s18 =	sld [smem:$0x3FD0];
	(tm) =	ssettm $0x1  }
0x92: {  	s4 =	sld [smem:$0x3FFB];
	_ =	sdelay $0x3  }
0x93: {  	_ =	strace s4  }
0x94: {  	s4 =	sld [smem:$0x3FFC];
	_ =	sdelay $0x3  }
0x95: {  	_ =	strace s4  }
0x96: {  	s4 =	sld [smem:$0x3FFD];
	_ =	sdelay $0x3  }
0x97: {  	_ =	strace s4  }
0x98: {  	_ =	strace $0x8FFFFFFF  }
0x99: {  	s19 =	sld [smem:$0x3FDB];
	_ =	sdelay $0x1  }
0x9a: {  	s5 =	simm.s32 $_scs_section_size  }
0x9b: {  	s6 =	simm.s32 $_size__tile_overlayer_lowered;
	s7 =	simm.s32 $_tile_overlayer_lowered  }
0x9c: {  	s22 =	simm.s32 $0x1BFF;
	s21 =	sshll.u32 s7, $0x1;
	s4 =	sadd.s32 s5, s19  }
0x9d: {  	s8 =	simm.s32 $0x0;
	s20 =	sshll.u32 s6, $0x1;
	s6 =	sadd.s32 s21, s4  }
0x9e: {  	[timem:s8], [sflag:s22] =	dma.local [hbm:s6], s20  }
0x9f: {  	_ =	swait.ge [sflag:s22], s20  }
0xa0: {  	s5 =	ssub.s32 $0x0, s20;
	[sflag:s22] =	ssyncset.done $0x0  }
0xa1: {  	[sflag:s22] =	ssyncadd.s32 s5;
	_ =	sdelay $0x1  }
0xa2: {  	s23 =	simm.s32 $0x1B8B  }
0xa3: {  	_ =	swait.ge [sflag:s23], $0x1  }
0xa4: {  	[sflag:s23] =	ssyncset.done $0x0  }
0xa5: {  	s25 =	simm.s32 $0x1B8E;
	s24 =	sld [smem:$0x3FFE];
	[sflag:s23] =	ssyncadd.s32 $0xFFFFFFFF  }
0xa6: {  	s26 =	simm.s32 $execute0_lowered;
	[smem:$0x3FD2] =	sst s25  }
0xa7: {  	s6 =	sshll.u32 s26, $0x1;
	_ =	strace $0x80000046;
	[dreg:$0x1] =	wrdreg $0xFFFFFFFF  }
0xa8: {  	s28 =	simm.s32 $_size_execute0_lowered;
	s4 =	sadd.s32 s4, s6;
	[dreg:$0x0] =	wrdreg $0x0  }
0xa9: {  	s6 =	sshll.u32 s28, $0x1;
	[dreg:$0x2] =	wrdreg s4  }
0xaa: {  	[dreg:$0x3] =	wrdreg s6  }
0xab: {  	[dreg:$0x4] =	wrdreg $0xC0  }
0xac: {  	_ =	task [dreg:s8], $0x5FFFF  }
0xad: {  	[dreg:$0x1] =	wrdreg $0xFFFFFFFF  }
0xae: {  	[dreg:$0x0] =	wrdreg $0x60  }
0xaf: {  	[dreg:$0x2] =	wrdreg s2  }
0xb0: {  	[dreg:$0x3] =	wrdreg s24  }
0xb1: {  	[dreg:$0x4] =	wrdreg s18  }
0xb2: {  	[dreg:$0x5] =	wrdreg $0x9  }
0xb3: {  	_ =	task.clear_ibuf [dreg:s8], $0x6FFFF;
	_ =	strace $0x90000046  }
0xb4: {  	s29 =	simm.s32 $0x9;
	_ =	strace $0x80000048  }
0xb5: {  	_ =	swait.ge [sflag:s29], $0x1  }
0xb6: {  	[sflag:s29] =	ssyncadd.s32 $0xFFFFFFFF  }
0xb7: {  	_ =	strace $0x90000048  }
0xb8: {  	_ =	sfence  }
0xb9: {  	s30 =	sld [smem:$0x0];
	_ =	sdelay $0x2  }
0xba: {  	s31 =	sshll.u32 s1, $0xD;
	s1 =	sshrl.u32 s1, $0x2  }
0xbb: {  	s3 =	sand.u32 $0x4000, s31;
	s1 =	sadd.s32 s1, s30  }
0xbc: {  	s0 =	sor.u32 s3, s0;
	s1 =	sshll.u32 s1, $0x11  }
0xbd: {  	s0 =	sor.u32 s1, s0  }
0xbe: {  	s0 =	sadd.s32 $0x8F2B, s0  }
0xbf: {  	[sflag:s0] =	ssyncadd.remote.s32 $0x1  }
0xc0: {  	_ =	sfence.sel $0xFFFF  }
0xc1: {  	[dreg:$0x0] =	wrdreg $0xFFFFFFFF;
	(pc) =	sbr.abs _section_cstart, $3  }
0xc2: {  	[dreg:$0x1] =	wrdreg $0xFFFFFFFF  }
0xc3: {  	_ =	task.clear_ibuf [dreg:s8], $0x2FFFF;
	_ =	strace $0x9FFFFFFF  }
0xc4: {  	(tm) =	ssettm $0x7FFFFFFF  }
0xc5: {  	_ =	shalt  }
tec
execute0_lowered:
.L_overlay_start_1:
0x0: {  	(tag) =	ssettag $0x1  }
0x1: {  	s6 =	rddreg [dreg:$0x0]  }
0x2: {  	s1 =	srdreg.scid;
	s4 =	rddreg [dreg:$0x1]  }
0x3: {  	s0 =	stileid.u32;
	s2 =	rddreg [dreg:$0x2];
	s3 =	simm.s32 $0x0  }
0x4: {  	s5 =	simm.s32 $0x1;
	s11 =	simm.s32 $0xC3800;
	s12 =	simm.s32 $0x80  }
0x5: {  	s13 =	simm.s32 $0x400;
	s14 =	simm.s32 $0x8000;
	s7 =	sand.u32 $0x1, s1  }
0x6: {  	s15 =	simm.s32 $0x1A080;
	s16 =	simm.s32 $0x0;
	s1 =	sor.u32 s7, s0  }
0x7: {  	[smem:$0x7FF] =	sst s3;
	p0 =	seq.s32 s7, $0x1;
	p1 =	seq.s32 s1, $0x0  }
0x8: {  	s4 =	sadd.s32 $0x400, s4;
	s8 =	ssub.s32 $0x2, s7;
	p0 =	por !p1, !p0  }
0x9: {  	s10 =	smul.u32 $0x61C00, s7;
	s7 =	sshll.u32 s7, $0x11;
	p0 =	por !p0, !p0  }
0xa: {  	s1 =	rddreg [dreg:$0x3];
	s9 =	sshrl.u32 s8, $0x1;
	s5 =	simm.s32 @!p0 $0x0  }
0xb: {  	_ =	strace $0x80000047;
	s8 =	ssub.s32 s8, s9;
	s5 =	ssub.s32 s0, s5  }
0xc: {  	s6 =	sadd.s32 s6, s10;
	s9 =	simm.s32 $0x2;
	s5 =	sshll.u32 s5, $0x1  }
0xd: {  	s10 =	simm.s32 $0x6800;
	s8 =	smax.u32 s8, $0x1;
	s5 =	sand.u32 $0x1FFFFFE, s5  }
.LBB2_1:
0xe: {  	p0 =	por $0x1, $0x1;
	s18 =	simm.s32 $0x0  }
.LBB2_2:
0xf: {  	s17 =	sor.u32 s5, s18  }
0x10: {  	s18 =	sshll.u32 s17, $0x4  }
0x11: {  	s18 =	sadd.s32 s4, s18  }
0x12: {  	[tilespmem:s3], [sflag:$0x2] =	stream.linear.gather [hbm4b:s18+s3], $0x80, $0x38;
	[tilespmem:$0x1B080] =	vst v63  }
0x13: {  	_ =	swait.ge [sflag:s9], $0x80  }
0x14: {  	[sflag:s9] =	ssyncset.done $0x0  }
0x15: {  	[sflag:s9] =	ssyncadd.s32 $0xFFFFFF80  }
0x16: {  	v0 =	vld [tilespmem:$0x0];
	_ =	sdelay $0x4  }
0x17: {  	(v2sf) =	vpush v0, $0x0;
	_ =	sdelay $0xe  }
0x18: {  	s30 =	spop (v2sf)  }
0x19: {  	s19 =	sand.u32 $0xFFFFFF80, s30  }
0x1a: {  	p1 =	slt.s32 s19, $0x17A00  }
0x1b: {  	s19 =	simm.s32 @!p1 $0x17A00  }
0x1c: {  	s18 =	simm.s32 $0x1;
	s31 =	sadd.s32 s19, s6  }
0x1d: {  	[tilespmem:s12], [sflag:$0x1] =	stream.strided.gather [hbm4b:s31+s10], $0x1A000, s11, s10, $0x38;
	[tilespmem:$0x1B080] =	vst v63  }
0x1e: {  	_ =	swait.ge [sflag:s18], $0x1A000  }
0x1f: {  	[sflag:s18] =	ssyncset.done $0x0  }
0x20: {  	[sflag:s18] =	ssyncadd.s32 $0xFFFE6000  }
0x21: {  	v1 =	vld [tilespmem:$0x0];
	_ =	sdelay $0x3  }
0x22: {  	v0 =	vmov s19  }
0x23: {  	v2 =	vsub.s32 v1, v0  }
0x24: {  	v2 =	vshll.u32 v2, $0x3  }
0x25: {  	v1 =	vand.u32 $0x7F, v1;
	v2 =	vand.u32 $0xFFFFFC00, v2  }
0x26: {  	v1 =	vor.u32 v1, v2;
	_ =	sdelay $0x4  }
0x27: {  	v2 =	vld.idx.msk [tilespmem:v1+s12+$0x0], $0xffff  }
0x28: {  	v3 =	vor.u32 $0x80, v1;
	_ =	sdelay $0x3  }
0x29: {  	[tilespmem:$0x1A080] =	vst v2  }
0x2a: {  	v2 =	vld.idx.msk [tilespmem:v3+s12+$0x0], $0xffff  }
0x2b: {  	v46 =	vor.u32 $0x100, v1;
	_ =	sdelay $0x3  }
0x2c: {  	[tilespmem:$0x1A100] =	vst v2  }
0x2d: {  	v2 =	vld.idx.msk [tilespmem:v46+s12+$0x0], $0xffff  }
0x2e: {  	v47 =	vor.u32 $0x180, v1;
	_ =	sdelay $0x3  }
0x2f: {  	[tilespmem:$0x1A180] =	vst v2  }
0x30: {  	v2 =	vld.idx.msk [tilespmem:v47+s12+$0x0], $0xffff  }
0x31: {  	v48 =	vor.u32 $0x200, v1;
	_ =	sdelay $0x3  }
0x32: {  	[tilespmem:$0x1A200] =	vst v2  }
0x33: {  	v2 =	vld.idx.msk [tilespmem:v48+s12+$0x0], $0xffff  }
0x34: {  	v49 =	vor.u32 $0x280, v1;
	_ =	sdelay $0x3  }
0x35: {  	[tilespmem:$0x1A280] =	vst v2  }
0x36: {  	v2 =	vld.idx.msk [tilespmem:v49+s12+$0x0], $0xffff  }
0x37: {  	v50 =	vor.u32 $0x300, v1;
	_ =	sdelay $0x3  }
0x38: {  	[tilespmem:$0x1A300] =	vst v2  }
0x39: {  	v2 =	vld.idx.msk [tilespmem:v50+s12+$0x0], $0xffff  }
0x3a: {  	v51 =	vor.u32 $0x380, v1;
	_ =	sdelay $0x3  }
0x3b: {  	[tilespmem:$0x1A380] =	vst v2  }
0x3c: {  	v2 =	vld.idx.msk [tilespmem:v51+s12+$0x0], $0xffff  }
0x3d: {  	v52 =	vadd.s32 $0x6800, v1;
	_ =	sdelay $0x3  }
0x3e: {  	[tilespmem:$0x1A400] =	vst v2  }
0x3f: {  	v2 =	vld.idx.msk [tilespmem:v52+s12+$0x0], $0xffff  }
0x40: {  	v53 =	vadd.s32 $0x6880, v1;
	_ =	sdelay $0x3  }
0x41: {  	[tilespmem:$0x1A480] =	vst v2  }
0x42: {  	v2 =	vld.idx.msk [tilespmem:v53+s12+$0x0], $0xffff  }
0x43: {  	v54 =	vadd.s32 $0x6900, v1;
	_ =	sdelay $0x3  }
0x44: {  	[tilespmem:$0x1A500] =	vst v2  }
0x45: {  	v2 =	vld.idx.msk [tilespmem:v54+s12+$0x0], $0xffff  }
0x46: {  	v55 =	vadd.s32 $0x6980, v1;
	_ =	sdelay $0x3  }
0x47: {  	[tilespmem:$0x1A580] =	vst v2  }
0x48: {  	v2 =	vld.idx.msk [tilespmem:v55+s12+$0x0], $0xffff  }
0x49: {  	v56 =	vadd.s32 $0x6A00, v1;
	_ =	sdelay $0x3  }
0x4a: {  	[tilespmem:$0x1A600] =	vst v2  }
0x4b: {  	v2 =	vld.idx.msk [tilespmem:v56+s12+$0x0], $0xffff  }
0x4c: {  	v57 =	vadd.s32 $0x6A80, v1;
	_ =	sdelay $0x3  }
0x4d: {  	[tilespmem:$0x1A680] =	vst v2  }
0x4e: {  	v2 =	vld.idx.msk [tilespmem:v57+s12+$0x0], $0xffff  }
0x4f: {  	v58 =	vadd.s32 $0x6B00, v1;
	_ =	sdelay $0x3  }
0x50: {  	[tilespmem:$0x1A700] =	vst v2  }
0x51: {  	v2 =	vld.idx.msk [tilespmem:v58+s12+$0x0], $0xffff  }
0x52: {  	v59 =	vadd.s32 $0x6B80, v1;
	_ =	sdelay $0x3  }
0x53: {  	[tilespmem:$0x1A780] =	vst v2  }
0x54: {  	v2 =	vld.idx.msk [tilespmem:v59+s12+$0x0], $0xffff  }
0x55: {  	v60 =	vadd.s32 $0xD000, v1;
	_ =	sdelay $0x3  }
0x56: {  	[tilespmem:$0x1A800] =	vst v2  }
0x57: {  	v2 =	vld.idx.msk [tilespmem:v60+s12+$0x0], $0xffff  }
0x58: {  	v61 =	vadd.s32 $0xD080, v1;
	_ =	sdelay $0x3  }
0x59: {  	[tilespmem:$0x1A880] =	vst v2  }
0x5a: {  	v2 =	vld.idx.msk [tilespmem:v61+s12+$0x0], $0xffff  }
0x5b: {  	v62 =	vadd.s32 $0xD100, v1;
	_ =	sdelay $0x3  }
0x5c: {  	[tilespmem:$0x1A900] =	vst v2  }
0x5d: {  	v2 =	vld.idx.msk [tilespmem:v62+s12+$0x0], $0xffff  }
0x5e: {  	v63 =	vadd.s32 $0xD180, v1;
	_ =	sdelay $0x3  }
0x5f: {  	[tilespmem:$0x1A980] =	vst v2  }
0x60: {  	v2 =	vld.idx.msk [tilespmem:v63+s12+$0x0], $0xffff  }
0x61: {  	v6 =	vadd.s32 $0xD200, v1;
	_ =	sdelay $0x3  }
0x62: {  	[tilespmem:$0x1AA00] =	vst v2  }
0x63: {  	v2 =	vld.idx.msk [tilespmem:v6+s12+$0x0], $0xffff  }
0x64: {  	v7 =	vadd.s32 $0xD280, v1;
	_ =	sdelay $0x3  }
0x65: {  	[tilespmem:$0x1AA80] =	vst v2  }
0x66: {  	v2 =	vld.idx.msk [tilespmem:v7+s12+$0x0], $0xffff  }
0x67: {  	v8 =	vadd.s32 $0xD300, v1;
	_ =	sdelay $0x3  }
0x68: {  	[tilespmem:$0x1AB00] =	vst v2  }
0x69: {  	v2 =	vld.idx.msk [tilespmem:v8+s12+$0x0], $0xffff  }
0x6a: {  	v9 =	vadd.s32 $0xD380, v1;
	_ =	sdelay $0x3  }
0x6b: {  	[tilespmem:$0x1AB80] =	vst v2  }
0x6c: {  	v2 =	vld.idx.msk [tilespmem:v9+s12+$0x0], $0xffff  }
0x6d: {  	v10 =	vadd.s32 $0x13800, v1;
	_ =	sdelay $0x3  }
0x6e: {  	[tilespmem:$0x1AC00] =	vst v2  }
0x6f: {  	v2 =	vld.idx.msk [tilespmem:v10+s12+$0x0], $0xffff  }
0x70: {  	v11 =	vadd.s32 $0x13880, v1;
	_ =	sdelay $0x3  }
0x71: {  	[tilespmem:$0x1AC80] =	vst v2  }
0x72: {  	v2 =	vld.idx.msk [tilespmem:v11+s12+$0x0], $0xffff  }
0x73: {  	v12 =	vadd.s32 $0x13900, v1;
	_ =	sdelay $0x3  }
0x74: {  	[tilespmem:$0x1AD00] =	vst v2  }
0x75: {  	v2 =	vld.idx.msk [tilespmem:v12+s12+$0x0], $0xffff  }
0x76: {  	v13 =	vadd.s32 $0x13980, v1;
	_ =	sdelay $0x3  }
0x77: {  	[tilespmem:$0x1AD80] =	vst v2  }
0x78: {  	v2 =	vld.idx.msk [tilespmem:v13+s12+$0x0], $0xffff  }
0x79: {  	v14 =	vadd.s32 $0x13A00, v1;
	_ =	sdelay $0x3  }
0x7a: {  	[tilespmem:$0x1AE00] =	vst v2  }
0x7b: {  	v2 =	vld.idx.msk [tilespmem:v14+s12+$0x0], $0xffff  }
0x7c: {  	v15 =	vadd.s32 $0x13A80, v1;
	_ =	sdelay $0x3  }
0x7d: {  	[tilespmem:$0x1AE80] =	vst v2  }
0x7e: {  	v2 =	vld.idx.msk [tilespmem:v15+s12+$0x0], $0xffff  }
0x7f: {  	v16 =	vadd.s32 $0x13B00, v1;
	_ =	sdelay $0x3  }
0x80: {  	v17 =	vld [tilespmem:$0x10];
	[tilespmem:$0x1AF00] =	vst v2  }
0x81: {  	v3 =	vld.idx.msk [tilespmem:v16+s12+$0x0], $0xffff  }
0x82: {  	v1 =	vadd.s32 $0x13B80, v1;
	_ =	sdelay $0x2  }
0x83: {  	v4 =	vsub.s32 v17, v0  }
0x84: {  	v18 =	vshll.u32 v4, $0x3;
	[tilespmem:$0x1AF80] =	vst v3  }
0x85: {  	v2 =	vand.u32 $0x7F, v17;
	v3 =	vand.u32 $0xFFFFFC00, v18;
	v1 =	vld.idx.msk [tilespmem:v1+s12+$0x0], $0xffff  }
0x86: {  	v2 =	vor.u32 v2, v3;
	_ =	sdelay $0x3  }
0x87: {  	[tilespmem:$0x1B000] =	vst v1  }
0x88: {  	v1 =	vld.idx.msk [tilespmem:v2+s12+$0x0], $0xffff  }
0x89: {  	v3 =	vor.u32 $0x80, v2;
	_ =	sdelay $0x3  }
0x8a: {  	[tilespmem:$0x1A090] =	vst v1  }
0x8b: {  	v1 =	vld.idx.msk [tilespmem:v3+s12+$0x0], $0xffff  }
0x8c: {  	v19 =	vor.u32 $0x100, v2;
	_ =	sdelay $0x3  }
0x8d: {  	[tilespmem:$0x1A110] =	vst v1  }
0x8e: {  	v1 =	vld.idx.msk [tilespmem:v19+s12+$0x0], $0xffff  }
0x8f: {  	v20 =	vor.u32 $0x180, v2;
	_ =	sdelay $0x3  }
0x90: {  	[tilespmem:$0x1A190] =	vst v1  }
0x91: {  	v1 =	vld.idx.msk [tilespmem:v20+s12+$0x0], $0xffff  }
0x92: {  	v21 =	vor.u32 $0x200, v2;
	_ =	sdelay $0x3  }
0x93: {  	[tilespmem:$0x1A210] =	vst v1  }
0x94: {  	v1 =	vld.idx.msk [tilespmem:v21+s12+$0x0], $0xffff  }
0x95: {  	v22 =	vor.u32 $0x280, v2;
	_ =	sdelay $0x3  }
0x96: {  	[tilespmem:$0x1A290] =	vst v1  }
0x97: {  	v1 =	vld.idx.msk [tilespmem:v22+s12+$0x0], $0xffff  }
0x98: {  	v23 =	vor.u32 $0x300, v2;
	_ =	sdelay $0x3  }
0x99: {  	[tilespmem:$0x1A310] =	vst v1  }
0x9a: {  	v1 =	vld.idx.msk [tilespmem:v23+s12+$0x0], $0xffff  }
0x9b: {  	v24 =	vor.u32 $0x380, v2;
	_ =	sdelay $0x3  }
0x9c: {  	[tilespmem:$0x1A390] =	vst v1  }
0x9d: {  	v1 =	vld.idx.msk [tilespmem:v24+s12+$0x0], $0xffff  }
0x9e: {  	v25 =	vadd.s32 $0x6800, v2;
	_ =	sdelay $0x3  }
0x9f: {  	[tilespmem:$0x1A410] =	vst v1  }
0xa0: {  	v1 =	vld.idx.msk [tilespmem:v25+s12+$0x0], $0xffff  }
0xa1: {  	v26 =	vadd.s32 $0x6880, v2;
	_ =	sdelay $0x3  }
0xa2: {  	[tilespmem:$0x1A490] =	vst v1  }
0xa3: {  	v1 =	vld.idx.msk [tilespmem:v26+s12+$0x0], $0xffff  }
0xa4: {  	v27 =	vadd.s32 $0x6900, v2;
	_ =	sdelay $0x3  }
0xa5: {  	[tilespmem:$0x1A510] =	vst v1  }
0xa6: {  	v1 =	vld.idx.msk [tilespmem:v27+s12+$0x0], $0xffff  }
0xa7: {  	v28 =	vadd.s32 $0x6980, v2;
	_ =	sdelay $0x3  }
0xa8: {  	[tilespmem:$0x1A590] =	vst v1  }
0xa9: {  	v1 =	vld.idx.msk [tilespmem:v28+s12+$0x0], $0xffff  }
0xaa: {  	v29 =	vadd.s32 $0x6A00, v2;
	_ =	sdelay $0x3  }
0xab: {  	[tilespmem:$0x1A610] =	vst v1  }
0xac: {  	v1 =	vld.idx.msk [tilespmem:v29+s12+$0x0], $0xffff  }
0xad: {  	v30 =	vadd.s32 $0x6A80, v2;
	_ =	sdelay $0x3  }
0xae: {  	[tilespmem:$0x1A690] =	vst v1  }
0xaf: {  	v1 =	vld.idx.msk [tilespmem:v30+s12+$0x0], $0xffff  }
0xb0: {  	v31 =	vadd.s32 $0x6B00, v2;
	_ =	sdelay $0x3  }
0xb1: {  	[tilespmem:$0x1A710] =	vst v1  }
0xb2: {  	v1 =	vld.idx.msk [tilespmem:v31+s12+$0x0], $0xffff  }
0xb3: {  	v32 =	vadd.s32 $0x6B80, v2;
	_ =	sdelay $0x3  }
0xb4: {  	[tilespmem:$0x1A790] =	vst v1  }
0xb5: {  	v1 =	vld.idx.msk [tilespmem:v32+s12+$0x0], $0xffff  }
0xb6: {  	v33 =	vadd.s32 $0xD000, v2;
	_ =	sdelay $0x3  }
0xb7: {  	[tilespmem:$0x1A810] =	vst v1  }
0xb8: {  	v1 =	vld.idx.msk [tilespmem:v33+s12+$0x0], $0xffff  }
0xb9: {  	v34 =	vadd.s32 $0xD080, v2;
	_ =	sdelay $0x3  }
0xba: {  	[tilespmem:$0x1A890] =	vst v1  }
0xbb: {  	v1 =	vld.idx.msk [tilespmem:v34+s12+$0x0], $0xffff  }
0xbc: {  	v35 =	vadd.s32 $0xD100, v2;
	_ =	sdelay $0x3  }
0xbd: {  	[tilespmem:$0x1A910] =	vst v1  }
0xbe: {  	v1 =	vld.idx.msk [tilespmem:v35+s12+$0x0], $0xffff  }
0xbf: {  	v36 =	vadd.s32 $0xD180, v2;
	_ =	sdelay $0x3  }
0xc0: {  	[tilespmem:$0x1A990] =	vst v1  }
0xc1: {  	v1 =	vld.idx.msk [tilespmem:v36+s12+$0x0], $0xffff  }
0xc2: {  	v37 =	vadd.s32 $0xD200, v2;
	_ =	sdelay $0x3  }
0xc3: {  	[tilespmem:$0x1AA10] =	vst v1  }
0xc4: {  	v1 =	vld.idx.msk [tilespmem:v37+s12+$0x0], $0xffff  }
0xc5: {  	v38 =	vadd.s32 $0xD280, v2;
	_ =	sdelay $0x3  }
0xc6: {  	[tilespmem:$0x1AA90] =	vst v1  }
0xc7: {  	v1 =	vld.idx.msk [tilespmem:v38+s12+$0x0], $0xffff  }
0xc8: {  	v39 =	vadd.s32 $0xD300, v2;
	_ =	sdelay $0x3  }
0xc9: {  	[tilespmem:$0x1AB10] =	vst v1  }
0xca: {  	v1 =	vld.idx.msk [tilespmem:v39+s12+$0x0], $0xffff  }
0xcb: {  	v40 =	vadd.s32 $0xD380, v2;
	_ =	sdelay $0x3  }
0xcc: {  	[tilespmem:$0x1AB90] =	vst v1  }
0xcd: {  	v1 =	vld.idx.msk [tilespmem:v40+s12+$0x0], $0xffff  }
0xce: {  	v41 =	vadd.s32 $0x13800, v2;
	_ =	sdelay $0x3  }
0xcf: {  	[tilespmem:$0x1AC10] =	vst v1  }
0xd0: {  	v1 =	vld.idx.msk [tilespmem:v41+s12+$0x0], $0xffff  }
0xd1: {  	v42 =	vadd.s32 $0x13880, v2;
	_ =	sdelay $0x3  }
0xd2: {  	[tilespmem:$0x1AC90] =	vst v1  }
0xd3: {  	v1 =	vld.idx.msk [tilespmem:v42+s12+$0x0], $0xffff  }
0xd4: {  	v43 =	vadd.s32 $0x13900, v2;
	_ =	sdelay $0x3  }
0xd5: {  	[tilespmem:$0x1AD10] =	vst v1  }
0xd6: {  	v1 =	vld.idx.msk [tilespmem:v43+s12+$0x0], $0xffff  }
0xd7: {  	v44 =	vadd.s32 $0x13980, v2;
	_ =	sdelay $0x3  }
0xd8: {  	[tilespmem:$0x1AD90] =	vst v1  }
0xd9: {  	v1 =	vld.idx.msk [tilespmem:v44+s12+$0x0], $0xffff  }
0xda: {  	v45 =	vadd.s32 $0x13A00, v2;
	_ =	sdelay $0x3  }
0xdb: {  	[tilespmem:$0x1AE10] =	vst v1  }
0xdc: {  	v1 =	vld.idx.msk [tilespmem:v45+s12+$0x0], $0xffff  }
0xdd: {  	v46 =	vadd.s32 $0x13A80, v2;
	_ =	sdelay $0x3  }
0xde: {  	[tilespmem:$0x1AE90] =	vst v1  }
0xdf: {  	v1 =	vld.idx.msk [tilespmem:v46+s12+$0x0], $0xffff  }
0xe0: {  	v47 =	vadd.s32 $0x13B00, v2;
	_ =	sdelay $0x3  }
0xe1: {  	v48 =	vld [tilespmem:$0x20];
	[tilespmem:$0x1AF10] =	vst v1  }
0xe2: {  	v3 =	vld.idx.msk [tilespmem:v47+s12+$0x0], $0xffff  }
0xe3: {  	v2 =	vadd.s32 $0x13B80, v2;
	_ =	sdelay $0x2  }
0xe4: {  	v49 =	vsub.s32 v48, v0  }
0xe5: {  	v50 =	vshll.u32 v49, $0x3;
	[tilespmem:$0x1AF90] =	vst v3  }
0xe6: {  	v1 =	vand.u32 $0x7F, v48;
	v3 =	vand.u32 $0xFFFFFC00, v50;
	v2 =	vld.idx.msk [tilespmem:v2+s12+$0x0], $0xffff  }
0xe7: {  	v1 =	vor.u32 v1, v3;
	_ =	sdelay $0x3  }
0xe8: {  	[tilespmem:$0x1B010] =	vst v2  }
0xe9: {  	v2 =	vld.idx.msk [tilespmem:v1+s12+$0x0], $0xffff  }
0xea: {  	v3 =	vor.u32 $0x80, v1;
	_ =	sdelay $0x3  }
0xeb: {  	[tilespmem:$0x1A0A0] =	vst v2  }
0xec: {  	v2 =	vld.idx.msk [tilespmem:v3+s12+$0x0], $0xffff  }
0xed: {  	v51 =	vor.u32 $0x100, v1;
	_ =	sdelay $0x3  }
0xee: {  	[tilespmem:$0x1A120] =	vst v2  }
0xef: {  	v2 =	vld.idx.msk [tilespmem:v51+s12+$0x0], $0xffff  }
0xf0: {  	v52 =	vor.u32 $0x180, v1;
	_ =	sdelay $0x3  }
0xf1: {  	[tilespmem:$0x1A1A0] =	vst v2  }
0xf2: {  	v2 =	vld.idx.msk [tilespmem:v52+s12+$0x0], $0xffff  }
0xf3: {  	v53 =	vor.u32 $0x200, v1;
	_ =	sdelay $0x3  }
0xf4: {  	[tilespmem:$0x1A220] =	vst v2  }
0xf5: {  	v2 =	vld.idx.msk [tilespmem:v53+s12+$0x0], $0xffff  }
0xf6: {  	v54 =	vor.u32 $0x280, v1;
	_ =	sdelay $0x3  }
0xf7: {  	[tilespmem:$0x1A2A0] =	vst v2  }
0xf8: {  	v2 =	vld.idx.msk [tilespmem:v54+s12+$0x0], $0xffff  }
0xf9: {  	v55 =	vor.u32 $0x300, v1;
	_ =	sdelay $0x3  }
0xfa: {  	[tilespmem:$0x1A320] =	vst v2  }
0xfb: {  	v2 =	vld.idx.msk [tilespmem:v55+s12+$0x0], $0xffff  }
0xfc: {  	v56 =	vor.u32 $0x380, v1;
	_ =	sdelay $0x3  }
0xfd: {  	[tilespmem:$0x1A3A0] =	vst v2  }
0xfe: {  	v2 =	vld.idx.msk [tilespmem:v56+s12+$0x0], $0xffff  }
0xff: {  	v57 =	vadd.s32 $0x6800, v1;
	_ =	sdelay $0x3  }
0x100: {  	[tilespmem:$0x1A420] =	vst v2  }
0x101: {  	v2 =	vld.idx.msk [tilespmem:v57+s12+$0x0], $0xffff  }
0x102: {  	v58 =	vadd.s32 $0x6880, v1;
	_ =	sdelay $0x3  }
0x103: {  	[tilespmem:$0x1A4A0] =	vst v2  }
0x104: {  	v2 =	vld.idx.msk [tilespmem:v58+s12+$0x0], $0xffff  }
0x105: {  	v59 =	vadd.s32 $0x6900, v1;
	_ =	sdelay $0x3  }
0x106: {  	[tilespmem:$0x1A520] =	vst v2  }
0x107: {  	v2 =	vld.idx.msk [tilespmem:v59+s12+$0x0], $0xffff  }
0x108: {  	v60 =	vadd.s32 $0x6980, v1;
	_ =	sdelay $0x3  }
0x109: {  	[tilespmem:$0x1A5A0] =	vst v2  }
0x10a: {  	v2 =	vld.idx.msk [tilespmem:v60+s12+$0x0], $0xffff  }
0x10b: {  	v61 =	vadd.s32 $0x6A00, v1;
	_ =	sdelay $0x3  }
0x10c: {  	[tilespmem:$0x1A620] =	vst v2  }
0x10d: {  	v2 =	vld.idx.msk [tilespmem:v61+s12+$0x0], $0xffff  }
0x10e: {  	v62 =	vadd.s32 $0x6A80, v1;
	_ =	sdelay $0x3  }
0x10f: {  	[tilespmem:$0x1A6A0] =	vst v2  }
0x110: {  	v2 =	vld.idx.msk [tilespmem:v62+s12+$0x0], $0xffff  }
0x111: {  	v63 =	vadd.s32 $0x6B00, v1;
	_ =	sdelay $0x3  }
0x112: {  	[tilespmem:$0x1A720] =	vst v2  }
0x113: {  	v2 =	vld.idx.msk [tilespmem:v63+s12+$0x0], $0xffff  }
0x114: {  	v6 =	vadd.s32 $0x6B80, v1;
	_ =	sdelay $0x3  }
0x115: {  	[tilespmem:$0x1A7A0] =	vst v2  }
0x116: {  	v2 =	vld.idx.msk [tilespmem:v6+s12+$0x0], $0xffff  }
0x117: {  	v7 =	vadd.s32 $0xD000, v1;
	_ =	sdelay $0x3  }
0x118: {  	[tilespmem:$0x1A820] =	vst v2  }
0x119: {  	v2 =	vld.idx.msk [tilespmem:v7+s12+$0x0], $0xffff  }
0x11a: {  	v8 =	vadd.s32 $0xD080, v1;
	_ =	sdelay $0x3  }
0x11b: {  	[tilespmem:$0x1A8A0] =	vst v2  }
0x11c: {  	v2 =	vld.idx.msk [tilespmem:v8+s12+$0x0], $0xffff  }
0x11d: {  	v9 =	vadd.s32 $0xD100, v1;
	_ =	sdelay $0x3  }
0x11e: {  	[tilespmem:$0x1A920] =	vst v2  }
0x11f: {  	v2 =	vld.idx.msk [tilespmem:v9+s12+$0x0], $0xffff  }
0x120: {  	v10 =	vadd.s32 $0xD180, v1;
	_ =	sdelay $0x3  }
0x121: {  	[tilespmem:$0x1A9A0] =	vst v2  }
0x122: {  	v2 =	vld.idx.msk [tilespmem:v10+s12+$0x0], $0xffff  }
0x123: {  	v11 =	vadd.s32 $0xD200, v1;
	_ =	sdelay $0x3  }
0x124: {  	[tilespmem:$0x1AA20] =	vst v2  }
0x125: {  	v2 =	vld.idx.msk [tilespmem:v11+s12+$0x0], $0xffff  }
0x126: {  	v12 =	vadd.s32 $0xD280, v1;
	_ =	sdelay $0x3  }
0x127: {  	[tilespmem:$0x1AAA0] =	vst v2  }
0x128: {  	v2 =	vld.idx.msk [tilespmem:v12+s12+$0x0], $0xffff  }
0x129: {  	v13 =	vadd.s32 $0xD300, v1;
	_ =	sdelay $0x3  }
0x12a: {  	[tilespmem:$0x1AB20] =	vst v2  }
0x12b: {  	v2 =	vld.idx.msk [tilespmem:v13+s12+$0x0], $0xffff  }
0x12c: {  	v14 =	vadd.s32 $0xD380, v1;
	_ =	sdelay $0x3  }
0x12d: {  	[tilespmem:$0x1ABA0] =	vst v2  }
0x12e: {  	v2 =	vld.idx.msk [tilespmem:v14+s12+$0x0], $0xffff  }
0x12f: {  	v15 =	vadd.s32 $0x13800, v1;
	_ =	sdelay $0x3  }
0x130: {  	[tilespmem:$0x1AC20] =	vst v2  }
0x131: {  	v2 =	vld.idx.msk [tilespmem:v15+s12+$0x0], $0xffff  }
0x132: {  	v16 =	vadd.s32 $0x13880, v1;
	_ =	sdelay $0x3  }
0x133: {  	[tilespmem:$0x1ACA0] =	vst v2  }
0x134: {  	v2 =	vld.idx.msk [tilespmem:v16+s12+$0x0], $0xffff  }
0x135: {  	v17 =	vadd.s32 $0x13900, v1;
	_ =	sdelay $0x3  }
0x136: {  	[tilespmem:$0x1AD20] =	vst v2  }
0x137: {  	v2 =	vld.idx.msk [tilespmem:v17+s12+$0x0], $0xffff  }
0x138: {  	v18 =	vadd.s32 $0x13980, v1;
	_ =	sdelay $0x3  }
0x139: {  	[tilespmem:$0x1ADA0] =	vst v2  }
0x13a: {  	v2 =	vld.idx.msk [tilespmem:v18+s12+$0x0], $0xffff  }
0x13b: {  	v19 =	vadd.s32 $0x13A00, v1;
	_ =	sdelay $0x3  }
0x13c: {  	[tilespmem:$0x1AE20] =	vst v2  }
0x13d: {  	v2 =	vld.idx.msk [tilespmem:v19+s12+$0x0], $0xffff  }
0x13e: {  	v20 =	vadd.s32 $0x13A80, v1;
	_ =	sdelay $0x3  }
0x13f: {  	[tilespmem:$0x1AEA0] =	vst v2  }
0x140: {  	v2 =	vld.idx.msk [tilespmem:v20+s12+$0x0], $0xffff  }
0x141: {  	v21 =	vadd.s32 $0x13B00, v1;
	_ =	sdelay $0x3  }
0x142: {  	v22 =	vld [tilespmem:$0x30];
	[tilespmem:$0x1AF20] =	vst v2  }
0x143: {  	v3 =	vld.idx.msk [tilespmem:v21+s12+$0x0], $0xffff  }
0x144: {  	v1 =	vadd.s32 $0x13B80, v1;
	_ =	sdelay $0x2  }
0x145: {  	v23 =	vsub.s32 v22, v0  }
0x146: {  	v24 =	vshll.u32 v23, $0x3;
	[tilespmem:$0x1AFA0] =	vst v3  }
0x147: {  	v2 =	vand.u32 $0x7F, v22;
	v3 =	vand.u32 $0xFFFFFC00, v24;
	v1 =	vld.idx.msk [tilespmem:v1+s12+$0x0], $0xffff  }
0x148: {  	v2 =	vor.u32 v2, v3;
	_ =	sdelay $0x3  }
0x149: {  	[tilespmem:$0x1B020] =	vst v1  }
0x14a: {  	v1 =	vld.idx.msk [tilespmem:v2+s12+$0x0], $0xffff  }
0x14b: {  	v3 =	vor.u32 $0x80, v2;
	_ =	sdelay $0x3  }
0x14c: {  	[tilespmem:$0x1A0B0] =	vst v1  }
0x14d: {  	v1 =	vld.idx.msk [tilespmem:v3+s12+$0x0], $0xffff  }
0x14e: {  	v25 =	vor.u32 $0x100, v2;
	_ =	sdelay $0x3  }
0x14f: {  	[tilespmem:$0x1A130] =	vst v1  }
0x150: {  	v1 =	vld.idx.msk [tilespmem:v25+s12+$0x0], $0xffff  }
0x151: {  	v26 =	vor.u32 $0x180, v2;
	_ =	sdelay $0x3  }
0x152: {  	[tilespmem:$0x1A1B0] =	vst v1  }
0x153: {  	v1 =	vld.idx.msk [tilespmem:v26+s12+$0x0], $0xffff  }
0x154: {  	v27 =	vor.u32 $0x200, v2;
	_ =	sdelay $0x3  }
0x155: {  	[tilespmem:$0x1A230] =	vst v1  }
0x156: {  	v1 =	vld.idx.msk [tilespmem:v27+s12+$0x0], $0xffff  }
0x157: {  	v28 =	vor.u32 $0x280, v2;
	_ =	sdelay $0x3  }
0x158: {  	[tilespmem:$0x1A2B0] =	vst v1  }
0x159: {  	v1 =	vld.idx.msk [tilespmem:v28+s12+$0x0], $0xffff  }
0x15a: {  	v29 =	vor.u32 $0x300, v2;
	_ =	sdelay $0x3  }
0x15b: {  	[tilespmem:$0x1A330] =	vst v1  }
0x15c: {  	v1 =	vld.idx.msk [tilespmem:v29+s12+$0x0], $0xffff  }
0x15d: {  	v30 =	vor.u32 $0x380, v2;
	_ =	sdelay $0x3  }
0x15e: {  	[tilespmem:$0x1A3B0] =	vst v1  }
0x15f: {  	v1 =	vld.idx.msk [tilespmem:v30+s12+$0x0], $0xffff  }
0x160: {  	v31 =	vadd.s32 $0x6800, v2;
	_ =	sdelay $0x3  }
0x161: {  	[tilespmem:$0x1A430] =	vst v1  }
0x162: {  	v1 =	vld.idx.msk [tilespmem:v31+s12+$0x0], $0xffff  }
0x163: {  	v32 =	vadd.s32 $0x6880, v2;
	_ =	sdelay $0x3  }
0x164: {  	[tilespmem:$0x1A4B0] =	vst v1  }
0x165: {  	v1 =	vld.idx.msk [tilespmem:v32+s12+$0x0], $0xffff  }
0x166: {  	v33 =	vadd.s32 $0x6900, v2;
	_ =	sdelay $0x3  }
0x167: {  	[tilespmem:$0x1A530] =	vst v1  }
0x168: {  	v1 =	vld.idx.msk [tilespmem:v33+s12+$0x0], $0xffff  }
0x169: {  	v34 =	vadd.s32 $0x6980, v2;
	_ =	sdelay $0x3  }
0x16a: {  	[tilespmem:$0x1A5B0] =	vst v1  }
0x16b: {  	v1 =	vld.idx.msk [tilespmem:v34+s12+$0x0], $0xffff  }
0x16c: {  	v35 =	vadd.s32 $0x6A00, v2;
	_ =	sdelay $0x3  }
0x16d: {  	[tilespmem:$0x1A630] =	vst v1  }
0x16e: {  	v1 =	vld.idx.msk [tilespmem:v35+s12+$0x0], $0xffff  }
0x16f: {  	v36 =	vadd.s32 $0x6A80, v2;
	_ =	sdelay $0x3  }
0x170: {  	[tilespmem:$0x1A6B0] =	vst v1  }
0x171: {  	v1 =	vld.idx.msk [tilespmem:v36+s12+$0x0], $0xffff  }
0x172: {  	v37 =	vadd.s32 $0x6B00, v2;
	_ =	sdelay $0x3  }
0x173: {  	[tilespmem:$0x1A730] =	vst v1  }
0x174: {  	v1 =	vld.idx.msk [tilespmem:v37+s12+$0x0], $0xffff  }
0x175: {  	v38 =	vadd.s32 $0x6B80, v2;
	_ =	sdelay $0x3  }
0x176: {  	[tilespmem:$0x1A7B0] =	vst v1  }
0x177: {  	v1 =	vld.idx.msk [tilespmem:v38+s12+$0x0], $0xffff  }
0x178: {  	v39 =	vadd.s32 $0xD000, v2;
	_ =	sdelay $0x3  }
0x179: {  	[tilespmem:$0x1A830] =	vst v1  }
0x17a: {  	v1 =	vld.idx.msk [tilespmem:v39+s12+$0x0], $0xffff  }
0x17b: {  	v40 =	vadd.s32 $0xD080, v2;
	_ =	sdelay $0x3  }
0x17c: {  	[tilespmem:$0x1A8B0] =	vst v1  }
0x17d: {  	v1 =	vld.idx.msk [tilespmem:v40+s12+$0x0], $0xffff  }
0x17e: {  	v41 =	vadd.s32 $0xD100, v2;
	_ =	sdelay $0x3  }
0x17f: {  	[tilespmem:$0x1A930] =	vst v1  }
0x180: {  	v1 =	vld.idx.msk [tilespmem:v41+s12+$0x0], $0xffff  }
0x181: {  	v42 =	vadd.s32 $0xD180, v2;
	_ =	sdelay $0x3  }
0x182: {  	[tilespmem:$0x1A9B0] =	vst v1  }
0x183: {  	v1 =	vld.idx.msk [tilespmem:v42+s12+$0x0], $0xffff  }
0x184: {  	v43 =	vadd.s32 $0xD200, v2;
	_ =	sdelay $0x3  }
0x185: {  	[tilespmem:$0x1AA30] =	vst v1  }
0x186: {  	v1 =	vld.idx.msk [tilespmem:v43+s12+$0x0], $0xffff  }
0x187: {  	v44 =	vadd.s32 $0xD280, v2;
	_ =	sdelay $0x3  }
0x188: {  	[tilespmem:$0x1AAB0] =	vst v1  }
0x189: {  	v1 =	vld.idx.msk [tilespmem:v44+s12+$0x0], $0xffff  }
0x18a: {  	v45 =	vadd.s32 $0xD300, v2;
	_ =	sdelay $0x3  }
0x18b: {  	[tilespmem:$0x1AB30] =	vst v1  }
0x18c: {  	v1 =	vld.idx.msk [tilespmem:v45+s12+$0x0], $0xffff  }
0x18d: {  	v46 =	vadd.s32 $0xD380, v2;
	_ =	sdelay $0x3  }
0x18e: {  	[tilespmem:$0x1ABB0] =	vst v1  }
0x18f: {  	v1 =	vld.idx.msk [tilespmem:v46+s12+$0x0], $0xffff  }
0x190: {  	v47 =	vadd.s32 $0x13800, v2;
	_ =	sdelay $0x3  }
0x191: {  	[tilespmem:$0x1AC30] =	vst v1  }
0x192: {  	v1 =	vld.idx.msk [tilespmem:v47+s12+$0x0], $0xffff  }
0x193: {  	v48 =	vadd.s32 $0x13880, v2;
	_ =	sdelay $0x3  }
0x194: {  	[tilespmem:$0x1ACB0] =	vst v1  }
0x195: {  	v1 =	vld.idx.msk [tilespmem:v48+s12+$0x0], $0xffff  }
0x196: {  	v49 =	vadd.s32 $0x13900, v2;
	_ =	sdelay $0x3  }
0x197: {  	[tilespmem:$0x1AD30] =	vst v1  }
0x198: {  	v1 =	vld.idx.msk [tilespmem:v49+s12+$0x0], $0xffff  }
0x199: {  	v50 =	vadd.s32 $0x13980, v2;
	_ =	sdelay $0x3  }
0x19a: {  	[tilespmem:$0x1ADB0] =	vst v1  }
0x19b: {  	v1 =	vld.idx.msk [tilespmem:v50+s12+$0x0], $0xffff  }
0x19c: {  	v51 =	vadd.s32 $0x13A00, v2;
	_ =	sdelay $0x3  }
0x19d: {  	[tilespmem:$0x1AE30] =	vst v1  }
0x19e: {  	v1 =	vld.idx.msk [tilespmem:v51+s12+$0x0], $0xffff  }
0x19f: {  	v52 =	vadd.s32 $0x13A80, v2;
	_ =	sdelay $0x3  }
0x1a0: {  	[tilespmem:$0x1AEB0] =	vst v1  }
0x1a1: {  	v1 =	vld.idx.msk [tilespmem:v52+s12+$0x0], $0xffff  }
0x1a2: {  	v53 =	vadd.s32 $0x13B00, v2;
	_ =	sdelay $0x3  }
0x1a3: {  	v54 =	vld [tilespmem:$0x40];
	[tilespmem:$0x1AF30] =	vst v1  }
0x1a4: {  	v3 =	vld.idx.msk [tilespmem:v53+s12+$0x0], $0xffff  }
0x1a5: {  	v2 =	vadd.s32 $0x13B80, v2;
	_ =	sdelay $0x2  }
0x1a6: {  	v55 =	vsub.s32 v54, v0  }
0x1a7: {  	v56 =	vshll.u32 v55, $0x3;
	[tilespmem:$0x1AFB0] =	vst v3  }
0x1a8: {  	v1 =	vand.u32 $0x7F, v54;
	v3 =	vand.u32 $0xFFFFFC00, v56;
	v2 =	vld.idx.msk [tilespmem:v2+s12+$0x0], $0xffff  }
0x1a9: {  	v1 =	vor.u32 v1, v3;
	_ =	sdelay $0x3  }
0x1aa: {  	[tilespmem:$0x1B030] =	vst v2  }
0x1ab: {  	v2 =	vld.idx.msk [tilespmem:v1+s12+$0x0], $0xffff  }
0x1ac: {  	v3 =	vor.u32 $0x80, v1;
	_ =	sdelay $0x3  }
0x1ad: {  	[tilespmem:$0x1A0C0] =	vst v2  }
0x1ae: {  	v2 =	vld.idx.msk [tilespmem:v3+s12+$0x0], $0xffff  }
0x1af: {  	v57 =	vor.u32 $0x100, v1;
	_ =	sdelay $0x3  }
0x1b0: {  	[tilespmem:$0x1A140] =	vst v2  }
0x1b1: {  	v2 =	vld.idx.msk [tilespmem:v57+s12+$0x0], $0xffff  }
0x1b2: {  	v58 =	vor.u32 $0x180, v1;
	_ =	sdelay $0x3  }
0x1b3: {  	[tilespmem:$0x1A1C0] =	vst v2  }
0x1b4: {  	v2 =	vld.idx.msk [tilespmem:v58+s12+$0x0], $0xffff  }
0x1b5: {  	v59 =	vor.u32 $0x200, v1;
	_ =	sdelay $0x3  }
0x1b6: {  	[tilespmem:$0x1A240] =	vst v2  }
0x1b7: {  	v2 =	vld.idx.msk [tilespmem:v59+s12+$0x0], $0xffff  }
0x1b8: {  	v60 =	vor.u32 $0x280, v1;
	_ =	sdelay $0x3  }
0x1b9: {  	[tilespmem:$0x1A2C0] =	vst v2  }
0x1ba: {  	v2 =	vld.idx.msk [tilespmem:v60+s12+$0x0], $0xffff  }
0x1bb: {  	v61 =	vor.u32 $0x300, v1;
	_ =	sdelay $0x3  }
0x1bc: {  	[tilespmem:$0x1A340] =	vst v2  }
0x1bd: {  	v2 =	vld.idx.msk [tilespmem:v61+s12+$0x0], $0xffff  }
0x1be: {  	v62 =	vor.u32 $0x380, v1;
	_ =	sdelay $0x3  }
0x1bf: {  	[tilespmem:$0x1A3C0] =	vst v2  }
0x1c0: {  	v2 =	vld.idx.msk [tilespmem:v62+s12+$0x0], $0xffff  }
0x1c1: {  	v63 =	vadd.s32 $0x6800, v1;
	_ =	sdelay $0x3  }
0x1c2: {  	[tilespmem:$0x1A440] =	vst v2  }
0x1c3: {  	v2 =	vld.idx.msk [tilespmem:v63+s12+$0x0], $0xffff  }
0x1c4: {  	v6 =	vadd.s32 $0x6880, v1;
	_ =	sdelay $0x3  }
0x1c5: {  	[tilespmem:$0x1A4C0] =	vst v2  }
0x1c6: {  	v2 =	vld.idx.msk [tilespmem:v6+s12+$0x0], $0xffff  }
0x1c7: {  	v7 =	vadd.s32 $0x6900, v1;
	_ =	sdelay $0x3  }
0x1c8: {  	[tilespmem:$0x1A540] =	vst v2  }
0x1c9: {  	v2 =	vld.idx.msk [tilespmem:v7+s12+$0x0], $0xffff  }
0x1ca: {  	v8 =	vadd.s32 $0x6980, v1;
	_ =	sdelay $0x3  }
0x1cb: {  	[tilespmem:$0x1A5C0] =	vst v2  }
0x1cc: {  	v2 =	vld.idx.msk [tilespmem:v8+s12+$0x0], $0xffff  }
0x1cd: {  	v9 =	vadd.s32 $0x6A00, v1;
	_ =	sdelay $0x3  }
0x1ce: {  	[tilespmem:$0x1A640] =	vst v2  }
0x1cf: {  	v2 =	vld.idx.msk [tilespmem:v9+s12+$0x0], $0xffff  }
0x1d0: {  	v10 =	vadd.s32 $0x6A80, v1;
	_ =	sdelay $0x3  }
0x1d1: {  	[tilespmem:$0x1A6C0] =	vst v2  }
0x1d2: {  	v2 =	vld.idx.msk [tilespmem:v10+s12+$0x0], $0xffff  }
0x1d3: {  	v11 =	vadd.s32 $0x6B00, v1;
	_ =	sdelay $0x3  }
0x1d4: {  	[tilespmem:$0x1A740] =	vst v2  }
0x1d5: {  	v2 =	vld.idx.msk [tilespmem:v11+s12+$0x0], $0xffff  }
0x1d6: {  	v12 =	vadd.s32 $0x6B80, v1;
	_ =	sdelay $0x3  }
0x1d7: {  	[tilespmem:$0x1A7C0] =	vst v2  }
0x1d8: {  	v2 =	vld.idx.msk [tilespmem:v12+s12+$0x0], $0xffff  }
0x1d9: {  	v13 =	vadd.s32 $0xD000, v1;
	_ =	sdelay $0x3  }
0x1da: {  	[tilespmem:$0x1A840] =	vst v2  }
0x1db: {  	v2 =	vld.idx.msk [tilespmem:v13+s12+$0x0], $0xffff  }
0x1dc: {  	v14 =	vadd.s32 $0xD080, v1;
	_ =	sdelay $0x3  }
0x1dd: {  	[tilespmem:$0x1A8C0] =	vst v2  }
0x1de: {  	v2 =	vld.idx.msk [tilespmem:v14+s12+$0x0], $0xffff  }
0x1df: {  	v15 =	vadd.s32 $0xD100, v1;
	_ =	sdelay $0x3  }
0x1e0: {  	[tilespmem:$0x1A940] =	vst v2  }
0x1e1: {  	v2 =	vld.idx.msk [tilespmem:v15+s12+$0x0], $0xffff  }
0x1e2: {  	v16 =	vadd.s32 $0xD180, v1;
	_ =	sdelay $0x3  }
0x1e3: {  	[tilespmem:$0x1A9C0] =	vst v2  }
0x1e4: {  	v2 =	vld.idx.msk [tilespmem:v16+s12+$0x0], $0xffff  }
0x1e5: {  	v17 =	vadd.s32 $0xD200, v1;
	_ =	sdelay $0x3  }
0x1e6: {  	[tilespmem:$0x1AA40] =	vst v2  }
0x1e7: {  	v2 =	vld.idx.msk [tilespmem:v17+s12+$0x0], $0xffff  }
0x1e8: {  	v18 =	vadd.s32 $0xD280, v1;
	_ =	sdelay $0x3  }
0x1e9: {  	[tilespmem:$0x1AAC0] =	vst v2  }
0x1ea: {  	v2 =	vld.idx.msk [tilespmem:v18+s12+$0x0], $0xffff  }
0x1eb: {  	v19 =	vadd.s32 $0xD300, v1;
	_ =	sdelay $0x3  }
0x1ec: {  	[tilespmem:$0x1AB40] =	vst v2  }
0x1ed: {  	v2 =	vld.idx.msk [tilespmem:v19+s12+$0x0], $0xffff  }
0x1ee: {  	v20 =	vadd.s32 $0xD380, v1;
	_ =	sdelay $0x3  }
0x1ef: {  	[tilespmem:$0x1ABC0] =	vst v2  }
0x1f0: {  	v2 =	vld.idx.msk [tilespmem:v20+s12+$0x0], $0xffff  }
0x1f1: {  	v21 =	vadd.s32 $0x13800, v1;
	_ =	sdelay $0x3  }
0x1f2: {  	[tilespmem:$0x1AC40] =	vst v2  }
0x1f3: {  	v2 =	vld.idx.msk [tilespmem:v21+s12+$0x0], $0xffff  }
0x1f4: {  	v22 =	vadd.s32 $0x13880, v1;
	_ =	sdelay $0x3  }
0x1f5: {  	[tilespmem:$0x1ACC0] =	vst v2  }
0x1f6: {  	v2 =	vld.idx.msk [tilespmem:v22+s12+$0x0], $0xffff  }
0x1f7: {  	v23 =	vadd.s32 $0x13900, v1;
	_ =	sdelay $0x3  }
0x1f8: {  	[tilespmem:$0x1AD40] =	vst v2  }
0x1f9: {  	v2 =	vld.idx.msk [tilespmem:v23+s12+$0x0], $0xffff  }
0x1fa: {  	v24 =	vadd.s32 $0x13980, v1;
	_ =	sdelay $0x3  }
0x1fb: {  	[tilespmem:$0x1ADC0] =	vst v2  }
0x1fc: {  	v2 =	vld.idx.msk [tilespmem:v24+s12+$0x0], $0xffff  }
0x1fd: {  	v25 =	vadd.s32 $0x13A00, v1;
	_ =	sdelay $0x3  }
0x1fe: {  	[tilespmem:$0x1AE40] =	vst v2  }
0x1ff: {  	v2 =	vld.idx.msk [tilespmem:v25+s12+$0x0], $0xffff  }
0x200: {  	v26 =	vadd.s32 $0x13A80, v1;
	_ =	sdelay $0x3  }
0x201: {  	[tilespmem:$0x1AEC0] =	vst v2  }
0x202: {  	v2 =	vld.idx.msk [tilespmem:v26+s12+$0x0], $0xffff  }
0x203: {  	v27 =	vadd.s32 $0x13B00, v1;
	_ =	sdelay $0x3  }
0x204: {  	v28 =	vld [tilespmem:$0x50];
	[tilespmem:$0x1AF40] =	vst v2  }
0x205: {  	v3 =	vld.idx.msk [tilespmem:v27+s12+$0x0], $0xffff  }
0x206: {  	v1 =	vadd.s32 $0x13B80, v1;
	_ =	sdelay $0x2  }
0x207: {  	v29 =	vsub.s32 v28, v0  }
0x208: {  	v30 =	vshll.u32 v29, $0x3;
	[tilespmem:$0x1AFC0] =	vst v3  }
0x209: {  	v2 =	vand.u32 $0x7F, v28;
	v3 =	vand.u32 $0xFFFFFC00, v30;
	v1 =	vld.idx.msk [tilespmem:v1+s12+$0x0], $0xffff  }
0x20a: {  	v2 =	vor.u32 v2, v3;
	_ =	sdelay $0x3  }
0x20b: {  	[tilespmem:$0x1B040] =	vst v1  }
0x20c: {  	v1 =	vld.idx.msk [tilespmem:v2+s12+$0x0], $0xffff  }
0x20d: {  	v3 =	vor.u32 $0x80, v2;
	_ =	sdelay $0x3  }
0x20e: {  	[tilespmem:$0x1A0D0] =	vst v1  }
0x20f: {  	v1 =	vld.idx.msk [tilespmem:v3+s12+$0x0], $0xffff  }
0x210: {  	v31 =	vor.u32 $0x100, v2;
	_ =	sdelay $0x3  }
0x211: {  	[tilespmem:$0x1A150] =	vst v1  }
0x212: {  	v1 =	vld.idx.msk [tilespmem:v31+s12+$0x0], $0xffff  }
0x213: {  	v32 =	vor.u32 $0x180, v2;
	_ =	sdelay $0x3  }
0x214: {  	[tilespmem:$0x1A1D0] =	vst v1  }
0x215: {  	v1 =	vld.idx.msk [tilespmem:v32+s12+$0x0], $0xffff  }
0x216: {  	v33 =	vor.u32 $0x200, v2;
	_ =	sdelay $0x3  }
0x217: {  	[tilespmem:$0x1A250] =	vst v1  }
0x218: {  	v1 =	vld.idx.msk [tilespmem:v33+s12+$0x0], $0xffff  }
0x219: {  	v34 =	vor.u32 $0x280, v2;
	_ =	sdelay $0x3  }
0x21a: {  	[tilespmem:$0x1A2D0] =	vst v1  }
0x21b: {  	v1 =	vld.idx.msk [tilespmem:v34+s12+$0x0], $0xffff  }
0x21c: {  	v35 =	vor.u32 $0x300, v2;
	_ =	sdelay $0x3  }
0x21d: {  	[tilespmem:$0x1A350] =	vst v1  }
0x21e: {  	v1 =	vld.idx.msk [tilespmem:v35+s12+$0x0], $0xffff  }
0x21f: {  	v36 =	vor.u32 $0x380, v2;
	_ =	sdelay $0x3  }
0x220: {  	[tilespmem:$0x1A3D0] =	vst v1  }
0x221: {  	v1 =	vld.idx.msk [tilespmem:v36+s12+$0x0], $0xffff  }
0x222: {  	v37 =	vadd.s32 $0x6800, v2;
	_ =	sdelay $0x3  }
0x223: {  	[tilespmem:$0x1A450] =	vst v1  }
0x224: {  	v1 =	vld.idx.msk [tilespmem:v37+s12+$0x0], $0xffff  }
0x225: {  	v38 =	vadd.s32 $0x6880, v2;
	_ =	sdelay $0x3  }
0x226: {  	[tilespmem:$0x1A4D0] =	vst v1  }
0x227: {  	v1 =	vld.idx.msk [tilespmem:v38+s12+$0x0], $0xffff  }
0x228: {  	v39 =	vadd.s32 $0x6900, v2;
	_ =	sdelay $0x3  }
0x229: {  	[tilespmem:$0x1A550] =	vst v1  }
0x22a: {  	v1 =	vld.idx.msk [tilespmem:v39+s12+$0x0], $0xffff  }
0x22b: {  	v40 =	vadd.s32 $0x6980, v2;
	_ =	sdelay $0x3  }
0x22c: {  	[tilespmem:$0x1A5D0] =	vst v1  }
0x22d: {  	v1 =	vld.idx.msk [tilespmem:v40+s12+$0x0], $0xffff  }
0x22e: {  	v41 =	vadd.s32 $0x6A00, v2;
	_ =	sdelay $0x3  }
0x22f: {  	[tilespmem:$0x1A650] =	vst v1  }
0x230: {  	v1 =	vld.idx.msk [tilespmem:v41+s12+$0x0], $0xffff  }
0x231: {  	v42 =	vadd.s32 $0x6A80, v2;
	_ =	sdelay $0x3  }
0x232: {  	[tilespmem:$0x1A6D0] =	vst v1  }
0x233: {  	v1 =	vld.idx.msk [tilespmem:v42+s12+$0x0], $0xffff  }
0x234: {  	v43 =	vadd.s32 $0x6B00, v2;
	_ =	sdelay $0x3  }
0x235: {  	[tilespmem:$0x1A750] =	vst v1  }
0x236: {  	v1 =	vld.idx.msk [tilespmem:v43+s12+$0x0], $0xffff  }
0x237: {  	v44 =	vadd.s32 $0x6B80, v2;
	_ =	sdelay $0x3  }
0x238: {  	[tilespmem:$0x1A7D0] =	vst v1  }
0x239: {  	v1 =	vld.idx.msk [tilespmem:v44+s12+$0x0], $0xffff  }
0x23a: {  	v45 =	vadd.s32 $0xD000, v2;
	_ =	sdelay $0x3  }
0x23b: {  	[tilespmem:$0x1A850] =	vst v1  }
0x23c: {  	v1 =	vld.idx.msk [tilespmem:v45+s12+$0x0], $0xffff  }
0x23d: {  	v46 =	vadd.s32 $0xD080, v2;
	_ =	sdelay $0x3  }
0x23e: {  	[tilespmem:$0x1A8D0] =	vst v1  }
0x23f: {  	v1 =	vld.idx.msk [tilespmem:v46+s12+$0x0], $0xffff  }
0x240: {  	v47 =	vadd.s32 $0xD100, v2;
	_ =	sdelay $0x3  }
0x241: {  	[tilespmem:$0x1A950] =	vst v1  }
0x242: {  	v1 =	vld.idx.msk [tilespmem:v47+s12+$0x0], $0xffff  }
0x243: {  	v48 =	vadd.s32 $0xD180, v2;
	_ =	sdelay $0x3  }
0x244: {  	[tilespmem:$0x1A9D0] =	vst v1  }
0x245: {  	v1 =	vld.idx.msk [tilespmem:v48+s12+$0x0], $0xffff  }
0x246: {  	v49 =	vadd.s32 $0xD200, v2;
	_ =	sdelay $0x3  }
0x247: {  	[tilespmem:$0x1AA50] =	vst v1  }
0x248: {  	v1 =	vld.idx.msk [tilespmem:v49+s12+$0x0], $0xffff  }
0x249: {  	v50 =	vadd.s32 $0xD280, v2;
	_ =	sdelay $0x3  }
0x24a: {  	[tilespmem:$0x1AAD0] =	vst v1  }
0x24b: {  	v1 =	vld.idx.msk [tilespmem:v50+s12+$0x0], $0xffff  }
0x24c: {  	v51 =	vadd.s32 $0xD300, v2;
	_ =	sdelay $0x3  }
0x24d: {  	[tilespmem:$0x1AB50] =	vst v1  }
0x24e: {  	v1 =	vld.idx.msk [tilespmem:v51+s12+$0x0], $0xffff  }
0x24f: {  	v52 =	vadd.s32 $0xD380, v2;
	_ =	sdelay $0x3  }
0x250: {  	[tilespmem:$0x1ABD0] =	vst v1  }
0x251: {  	v1 =	vld.idx.msk [tilespmem:v52+s12+$0x0], $0xffff  }
0x252: {  	v53 =	vadd.s32 $0x13800, v2;
	_ =	sdelay $0x3  }
0x253: {  	[tilespmem:$0x1AC50] =	vst v1  }
0x254: {  	v1 =	vld.idx.msk [tilespmem:v53+s12+$0x0], $0xffff  }
0x255: {  	v54 =	vadd.s32 $0x13880, v2;
	_ =	sdelay $0x3  }
0x256: {  	[tilespmem:$0x1ACD0] =	vst v1  }
0x257: {  	v1 =	vld.idx.msk [tilespmem:v54+s12+$0x0], $0xffff  }
0x258: {  	v55 =	vadd.s32 $0x13900, v2;
	_ =	sdelay $0x3  }
0x259: {  	[tilespmem:$0x1AD50] =	vst v1  }
0x25a: {  	v1 =	vld.idx.msk [tilespmem:v55+s12+$0x0], $0xffff  }
0x25b: {  	v56 =	vadd.s32 $0x13980, v2;
	_ =	sdelay $0x3  }
0x25c: {  	[tilespmem:$0x1ADD0] =	vst v1  }
0x25d: {  	v1 =	vld.idx.msk [tilespmem:v56+s12+$0x0], $0xffff  }
0x25e: {  	v57 =	vadd.s32 $0x13A00, v2;
	_ =	sdelay $0x3  }
0x25f: {  	[tilespmem:$0x1AE50] =	vst v1  }
0x260: {  	v1 =	vld.idx.msk [tilespmem:v57+s12+$0x0], $0xffff  }
0x261: {  	v58 =	vadd.s32 $0x13A80, v2;
	_ =	sdelay $0x3  }
0x262: {  	[tilespmem:$0x1AED0] =	vst v1  }
0x263: {  	v1 =	vld.idx.msk [tilespmem:v58+s12+$0x0], $0xffff  }
0x264: {  	v59 =	vadd.s32 $0x13B00, v2;
	_ =	sdelay $0x3  }
0x265: {  	v60 =	vld [tilespmem:$0x60];
	[tilespmem:$0x1AF50] =	vst v1  }
0x266: {  	v3 =	vld.idx.msk [tilespmem:v59+s12+$0x0], $0xffff  }
0x267: {  	v2 =	vadd.s32 $0x13B80, v2;
	_ =	sdelay $0x2  }
0x268: {  	v61 =	vsub.s32 v60, v0  }
0x269: {  	v62 =	vshll.u32 v61, $0x3;
	[tilespmem:$0x1AFD0] =	vst v3  }
0x26a: {  	v1 =	vand.u32 $0x7F, v60;
	v3 =	vand.u32 $0xFFFFFC00, v62;
	v2 =	vld.idx.msk [tilespmem:v2+s12+$0x0], $0xffff  }
0x26b: {  	v1 =	vor.u32 v1, v3;
	_ =	sdelay $0x3  }
0x26c: {  	[tilespmem:$0x1B050] =	vst v2  }
0x26d: {  	v2 =	vld.idx.msk [tilespmem:v1+s12+$0x0], $0xffff  }
0x26e: {  	v3 =	vor.u32 $0x80, v1;
	_ =	sdelay $0x3  }
0x26f: {  	[tilespmem:$0x1A0E0] =	vst v2  }
0x270: {  	v2 =	vld.idx.msk [tilespmem:v3+s12+$0x0], $0xffff  }
0x271: {  	v63 =	vor.u32 $0x100, v1;
	_ =	sdelay $0x3  }
0x272: {  	[tilespmem:$0x1A160] =	vst v2  }
0x273: {  	v2 =	vld.idx.msk [tilespmem:v63+s12+$0x0], $0xffff  }
0x274: {  	v6 =	vor.u32 $0x180, v1;
	_ =	sdelay $0x3  }
0x275: {  	[tilespmem:$0x1A1E0] =	vst v2  }
0x276: {  	v2 =	vld.idx.msk [tilespmem:v6+s12+$0x0], $0xffff  }
0x277: {  	v7 =	vor.u32 $0x200, v1;
	_ =	sdelay $0x3  }
0x278: {  	[tilespmem:$0x1A260] =	vst v2  }
0x279: {  	v2 =	vld.idx.msk [tilespmem:v7+s12+$0x0], $0xffff  }
0x27a: {  	v8 =	vor.u32 $0x280, v1;
	_ =	sdelay $0x3  }
0x27b: {  	[tilespmem:$0x1A2E0] =	vst v2  }
0x27c: {  	v2 =	vld.idx.msk [tilespmem:v8+s12+$0x0], $0xffff  }
0x27d: {  	v9 =	vor.u32 $0x300, v1;
	_ =	sdelay $0x3  }
0x27e: {  	[tilespmem:$0x1A360] =	vst v2  }
0x27f: {  	v2 =	vld.idx.msk [tilespmem:v9+s12+$0x0], $0xffff  }
0x280: {  	v10 =	vor.u32 $0x380, v1;
	_ =	sdelay $0x3  }
0x281: {  	[tilespmem:$0x1A3E0] =	vst v2  }
0x282: {  	v2 =	vld.idx.msk [tilespmem:v10+s12+$0x0], $0xffff  }
0x283: {  	v11 =	vadd.s32 $0x6800, v1;
	_ =	sdelay $0x3  }
0x284: {  	[tilespmem:$0x1A460] =	vst v2  }
0x285: {  	v2 =	vld.idx.msk [tilespmem:v11+s12+$0x0], $0xffff  }
0x286: {  	v12 =	vadd.s32 $0x6880, v1;
	_ =	sdelay $0x3  }
0x287: {  	[tilespmem:$0x1A4E0] =	vst v2  }
0x288: {  	v2 =	vld.idx.msk [tilespmem:v12+s12+$0x0], $0xffff  }
0x289: {  	v13 =	vadd.s32 $0x6900, v1;
	_ =	sdelay $0x3  }
0x28a: {  	[tilespmem:$0x1A560] =	vst v2  }
0x28b: {  	v2 =	vld.idx.msk [tilespmem:v13+s12+$0x0], $0xffff  }
0x28c: {  	v14 =	vadd.s32 $0x6980, v1;
	_ =	sdelay $0x3  }
0x28d: {  	[tilespmem:$0x1A5E0] =	vst v2  }
0x28e: {  	v2 =	vld.idx.msk [tilespmem:v14+s12+$0x0], $0xffff  }
0x28f: {  	v15 =	vadd.s32 $0x6A00, v1;
	_ =	sdelay $0x3  }
0x290: {  	[tilespmem:$0x1A660] =	vst v2  }
0x291: {  	v2 =	vld.idx.msk [tilespmem:v15+s12+$0x0], $0xffff  }
0x292: {  	v16 =	vadd.s32 $0x6A80, v1;
	_ =	sdelay $0x3  }
0x293: {  	[tilespmem:$0x1A6E0] =	vst v2  }
0x294: {  	v2 =	vld.idx.msk [tilespmem:v16+s12+$0x0], $0xffff  }
0x295: {  	v17 =	vadd.s32 $0x6B00, v1;
	_ =	sdelay $0x3  }
0x296: {  	[tilespmem:$0x1A760] =	vst v2  }
0x297: {  	v2 =	vld.idx.msk [tilespmem:v17+s12+$0x0], $0xffff  }
0x298: {  	v18 =	vadd.s32 $0x6B80, v1;
	_ =	sdelay $0x3  }
0x299: {  	[tilespmem:$0x1A7E0] =	vst v2  }
0x29a: {  	v2 =	vld.idx.msk [tilespmem:v18+s12+$0x0], $0xffff  }
0x29b: {  	v19 =	vadd.s32 $0xD000, v1;
	_ =	sdelay $0x3  }
0x29c: {  	[tilespmem:$0x1A860] =	vst v2  }
0x29d: {  	v2 =	vld.idx.msk [tilespmem:v19+s12+$0x0], $0xffff  }
0x29e: {  	v20 =	vadd.s32 $0xD080, v1;
	_ =	sdelay $0x3  }
0x29f: {  	[tilespmem:$0x1A8E0] =	vst v2  }
0x2a0: {  	v2 =	vld.idx.msk [tilespmem:v20+s12+$0x0], $0xffff  }
0x2a1: {  	v21 =	vadd.s32 $0xD100, v1;
	_ =	sdelay $0x3  }
0x2a2: {  	[tilespmem:$0x1A960] =	vst v2  }
0x2a3: {  	v2 =	vld.idx.msk [tilespmem:v21+s12+$0x0], $0xffff  }
0x2a4: {  	v22 =	vadd.s32 $0xD180, v1;
	_ =	sdelay $0x3  }
0x2a5: {  	[tilespmem:$0x1A9E0] =	vst v2  }
0x2a6: {  	v2 =	vld.idx.msk [tilespmem:v22+s12+$0x0], $0xffff  }
0x2a7: {  	v23 =	vadd.s32 $0xD200, v1;
	_ =	sdelay $0x3  }
0x2a8: {  	[tilespmem:$0x1AA60] =	vst v2  }
0x2a9: {  	v2 =	vld.idx.msk [tilespmem:v23+s12+$0x0], $0xffff  }
0x2aa: {  	v24 =	vadd.s32 $0xD280, v1;
	_ =	sdelay $0x3  }
0x2ab: {  	[tilespmem:$0x1AAE0] =	vst v2  }
0x2ac: {  	v2 =	vld.idx.msk [tilespmem:v24+s12+$0x0], $0xffff  }
0x2ad: {  	v25 =	vadd.s32 $0xD300, v1;
	_ =	sdelay $0x3  }
0x2ae: {  	[tilespmem:$0x1AB60] =	vst v2  }
0x2af: {  	v2 =	vld.idx.msk [tilespmem:v25+s12+$0x0], $0xffff  }
0x2b0: {  	v26 =	vadd.s32 $0xD380, v1;
	_ =	sdelay $0x3  }
0x2b1: {  	[tilespmem:$0x1ABE0] =	vst v2  }
0x2b2: {  	v2 =	vld.idx.msk [tilespmem:v26+s12+$0x0], $0xffff  }
0x2b3: {  	v27 =	vadd.s32 $0x13800, v1;
	_ =	sdelay $0x3  }
0x2b4: {  	[tilespmem:$0x1AC60] =	vst v2  }
0x2b5: {  	v2 =	vld.idx.msk [tilespmem:v27+s12+$0x0], $0xffff  }
0x2b6: {  	v28 =	vadd.s32 $0x13880, v1;
	_ =	sdelay $0x3  }
0x2b7: {  	[tilespmem:$0x1ACE0] =	vst v2  }
0x2b8: {  	v2 =	vld.idx.msk [tilespmem:v28+s12+$0x0], $0xffff  }
0x2b9: {  	v29 =	vadd.s32 $0x13900, v1;
	_ =	sdelay $0x3  }
0x2ba: {  	[tilespmem:$0x1AD60] =	vst v2  }
0x2bb: {  	v2 =	vld.idx.msk [tilespmem:v29+s12+$0x0], $0xffff  }
0x2bc: {  	v30 =	vadd.s32 $0x13980, v1;
	_ =	sdelay $0x3  }
0x2bd: {  	[tilespmem:$0x1ADE0] =	vst v2  }
0x2be: {  	v2 =	vld.idx.msk [tilespmem:v30+s12+$0x0], $0xffff  }
0x2bf: {  	v31 =	vadd.s32 $0x13A00, v1;
	_ =	sdelay $0x3  }
0x2c0: {  	[tilespmem:$0x1AE60] =	vst v2  }
0x2c1: {  	v2 =	vld.idx.msk [tilespmem:v31+s12+$0x0], $0xffff  }
0x2c2: {  	v32 =	vadd.s32 $0x13A80, v1;
	_ =	sdelay $0x3  }
0x2c3: {  	[tilespmem:$0x1AEE0] =	vst v2  }
0x2c4: {  	v2 =	vld.idx.msk [tilespmem:v32+s12+$0x0], $0xffff  }
0x2c5: {  	v33 =	vadd.s32 $0x13B00, v1;
	_ =	sdelay $0x3  }
0x2c6: {  	v34 =	vld [tilespmem:$0x70];
	[tilespmem:$0x1AF60] =	vst v2  }
0x2c7: {  	v3 =	vld.idx.msk [tilespmem:v33+s12+$0x0], $0xffff  }
0x2c8: {  	v1 =	vadd.s32 $0x13B80, v1;
	_ =	sdelay $0x2  }
0x2c9: {  	v0 =	vsub.s32 v34, v0  }
0x2ca: {  	v0 =	vshll.u32 v0, $0x3;
	[tilespmem:$0x1AFE0] =	vst v3  }
0x2cb: {  	v0 =	vand.u32 $0xFFFFFC00, v0;
	v2 =	vand.u32 $0x7F, v34;
	v1 =	vld.idx.msk [tilespmem:v1+s12+$0x0], $0xffff  }
0x2cc: {  	v0 =	vor.u32 v2, v0;
	_ =	sdelay $0x3  }
0x2cd: {  	[tilespmem:$0x1B060] =	vst v1  }
0x2ce: {  	v1 =	vld.idx.msk [tilespmem:v0+s12+$0x0], $0xffff  }
0x2cf: {  	v2 =	vor.u32 $0x80, v0;
	_ =	sdelay $0x3  }
0x2d0: {  	[tilespmem:$0x1A0F0] =	vst v1  }
0x2d1: {  	v1 =	vld.idx.msk [tilespmem:v2+s12+$0x0], $0xffff  }
0x2d2: {  	v35 =	vor.u32 $0x100, v0;
	_ =	sdelay $0x3  }
0x2d3: {  	[tilespmem:$0x1A170] =	vst v1  }
0x2d4: {  	v1 =	vld.idx.msk [tilespmem:v35+s12+$0x0], $0xffff  }
0x2d5: {  	v36 =	vor.u32 $0x180, v0;
	_ =	sdelay $0x3  }
0x2d6: {  	[tilespmem:$0x1A1F0] =	vst v1  }
0x2d7: {  	v1 =	vld.idx.msk [tilespmem:v36+s12+$0x0], $0xffff  }
0x2d8: {  	v37 =	vor.u32 $0x200, v0;
	_ =	sdelay $0x3  }
0x2d9: {  	[tilespmem:$0x1A270] =	vst v1  }
0x2da: {  	v1 =	vld.idx.msk [tilespmem:v37+s12+$0x0], $0xffff  }
0x2db: {  	v38 =	vor.u32 $0x280, v0;
	_ =	sdelay $0x3  }
0x2dc: {  	[tilespmem:$0x1A2F0] =	vst v1  }
0x2dd: {  	v1 =	vld.idx.msk [tilespmem:v38+s12+$0x0], $0xffff  }
0x2de: {  	v39 =	vor.u32 $0x300, v0;
	_ =	sdelay $0x3  }
0x2df: {  	[tilespmem:$0x1A370] =	vst v1  }
0x2e0: {  	v1 =	vld.idx.msk [tilespmem:v39+s12+$0x0], $0xffff  }
0x2e1: {  	v40 =	vor.u32 $0x380, v0;
	_ =	sdelay $0x3  }
0x2e2: {  	[tilespmem:$0x1A3F0] =	vst v1  }
0x2e3: {  	v1 =	vld.idx.msk [tilespmem:v40+s12+$0x0], $0xffff  }
0x2e4: {  	v41 =	vadd.s32 $0x6800, v0;
	_ =	sdelay $0x3  }
0x2e5: {  	[tilespmem:$0x1A470] =	vst v1  }
0x2e6: {  	v1 =	vld.idx.msk [tilespmem:v41+s12+$0x0], $0xffff  }
0x2e7: {  	v42 =	vadd.s32 $0x6880, v0;
	_ =	sdelay $0x3  }
0x2e8: {  	[tilespmem:$0x1A4F0] =	vst v1  }
0x2e9: {  	v1 =	vld.idx.msk [tilespmem:v42+s12+$0x0], $0xffff  }
0x2ea: {  	v43 =	vadd.s32 $0x6900, v0;
	_ =	sdelay $0x3  }
0x2eb: {  	[tilespmem:$0x1A570] =	vst v1  }
0x2ec: {  	v1 =	vld.idx.msk [tilespmem:v43+s12+$0x0], $0xffff  }
0x2ed: {  	v44 =	vadd.s32 $0x6980, v0;
	_ =	sdelay $0x3  }
0x2ee: {  	[tilespmem:$0x1A5F0] =	vst v1  }
0x2ef: {  	v1 =	vld.idx.msk [tilespmem:v44+s12+$0x0], $0xffff  }
0x2f0: {  	v45 =	vadd.s32 $0x6A00, v0;
	_ =	sdelay $0x3  }
0x2f1: {  	[tilespmem:$0x1A670] =	vst v1  }
0x2f2: {  	v1 =	vld.idx.msk [tilespmem:v45+s12+$0x0], $0xffff  }
0x2f3: {  	v46 =	vadd.s32 $0x6A80, v0;
	_ =	sdelay $0x3  }
0x2f4: {  	[tilespmem:$0x1A6F0] =	vst v1  }
0x2f5: {  	v1 =	vld.idx.msk [tilespmem:v46+s12+$0x0], $0xffff  }
0x2f6: {  	v47 =	vadd.s32 $0x6B00, v0;
	_ =	sdelay $0x3  }
0x2f7: {  	[tilespmem:$0x1A770] =	vst v1  }
0x2f8: {  	v1 =	vld.idx.msk [tilespmem:v47+s12+$0x0], $0xffff  }
0x2f9: {  	v48 =	vadd.s32 $0x6B80, v0;
	_ =	sdelay $0x3  }
0x2fa: {  	[tilespmem:$0x1A7F0] =	vst v1  }
0x2fb: {  	v1 =	vld.idx.msk [tilespmem:v48+s12+$0x0], $0xffff  }
0x2fc: {  	v49 =	vadd.s32 $0xD000, v0;
	_ =	sdelay $0x3  }
0x2fd: {  	[tilespmem:$0x1A870] =	vst v1  }
0x2fe: {  	v1 =	vld.idx.msk [tilespmem:v49+s12+$0x0], $0xffff  }
0x2ff: {  	v50 =	vadd.s32 $0xD080, v0;
	_ =	sdelay $0x3  }
0x300: {  	[tilespmem:$0x1A8F0] =	vst v1  }
0x301: {  	v1 =	vld.idx.msk [tilespmem:v50+s12+$0x0], $0xffff  }
0x302: {  	v51 =	vadd.s32 $0xD100, v0;
	_ =	sdelay $0x3  }
0x303: {  	[tilespmem:$0x1A970] =	vst v1  }
0x304: {  	v1 =	vld.idx.msk [tilespmem:v51+s12+$0x0], $0xffff  }
0x305: {  	v52 =	vadd.s32 $0xD180, v0;
	_ =	sdelay $0x3  }
0x306: {  	[tilespmem:$0x1A9F0] =	vst v1  }
0x307: {  	v1 =	vld.idx.msk [tilespmem:v52+s12+$0x0], $0xffff  }
0x308: {  	v53 =	vadd.s32 $0xD200, v0;
	_ =	sdelay $0x3  }
0x309: {  	[tilespmem:$0x1AA70] =	vst v1  }
0x30a: {  	v1 =	vld.idx.msk [tilespmem:v53+s12+$0x0], $0xffff  }
0x30b: {  	v54 =	vadd.s32 $0xD280, v0;
	_ =	sdelay $0x3  }
0x30c: {  	[tilespmem:$0x1AAF0] =	vst v1  }
0x30d: {  	v1 =	vld.idx.msk [tilespmem:v54+s12+$0x0], $0xffff  }
0x30e: {  	v55 =	vadd.s32 $0xD300, v0;
	_ =	sdelay $0x3  }
0x30f: {  	[tilespmem:$0x1AB70] =	vst v1  }
0x310: {  	v1 =	vld.idx.msk [tilespmem:v55+s12+$0x0], $0xffff  }
0x311: {  	v56 =	vadd.s32 $0xD380, v0;
	_ =	sdelay $0x3  }
0x312: {  	[tilespmem:$0x1ABF0] =	vst v1  }
0x313: {  	v1 =	vld.idx.msk [tilespmem:v56+s12+$0x0], $0xffff  }
0x314: {  	v57 =	vadd.s32 $0x13800, v0;
	_ =	sdelay $0x3  }
0x315: {  	[tilespmem:$0x1AC70] =	vst v1  }
0x316: {  	v1 =	vld.idx.msk [tilespmem:v57+s12+$0x0], $0xffff  }
0x317: {  	v58 =	vadd.s32 $0x13880, v0;
	_ =	sdelay $0x3  }
0x318: {  	[tilespmem:$0x1ACF0] =	vst v1  }
0x319: {  	v1 =	vld.idx.msk [tilespmem:v58+s12+$0x0], $0xffff  }
0x31a: {  	v59 =	vadd.s32 $0x13900, v0;
	_ =	sdelay $0x3  }
0x31b: {  	[tilespmem:$0x1AD70] =	vst v1  }
0x31c: {  	v1 =	vld.idx.msk [tilespmem:v59+s12+$0x0], $0xffff  }
0x31d: {  	v60 =	vadd.s32 $0x13980, v0;
	_ =	sdelay $0x3  }
0x31e: {  	[tilespmem:$0x1ADF0] =	vst v1  }
0x31f: {  	v1 =	vld.idx.msk [tilespmem:v60+s12+$0x0], $0xffff  }
0x320: {  	v61 =	vadd.s32 $0x13A00, v0;
	_ =	sdelay $0x3  }
0x321: {  	[tilespmem:$0x1AE70] =	vst v1  }
0x322: {  	v1 =	vld.idx.msk [tilespmem:v61+s12+$0x0], $0xffff  }
0x323: {  	v62 =	vadd.s32 $0x13A80, v0;
	_ =	sdelay $0x3  }
0x324: {  	[tilespmem:$0x1AEF0] =	vst v1  }
0x325: {  	v1 =	vld.idx.msk [tilespmem:v62+s12+$0x0], $0xffff  }
0x326: {  	v63 =	vadd.s32 $0x13B00, v0;
	_ =	sdelay $0x3  }
0x327: {  	[tilespmem:$0x1AF70] =	vst v1  }
0x328: {  	v1 =	vld.idx.msk [tilespmem:v63+s12+$0x0], $0xffff  }
0x329: {  	v0 =	vadd.s32 $0x13B80, v0;
	_ =	sdelay $0x3  }
0x32a: {  	[tilespmem:$0x1AFF0] =	vst v1  }
0x32b: {  	v0 =	vld.idx.msk [tilespmem:v0+s12+$0x0], $0xffff;
	_ =	sdelay $0x1  }
0x32c: {  	s17 =	sshll.u32 s17, $0xA  }
0x32d: {  	s17 =	sadd.s32 s7, s17  }
0x32e: {  	s17 =	sshrl.u32 s17, $0x3;
	p1 =	por p0, p0  }
.Ltmp0:
0x32f: {  	s17 =	sadd.s32 s2, s17;
	[tilespmem:$0x1B070] =	vst v0;
	(pc) =	sbr.rel @p1 .LBB2_2-.Ltmp0, $4  }
0x330: {  	[hbm4b:s17+s13] =	stream.strided.scatter [tilespmem:s15], [sflag:$0x2], $0x1000, s14, s13, $0x38;
	[tilespmem:$0x1B080] =	vst v63  }
0x331: {  	_ =	swait.ge [sflag:s9], $0x1000  }
0x332: {  	[sflag:s9] =	ssyncset.done $0x0  }
0x333: {  	p0 =	por $0x0, $0x0;
	[sflag:s9] =	ssyncadd.s32 $0xFFFFF000  }
0x334: {  	s16 =	sadd.s32 $0x1, s16  }
0x335: {  	p0 =	sne.s32 s16, s8  }
.Ltmp1:
0x336: {  	_ = 	snop;
	(pc) =	sbr.rel @p0 .LBB2_1-.Ltmp1, $1  }
0x337: {  	_ =	sdelay $0x3  }
0x338: {  	_ =	sfence.sel $0x180000  }
0x339: {  	[bflag:$0x0] =	sbarrier.arrive $0xFFFF  }
0x33a: {  	p0 =	sne.s32 s0, $0x0;
	_ =	strace $0x90000047  }
0x33b: {  	s0 =	sadd.s32 @!p0 $0x100000, s1;
	[bflag:$0x2] =	sbarrier.arrive $0xFFFF  }
0x33c: {  	[sflag:s0] =	ssyncadd.tile.s32 @!p0 $0x1;
	_ =	shalt  }
.Lfunc_end2:
_tile_overlayer_lowered:
.L_overlay_start_2:
0x33d: {  	(tag) =	ssettag $0x2  }
0x33e: {  	s0 =	rddreg [dreg:$0x0];
	s2 =	stileid.u32  }
0x33f: {  	s1 =	rddreg [dreg:$0x1];
	p0 =	sne.s32 s2, $0x0  }
0x340: {  	s3 =	rddreg [dreg:$0x2];
	[bflag:$0x3] =	sbarrier.arrive $0xFFFF;
	s2 =	simm.s32 @!p0 $0x1C02  }
0x341: {  	[timem:s3], [sflag:s2] =	dma.local @!p0 [hbm:s0], s1  }
0x342: {  	s0 =	simm.s32 @!p0 $0x2  }
0x343: {  	_ =	swait.ge @!p0 [sflag:s0], s1  }
0x344: {  	s1 =	ssub.s32 @!p0 $0x0, s1;
	[sflag:s0] =	ssyncset.done @!p0 $0x0  }
0x345: {  	[sflag:s0] =	ssyncadd.s32 @!p0 s1  }
0x346: {  	[bflag:$0x3] =	sbarrier.arrive $0xFFFF  }
0x347: {  	_ =	shalt  }

</sc_bundles>
